<compile_context>
chip_gen: v7x
topology: tpu7x:2x2x1
jax: 0.10.2.dev20260603
libtpu: 0.0.44.dev20260713+nightly
codegen_flags: <defaults>
</compile_context>

<pallas_src>
import functools

import jax
import jax.numpy as jnp
from jax import lax
from jax.experimental import pallas as pl
from jax.experimental.pallas import tpu as pltpu
from jax.experimental.pallas import tpu_sc as plsc


def _partner(x, s):
    f = x.shape[-1]
    lanes = lax.broadcasted_iota(jnp.int32, (1, f), 1)
    bit_clear = (lanes & s) == 0
    fwd = pltpu.roll(x, f - s, 1)
    bwd = pltpu.roll(x, s, 1)
    return jnp.where(bit_clear, fwd, bwd)


def _sort_desc_rows(key, idx):
    f = key.shape[-1]
    lanes = lax.broadcasted_iota(jnp.int32, (1, f), 1)
    k = 2
    while k <= f:
        s = k // 2
        while s >= 1:
            pk = _partner(key, s)
            m = ((lanes & s) == 0) ^ ((lanes & k) == 0)
            if idx is not None:
                pi = _partner(idx, s)
                mine_first = (key > pk) | ((key == pk) & (idx < pi))
                take = mine_first ^ jnp.logical_not(m)
                key = jnp.where(take, pk, key)
                idx = jnp.where(take, pi, idx)
            else:
                key = jnp.where(m, jnp.minimum(key, pk),
                                jnp.maximum(key, pk))
            s //= 2
        k *= 2
    return key, idx



def _score_sort_body(x_ref, t_ref, w_ref, idx_ref, ws_ref, wt_ref, num_ref,
                     xsum_ref, *, n_out):
    step = pl.program_id(0)
    nsteps = pl.num_programs(0)

    @pl.when(step == 0)
    def _init():
        num_ref[...] = jnp.zeros_like(num_ref)
        xsum_ref[...] = jnp.zeros_like(xsum_ref)

    xb = x_ref[...]
    xsum_ref[...] += xb.sum(axis=0, keepdims=True)
    for o in range(n_out):
        tcol = t_ref[:, o:o + 1]
        contrib = jnp.maximum(xb - tcol, 0.0).sum(axis=0, keepdims=True)
        num_ref[o:o + 1, :] += contrib

    @pl.when(step == nsteps - 1)
    def _finish():
        xs = xsum_ref[...]
        score = jnp.where(xs == 0.0, 0.0, num_ref[...] / xs)
        wt = w_ref[...].T
        wt_ref[...] = wt
        f = score.shape[-1]
        idx_bits = (f - 1).bit_length()
        qmax = 2 ** (31 - idx_bits) - 1
        iota = lax.broadcasted_iota(jnp.int32, score.shape, 1)
        q = jnp.minimum((score * float(qmax + 1)).astype(jnp.int32), qmax)
        key = q * f + (f - 1 - iota)
        stacked = jnp.concatenate(
            [key, lax.bitcast_convert_type(wt, jnp.int32)], axis=0)
        sorted_all, _ = _sort_desc_rows(stacked, None)
        idx_ref[...] = f - 1 - (sorted_all[:n_out] & (f - 1))
        ws_ref[...] = lax.bitcast_convert_type(sorted_all[n_out:],
                                               jnp.float32)


def _score_and_sort(x, t, w):
    b, f = x.shape
    n_out = t.shape[1]
    bc = 128
    return pl.pallas_call(
        functools.partial(_score_sort_body, n_out=n_out),
        grid=(b // bc,),
        in_specs=[
            pl.BlockSpec((bc, f), lambda i: (i, 0)),
            pl.BlockSpec((bc, n_out), lambda i: (i, 0)),
            pl.BlockSpec((f, n_out), lambda i: (0, 0)),
        ],
        out_specs=[
            pl.BlockSpec((n_out, f), lambda i: (0, 0)),
            pl.BlockSpec((n_out, f), lambda i: (0, 0)),
            pl.BlockSpec((n_out, f), lambda i: (0, 0)),
        ],
        out_shape=[
            jax.ShapeDtypeStruct((n_out, f), jnp.int32),
            jax.ShapeDtypeStruct((n_out, f), jnp.float32),
            jax.ShapeDtypeStruct((n_out, f), jnp.float32),
        ],
        scratch_shapes=[
            pltpu.VMEM((n_out, f), jnp.float32),
            pltpu.VMEM((1, f), jnp.float32),
        ],
    )(x, t, w)



def _make_sc_pairing(n_out, f):
    info = plsc.get_sparse_core_info()
    nc, ns, lanes = info.num_cores, info.num_subcores, info.num_lanes
    assert n_out == nc * ns and f % lanes == 0

    mesh = plsc.VectorSubcoreMesh(core_axis_name="c", subcore_axis_name="s")

    @functools.partial(
        pl.kernel,
        out_type=jax.ShapeDtypeStruct((n_out, lanes), jnp.float32),
        mesh=mesh,
        compiler_params=pltpu.CompilerParams(needs_layout_passes=False),
        scratch_types=[
            pltpu.VMEM((f,), jnp.float32),
            pltpu.VMEM((f,), jnp.int32),
            pltpu.VMEM((f,), jnp.float32),
            pltpu.VMEM((lanes,), jnp.float32),
        ],
    )
    def sc_pair(w_hbm, idx_hbm, ws_hbm, out_hbm, w_v, idx_v, ws_v, acc_v):
        wid = lax.axis_index("s") * nc + lax.axis_index("c")
        pltpu.sync_copy(w_hbm.at[wid], w_v)
        pltpu.sync_copy(idx_hbm.at[wid], idx_v)
        pltpu.sync_copy(ws_hbm.at[wid], ws_v)

        def red(i, acc):
            sl = pl.ds(i * lanes, lanes)
            tv = plsc.load_gather(w_v, [idx_v[sl]])
            d = ws_v[sl] - tv
            return acc + d * d

        acc = lax.fori_loop(0, f // lanes, red,
                            jnp.zeros((lanes,), jnp.float32))
        acc_v[...] = acc
        pltpu.sync_copy(acc_v, out_hbm.at[wid])

    return sc_pair




def kernel(x, y, t, w, base_w):
    del y, base_w
    f, n_out = w.shape

    idx_t, ws_t, w_t = _score_and_sort(x, t, w)
    partial = _make_sc_pairing(n_out, f)(w_t, idx_t, ws_t)
    return partial.sum() / (f * n_out)

# --- scband reference (transcript-rebuilt; emitter-appended) ---
"""Pipeline reference for scband-min-max-sorted-predictor-loss-65721589564136 (READ-ONLY COPY).

The authoritative reference and input builder live on the scoring server;
editing this copy changes nothing except your own understanding.
"""

import jax, jax.numpy as jnp
import numpy as np

B, F, O = 1024, 2048, 32


def setup_inputs(seed: int = 0) -> dict:
    key = jax.random.key(seed)
    k1, k2, k3, k4, k5 = jax.random.split(key, 5)
    x = jax.random.uniform(k1, (B, F), dtype=jnp.float32)
    y = jax.random.normal(k2, (B, O), dtype=jnp.float32)
    t = jax.random.uniform(k3, (B, O), dtype=jnp.float32)
    # learned parameters of minmax and base_minmax (torch.rand init)
    w = jax.random.uniform(k4, (F, O), dtype=jnp.float32)
    base_w = jax.random.uniform(k5, (F, O), dtype=jnp.float32)
    return {"x": x, "y": y, "t": t, "w": w, "base_w": base_w}


def reference(x, y, t, w, base_w):
    # x: [B, F], y: [B, O] (unused in math, kept for signature fidelity), t: [B, O]
    x3 = x[:, :, None]          # [B, F, 1]
    t3 = t[:, None, :]          # [B, 1, O]
    w3 = w[None]                # [1, F, O]
    negatives = jnp.maximum(x3 - t3, 0.0)                      # [B, F, O]
    score = negatives.sum(axis=0, keepdims=True) / x3.sum(axis=0, keepdims=True)  # [1, F, O]
    score = jnp.where(jnp.isnan(score), 0.0, score)
    # torch: score.sort(-2, True) -> descending sort indices along F
    sorted_score_indices = jnp.argsort(-score, axis=-2)        # [1, F, O]
    base_w2 = jnp.take_along_axis(base_w[None], sorted_score_indices, axis=-2)  # [1, F, O]
    y_base = jnp.min(jnp.maximum(base_w2, x3), axis=-2, keepdims=True)           # [B, 1, O]
    _printed = jnp.mean((y_base - t3) ** 2)  # original prints this diagnostic
    sorted_w_vals = -jnp.sort(-w3, axis=-2)                    # descending sorted values of w
    target_w_vals = jax.lax.stop_gradient(jnp.take_along_axis(w3, sorted_score_indices, axis=-2))
    return jnp.mean((sorted_w_vals - target_w_vals) ** 2)

if __name__ == "__main__":
    import jax
    _d = setup_inputs()
    print(jax.jit(kernel)(*tuple(_d.values())))

</pallas_src>

<mosaic_0001>
#map = affine_map<(d0, d1) -> (0, 0)>
module attributes {stable_mosaic.version = 14 : i64} {
  func.func @sc_pair(%arg0: i32, %arg1: i32, %arg2: memref<32x2048xf32, #tpu.memory_space<hbm>>, %arg3: memref<32x2048xi32, #tpu.memory_space<hbm>>, %arg4: memref<32x2048xf32, #tpu.memory_space<hbm>>, %arg5: memref<32x16xf32, #tpu.memory_space<hbm>>, %arg6: memref<2048xf32, #tpu.memory_space<vmem>>, %arg7: memref<2048xi32, #tpu.memory_space<vmem>>, %arg8: memref<2048xf32, #tpu.memory_space<vmem>>, %arg9: memref<16xf32, #tpu.memory_space<vmem>>) attributes {dimension_semantics = [#tpu.dimension_semantics<core_parallel>, #tpu.dimension_semantics<subcore_parallel>], iteration_bounds = array<i64: 2, 16>, scalar_prefetch = 0 : i64, scratch_operands = 4 : i64, tpu.core_type = #tpu.core_type<sc_vector_subcore>, window_params = [{transform_indices = #map}, {transform_indices = #map}, {transform_indices = #map}, {transform_indices = #map}]} {
    %mul3A = arith.constant 2 : i32
    %mul3A_0 = arith.muli %arg1, %mul3A : i32
    %add3A = arith.addi %mul3A_0, %arg0 : i32
    "tpu.region"() ({
      %run_scoped3A = tpu.sem_alloc : memref<!tpu.dma_semaphore, #tpu.memory_space<semaphore_mem>>
      %dma_start3A = arith.constant 0 : i32
      %dma_start3A_8 = tpu.memref_slice %arg2[%add3A, %dma_start3A] : memref<32x2048xf32, #tpu.memory_space<hbm>> -> memref<1x2048xf32, #tpu.memory_space<hbm>>
      %dma_start3A_9 = tpu.memref_squeeze %dma_start3A_8 : memref<1x2048xf32, #tpu.memory_space<hbm>> -> memref<2048xf32, #tpu.memory_space<hbm>>
      %dma_start3A_10 = arith.constant 0 : i32
      %dma_start3A_11 = tpu.memref_slice %arg2[%add3A, %dma_start3A_10] : memref<32x2048xf32, #tpu.memory_space<hbm>> -> memref<1x2048xf32, #tpu.memory_space<hbm>>
      %dma_start3A_12 = tpu.memref_squeeze %dma_start3A_11 : memref<1x2048xf32, #tpu.memory_space<hbm>> -> memref<2048xf32, #tpu.memory_space<hbm>>
      tpu.enqueue_dma source(%dma_start3A_12 : memref<2048xf32, #tpu.memory_space<hbm>>) target(%arg6 : memref<2048xf32, #tpu.memory_space<vmem>>) target_semaphore(%run_scoped3A : memref<!tpu.dma_semaphore, #tpu.memory_space<semaphore_mem>>)
      %dma_wait3A = arith.constant 0 : i32
      %dma_wait3A_13 = tpu.memref_slice %arg2[%add3A, %dma_wait3A] : memref<32x2048xf32, #tpu.memory_space<hbm>> -> memref<1x2048xf32, #tpu.memory_space<hbm>>
      %dma_wait3A_14 = tpu.memref_squeeze %dma_wait3A_13 : memref<1x2048xf32, #tpu.memory_space<hbm>> -> memref<2048xf32, #tpu.memory_space<hbm>>
      %dma_wait3A_15 = arith.constant 0 : i32
      %dma_wait3A_16 = tpu.memref_slice %arg2[%add3A, %dma_wait3A_15] : memref<32x2048xf32, #tpu.memory_space<hbm>> -> memref<1x2048xf32, #tpu.memory_space<hbm>>
      %dma_wait3A_17 = tpu.memref_squeeze %dma_wait3A_16 : memref<1x2048xf32, #tpu.memory_space<hbm>> -> memref<2048xf32, #tpu.memory_space<hbm>>
      tpu.wait_dma2 semaphore(%run_scoped3A : memref<!tpu.dma_semaphore, #tpu.memory_space<semaphore_mem>>) src(%dma_wait3A_17 : memref<2048xf32, #tpu.memory_space<hbm>>) dst(%arg6 : memref<2048xf32, #tpu.memory_space<vmem>>)
      tpu.yield
    }) : () -> ()
    "tpu.region"() ({
      %run_scoped3A = tpu.sem_alloc : memref<!tpu.dma_semaphore, #tpu.memory_space<semaphore_mem>>
      %dma_start3A = arith.constant 0 : i32
      %dma_start3A_8 = tpu.memref_slice %arg3[%add3A, %dma_start3A] : memref<32x2048xi32, #tpu.memory_space<hbm>> -> memref<1x2048xi32, #tpu.memory_space<hbm>>
      %dma_start3A_9 = tpu.memref_squeeze %dma_start3A_8 : memref<1x2048xi32, #tpu.memory_space<hbm>> -> memref<2048xi32, #tpu.memory_space<hbm>>
      %dma_start3A_10 = arith.constant 0 : i32
      %dma_start3A_11 = tpu.memref_slice %arg3[%add3A, %dma_start3A_10] : memref<32x2048xi32, #tpu.memory_space<hbm>> -> memref<1x2048xi32, #tpu.memory_space<hbm>>
      %dma_start3A_12 = tpu.memref_squeeze %dma_start3A_11 : memref<1x2048xi32, #tpu.memory_space<hbm>> -> memref<2048xi32, #tpu.memory_space<hbm>>
      tpu.enqueue_dma source(%dma_start3A_12 : memref<2048xi32, #tpu.memory_space<hbm>>) target(%arg7 : memref<2048xi32, #tpu.memory_space<vmem>>) target_semaphore(%run_scoped3A : memref<!tpu.dma_semaphore, #tpu.memory_space<semaphore_mem>>)
      %dma_wait3A = arith.constant 0 : i32
      %dma_wait3A_13 = tpu.memref_slice %arg3[%add3A, %dma_wait3A] : memref<32x2048xi32, #tpu.memory_space<hbm>> -> memref<1x2048xi32, #tpu.memory_space<hbm>>
      %dma_wait3A_14 = tpu.memref_squeeze %dma_wait3A_13 : memref<1x2048xi32, #tpu.memory_space<hbm>> -> memref<2048xi32, #tpu.memory_space<hbm>>
      %dma_wait3A_15 = arith.constant 0 : i32
      %dma_wait3A_16 = tpu.memref_slice %arg3[%add3A, %dma_wait3A_15] : memref<32x2048xi32, #tpu.memory_space<hbm>> -> memref<1x2048xi32, #tpu.memory_space<hbm>>
      %dma_wait3A_17 = tpu.memref_squeeze %dma_wait3A_16 : memref<1x2048xi32, #tpu.memory_space<hbm>> -> memref<2048xi32, #tpu.memory_space<hbm>>
      tpu.wait_dma2 semaphore(%run_scoped3A : memref<!tpu.dma_semaphore, #tpu.memory_space<semaphore_mem>>) src(%dma_wait3A_17 : memref<2048xi32, #tpu.memory_space<hbm>>) dst(%arg7 : memref<2048xi32, #tpu.memory_space<vmem>>)
      tpu.yield
    }) : () -> ()
    "tpu.region"() ({
      %run_scoped3A = tpu.sem_alloc : memref<!tpu.dma_semaphore, #tpu.memory_space<semaphore_mem>>
      %dma_start3A = arith.constant 0 : i32
      %dma_start3A_8 = tpu.memref_slice %arg4[%add3A, %dma_start3A] : memref<32x2048xf32, #tpu.memory_space<hbm>> -> memref<1x2048xf32, #tpu.memory_space<hbm>>
      %dma_start3A_9 = tpu.memref_squeeze %dma_start3A_8 : memref<1x2048xf32, #tpu.memory_space<hbm>> -> memref<2048xf32, #tpu.memory_space<hbm>>
      %dma_start3A_10 = arith.constant 0 : i32
      %dma_start3A_11 = tpu.memref_slice %arg4[%add3A, %dma_start3A_10] : memref<32x2048xf32, #tpu.memory_space<hbm>> -> memref<1x2048xf32, #tpu.memory_space<hbm>>
      %dma_start3A_12 = tpu.memref_squeeze %dma_start3A_11 : memref<1x2048xf32, #tpu.memory_space<hbm>> -> memref<2048xf32, #tpu.memory_space<hbm>>
      tpu.enqueue_dma source(%dma_start3A_12 : memref<2048xf32, #tpu.memory_space<hbm>>) target(%arg8 : memref<2048xf32, #tpu.memory_space<vmem>>) target_semaphore(%run_scoped3A : memref<!tpu.dma_semaphore, #tpu.memory_space<semaphore_mem>>)
      %dma_wait3A = arith.constant 0 : i32
      %dma_wait3A_13 = tpu.memref_slice %arg4[%add3A, %dma_wait3A] : memref<32x2048xf32, #tpu.memory_space<hbm>> -> memref<1x2048xf32, #tpu.memory_space<hbm>>
      %dma_wait3A_14 = tpu.memref_squeeze %dma_wait3A_13 : memref<1x2048xf32, #tpu.memory_space<hbm>> -> memref<2048xf32, #tpu.memory_space<hbm>>
      %dma_wait3A_15 = arith.constant 0 : i32
      %dma_wait3A_16 = tpu.memref_slice %arg4[%add3A, %dma_wait3A_15] : memref<32x2048xf32, #tpu.memory_space<hbm>> -> memref<1x2048xf32, #tpu.memory_space<hbm>>
      %dma_wait3A_17 = tpu.memref_squeeze %dma_wait3A_16 : memref<1x2048xf32, #tpu.memory_space<hbm>> -> memref<2048xf32, #tpu.memory_space<hbm>>
      tpu.wait_dma2 semaphore(%run_scoped3A : memref<!tpu.dma_semaphore, #tpu.memory_space<semaphore_mem>>) src(%dma_wait3A_17 : memref<2048xf32, #tpu.memory_space<hbm>>) dst(%arg8 : memref<2048xf32, #tpu.memory_space<vmem>>)
      tpu.yield
    }) : () -> ()
    %broadcast_in_dim3A = arith.constant 0.000000e+00 : f32
    %broadcast_in_dim3A_1 = vector.broadcast %broadcast_in_dim3A : f32 to vector<16xf32>
    %scan3A = arith.constant 0 : i32
    %scan3A_2 = arith.constant 128 : i32
    %scan3A_3 = arith.addi %scan3A, %scan3A_2 : i32
    %scan3A_4 = arith.constant 1 : i32
    %scan3A_5 = scf.for %scan3A_8 = %scan3A to %scan3A_3 step %scan3A_4 iter_args(%scan3A_9 = %broadcast_in_dim3A_1) -> (vector<16xf32>)  : i32 {
      %mul3A_10 = arith.constant 16 : i32
      %mul3A_11 = arith.muli %scan3A_8, %mul3A_10 : i32
      %get3A = arith.index_cast %mul3A_11 : i32 to index
      %get3A_12 = tpu.vector_load %arg7[%get3A] {strides = array<i32>} : memref<2048xi32, #tpu.memory_space<vmem>>, vector<16xi32>,
      %gather3A = tpu.vector_load_idx %arg6[%get3A_12] : memref<2048xf32, #tpu.memory_space<vmem>>[vector<16xi32>], vector<16xf32>,
      %get3A_13 = arith.index_cast %mul3A_11 : i32 to index
      %get3A_14 = tpu.vector_load %arg8[%get3A_13] {strides = array<i32>} : memref<2048xf32, #tpu.memory_space<vmem>>, vector<16xf32>,
      %sub3A = arith.subf %get3A_14, %gather3A : vector<16xf32>
      %mul3A_15 = arith.mulf %sub3A, %sub3A : vector<16xf32>
      %add3A_16 = arith.addf %scan3A_9, %mul3A_15 : vector<16xf32>
      scf.yield %add3A_16 : vector<16xf32>
    }
    %scan3A_6 = arith.constant 128 : i32
    %swap3A = arith.constant 0 : index
    %swap3A_7 = tpu.vector_load %arg9[%swap3A] {strides = array<i32>} : memref<16xf32, #tpu.memory_space<vmem>>, vector<16xf32>,
    tpu.vector_store %arg9[%swap3A], %scan3A_5 {strides = array<i32>} : memref<16xf32, #tpu.memory_space<vmem>>, vector<16xf32>,
    "tpu.region"() ({
      %run_scoped3A = tpu.sem_alloc : memref<!tpu.dma_semaphore, #tpu.memory_space<semaphore_mem>>
      %dma_start3A = arith.constant 0 : i32
      %dma_start3A_8 = tpu.memref_slice %arg5[%add3A, %dma_start3A] : memref<32x16xf32, #tpu.memory_space<hbm>> -> memref<1x16xf32, #tpu.memory_space<hbm>>
      %dma_start3A_9 = tpu.memref_squeeze %dma_start3A_8 : memref<1x16xf32, #tpu.memory_space<hbm>> -> memref<16xf32, #tpu.memory_space<hbm>>
      %dma_start3A_10 = arith.constant 0 : i32
      %dma_start3A_11 = tpu.memref_slice %arg5[%add3A, %dma_start3A_10] : memref<32x16xf32, #tpu.memory_space<hbm>> -> memref<1x16xf32, #tpu.memory_space<hbm>>
      %dma_start3A_12 = tpu.memref_squeeze %dma_start3A_11 : memref<1x16xf32, #tpu.memory_space<hbm>> -> memref<16xf32, #tpu.memory_space<hbm>>
      tpu.enqueue_dma source(%arg9 : memref<16xf32, #tpu.memory_space<vmem>>) target(%dma_start3A_12 : memref<16xf32, #tpu.memory_space<hbm>>) target_semaphore(%run_scoped3A : memref<!tpu.dma_semaphore, #tpu.memory_space<semaphore_mem>>)
      %dma_wait3A = arith.constant 0 : i32
      %dma_wait3A_13 = tpu.memref_slice %arg5[%add3A, %dma_wait3A] : memref<32x16xf32, #tpu.memory_space<hbm>> -> memref<1x16xf32, #tpu.memory_space<hbm>>
      %dma_wait3A_14 = tpu.memref_squeeze %dma_wait3A_13 : memref<1x16xf32, #tpu.memory_space<hbm>> -> memref<16xf32, #tpu.memory_space<hbm>>
      %dma_wait3A_15 = arith.constant 0 : i32
      %dma_wait3A_16 = tpu.memref_slice %arg5[%add3A, %dma_wait3A_15] : memref<32x16xf32, #tpu.memory_space<hbm>> -> memref<1x16xf32, #tpu.memory_space<hbm>>
      %dma_wait3A_17 = tpu.memref_squeeze %dma_wait3A_16 : memref<1x16xf32, #tpu.memory_space<hbm>> -> memref<16xf32, #tpu.memory_space<hbm>>
      tpu.wait_dma2 semaphore(%run_scoped3A : memref<!tpu.dma_semaphore, #tpu.memory_space<semaphore_mem>>) src(%arg9 : memref<16xf32, #tpu.memory_space<vmem>>) dst(%dma_wait3A_17 : memref<16xf32, #tpu.memory_space<hbm>>)
      tpu.yield
    }) : () -> ()
    return
  }
}

module attributes {stable_mosaic.version = 14 : i64} {
  func.func @_score_sort_body(%arg0: i32, %arg1: memref<128x2048xf32, #tpu.memory_space<vmem>>, %arg2: memref<128x32xf32, #tpu.memory_space<vmem>>, %arg3: memref<2048x32xf32, #tpu.memory_space<vmem>>, %arg4: memref<32x2048xi32, #tpu.memory_space<vmem>>, %arg5: memref<32x2048xf32, #tpu.memory_space<vmem>>, %arg6: memref<32x2048xf32, #tpu.memory_space<vmem>>, %arg7: memref<32x2048xf32, #tpu.memory_space<vmem>>, %arg8: memref<1x2048xf32, #tpu.memory_space<vmem>>) attributes {dimension_semantics = [#tpu.dimension_semantics<arbitrary>], iteration_bounds = array<i64: 8>, scalar_prefetch = 0 : i64, scratch_operands = 2 : i64, tpu.core_type = #tpu.core_type<tc>, window_params = [{transform_indices = @transform_0, window_bounds = array<i64: 128, 2048>}, {transform_indices = @transform_1, window_bounds = array<i64: 128, 32>}, {pipeline_mode = #tpu.pipeline_mode<synchronous>, transform_indices = @transform_2, window_bounds = array<i64: 2048, 32>}, {pipeline_mode = #tpu.pipeline_mode<synchronous>, transform_indices = @transform_3, window_bounds = array<i64: 32, 2048>}, {pipeline_mode = #tpu.pipeline_mode<synchronous>, transform_indices = @transform_4, window_bounds = array<i64: 32, 2048>}, {pipeline_mode = #tpu.pipeline_mode<synchronous>, transform_indices = @transform_5, window_bounds = array<i64: 32, 2048>}]} {
    %eq3A = arith.constant 0 : i32
    %eq3A_0 = arith.cmpi eq, %arg0, %eq3A : i32
    %convert_element_type3A = arith.extui %eq3A_0 : i1 to i32
    %cond3A = arith.constant 0 : i32
    %cond3A_1 = arith.cmpi ne, %convert_element_type3A, %cond3A : i32
    scf.if %cond3A_1 {
      %broadcast_in_dim3A_589 = arith.constant 0.000000e+00 : f32
      %broadcast_in_dim3A_590 = vector.broadcast %broadcast_in_dim3A_589 : f32 to vector<32x2048xf32>
      %swap3A_591 = arith.constant 0 : index
      %swap3A_592 = arith.constant 0 : index
      %swap3A_593 = vector.load %arg7[%swap3A_591, %swap3A_592] : memref<32x2048xf32, #tpu.memory_space<vmem>>, vector<32x2048xf32>
      tpu.vector_store %arg7[%swap3A_591, %swap3A_592], %broadcast_in_dim3A_590 {strides = array<i32>} : memref<32x2048xf32, #tpu.memory_space<vmem>>, vector<32x2048xf32>,
      %broadcast_in_dim3A_594 = arith.constant 0.000000e+00 : f32
      %broadcast_in_dim3A_595 = vector.broadcast %broadcast_in_dim3A_594 : f32 to vector<1x2048xf32>
      %swap3A_596 = arith.constant 0 : index
      %swap3A_597 = arith.constant 0 : index
      %swap3A_598 = vector.load %arg8[%swap3A_596, %swap3A_597] : memref<1x2048xf32, #tpu.memory_space<vmem>>, vector<1x2048xf32>
      tpu.vector_store %arg8[%swap3A_596, %swap3A_597], %broadcast_in_dim3A_595 {strides = array<i32>} : memref<1x2048xf32, #tpu.memory_space<vmem>>, vector<1x2048xf32>,
    } else {
    }
    %get3A = arith.constant 0 : index
    %get3A_2 = arith.constant 0 : index
    %get3A_3 = vector.load %arg1[%get3A, %get3A_2] : memref<128x2048xf32, #tpu.memory_space<vmem>>, vector<128x2048xf32>
    %get3A_4 = arith.constant 0 : index
    %get3A_5 = arith.constant 0 : index
    %get3A_6 = vector.load %arg8[%get3A_4, %get3A_5] : memref<1x2048xf32, #tpu.memory_space<vmem>>, vector<1x2048xf32>
    %reduce_sum3A = arith.constant dense<0.000000e+00> : vector<2048xf32>
    %reduce_sum3A_7 = vector.multi_reduction <add>, %get3A_3, %reduce_sum3A [0] : vector<128x2048xf32> to vector<2048xf32>
    %broadcast_in_dim3A = vector.shape_cast %reduce_sum3A_7 : vector<2048xf32> to vector<1x2048xf32>
    %add3A = arith.addf %get3A_6, %broadcast_in_dim3A : vector<1x2048xf32>
    %swap3A = arith.constant 0 : index
    %swap3A_8 = arith.constant 0 : index
    %swap3A_9 = vector.load %arg8[%swap3A, %swap3A_8] : memref<1x2048xf32, #tpu.memory_space<vmem>>, vector<1x2048xf32>
    tpu.vector_store %arg8[%swap3A, %swap3A_8], %add3A {strides = array<i32>} : memref<1x2048xf32, #tpu.memory_space<vmem>>, vector<1x2048xf32>,
    %get3A_10 = arith.constant 0 : index
    %get3A_11 = arith.constant 0 : index
    %get3A_12 = vector.load %arg2[%get3A_10, %get3A_11] : memref<128x32xf32, #tpu.memory_space<vmem>>, vector<128x1xf32>
    %sub3A = vector.broadcast %get3A_12 : vector<128x1xf32> to vector<128x2048xf32>
    %sub3A_13 = arith.subf %get3A_3, %sub3A : vector<128x2048xf32>
    %max3A = arith.constant 0.000000e+00 : f32
    %max3A_14 = vector.broadcast %max3A : f32 to vector<128x2048xf32>
    %max3A_15 = arith.maximumf %sub3A_13, %max3A_14 : vector<128x2048xf32>
    %reduce_sum3A_16 = arith.constant dense<0.000000e+00> : vector<2048xf32>
    %reduce_sum3A_17 = vector.multi_reduction <add>, %max3A_15, %reduce_sum3A_16 [0] : vector<128x2048xf32> to vector<2048xf32>
    %broadcast_in_dim3A_18 = vector.shape_cast %reduce_sum3A_17 : vector<2048xf32> to vector<1x2048xf32>
    %get3A_19 = arith.constant 0 : index
    %get3A_20 = arith.constant 0 : index
    %get3A_21 = vector.load %arg7[%get3A_19, %get3A_20] : memref<32x2048xf32, #tpu.memory_space<vmem>>, vector<1x2048xf32>
    %add3A_22 = arith.addf %get3A_21, %broadcast_in_dim3A_18 : vector<1x2048xf32>
    %swap3A_23 = arith.constant 0 : index
    %swap3A_24 = arith.constant 0 : index
    %swap3A_25 = vector.load %arg7[%swap3A_23, %swap3A_24] : memref<32x2048xf32, #tpu.memory_space<vmem>>, vector<1x2048xf32>
    tpu.vector_store %arg7[%swap3A_23, %swap3A_24], %add3A_22 {strides = array<i32>} : memref<32x2048xf32, #tpu.memory_space<vmem>>, vector<1x2048xf32>,
    %get3A_26 = arith.constant 0 : index
    %get3A_27 = arith.constant 1 : index
    %get3A_28 = vector.load %arg2[%get3A_26, %get3A_27] : memref<128x32xf32, #tpu.memory_space<vmem>>, vector<128x1xf32>
    %sub3A_29 = vector.broadcast %get3A_28 : vector<128x1xf32> to vector<128x2048xf32>
    %sub3A_30 = arith.subf %get3A_3, %sub3A_29 : vector<128x2048xf32>
    %max3A_31 = arith.constant 0.000000e+00 : f32
    %max3A_32 = vector.broadcast %max3A_31 : f32 to vector<128x2048xf32>
    %max3A_33 = arith.maximumf %sub3A_30, %max3A_32 : vector<128x2048xf32>
    %reduce_sum3A_34 = arith.constant dense<0.000000e+00> : vector<2048xf32>
    %reduce_sum3A_35 = vector.multi_reduction <add>, %max3A_33, %reduce_sum3A_34 [0] : vector<128x2048xf32> to vector<2048xf32>
    %broadcast_in_dim3A_36 = vector.shape_cast %reduce_sum3A_35 : vector<2048xf32> to vector<1x2048xf32>
    %get3A_37 = arith.constant 1 : index
    %get3A_38 = arith.constant 0 : index
    %get3A_39 = vector.load %arg7[%get3A_37, %get3A_38] : memref<32x2048xf32, #tpu.memory_space<vmem>>, vector<1x2048xf32>
    %add3A_40 = arith.addf %get3A_39, %broadcast_in_dim3A_36 : vector<1x2048xf32>
    %swap3A_41 = arith.constant 1 : index
    %swap3A_42 = arith.constant 0 : index
    %swap3A_43 = vector.load %arg7[%swap3A_41, %swap3A_42] : memref<32x2048xf32, #tpu.memory_space<vmem>>, vector<1x2048xf32>
    tpu.vector_store %arg7[%swap3A_41, %swap3A_42], %add3A_40 {strides = array<i32>} : memref<32x2048xf32, #tpu.memory_space<vmem>>, vector<1x2048xf32>,
    %get3A_44 = arith.constant 0 : index
    %get3A_45 = arith.constant 2 : index
    %get3A_46 = vector.load %arg2[%get3A_44, %get3A_45] : memref<128x32xf32, #tpu.memory_space<vmem>>, vector<128x1xf32>
    %sub3A_47 = vector.broadcast %get3A_46 : vector<128x1xf32> to vector<128x2048xf32>
    %sub3A_48 = arith.subf %get3A_3, %sub3A_47 : vector<128x2048xf32>
    %max3A_49 = arith.constant 0.000000e+00 : f32
    %max3A_50 = vector.broadcast %max3A_49 : f32 to vector<128x2048xf32>
    %max3A_51 = arith.maximumf %sub3A_48, %max3A_50 : vector<128x2048xf32>
    %reduce_sum3A_52 = arith.constant dense<0.000000e+00> : vector<2048xf32>
    %reduce_sum3A_53 = vector.multi_reduction <add>, %max3A_51, %reduce_sum3A_52 [0] : vector<128x2048xf32> to vector<2048xf32>
    %broadcast_in_dim3A_54 = vector.shape_cast %reduce_sum3A_53 : vector<2048xf32> to vector<1x2048xf32>
    %get3A_55 = arith.constant 2 : index
    %get3A_56 = arith.constant 0 : index
    %get3A_57 = vector.load %arg7[%get3A_55, %get3A_56] : memref<32x2048xf32, #tpu.memory_space<vmem>>, vector<1x2048xf32>
    %add3A_58 = arith.addf %get3A_57, %broadcast_in_dim3A_54 : vector<1x2048xf32>
    %swap3A_59 = arith.constant 2 : index
    %swap3A_60 = arith.constant 0 : index
    %swap3A_61 = vector.load %arg7[%swap3A_59, %swap3A_60] : memref<32x2048xf32, #tpu.memory_space<vmem>>, vector<1x2048xf32>
    tpu.vector_store %arg7[%swap3A_59, %swap3A_60], %add3A_58 {strides = array<i32>} : memref<32x2048xf32, #tpu.memory_space<vmem>>, vector<1x2048xf32>,
    %get3A_62 = arith.constant 0 : index
    %get3A_63 = arith.constant 3 : index
    %get3A_64 = vector.load %arg2[%get3A_62, %get3A_63] : memref<128x32xf32, #tpu.memory_space<vmem>>, vector<128x1xf32>
    %sub3A_65 = vector.broadcast %get3A_64 : vector<128x1xf32> to vector<128x2048xf32>
    %sub3A_66 = arith.subf %get3A_3, %sub3A_65 : vector<128x2048xf32>
    %max3A_67 = arith.constant 0.000000e+00 : f32
    %max3A_68 = vector.broadcast %max3A_67 : f32 to vector<128x2048xf32>
    %max3A_69 = arith.maximumf %sub3A_66, %max3A_68 : vector<128x2048xf32>
    %reduce_sum3A_70 = arith.constant dense<0.000000e+00> : vector<2048xf32>
    %reduce_sum3A_71 = vector.multi_reduction <add>, %max3A_69, %reduce_sum3A_70 [0] : vector<128x2048xf32> to vector<2048xf32>
    %broadcast_in_dim3A_72 = vector.shape_cast %reduce_sum3A_71 : vector<2048xf32> to vector<1x2048xf32>
    %get3A_73 = arith.constant 3 : index
    %get3A_74 = arith.constant 0 : index
    %get3A_75 = vector.load %arg7[%get3A_73, %get3A_74] : memref<32x2048xf32, #tpu.memory_space<vmem>>, vector<1x2048xf32>
    %add3A_76 = arith.addf %get3A_75, %broadcast_in_dim3A_72 : vector<1x2048xf32>
    %swap3A_77 = arith.constant 3 : index
    %swap3A_78 = arith.constant 0 : index
    %swap3A_79 = vector.load %arg7[%swap3A_77, %swap3A_78] : memref<32x2048xf32, #tpu.memory_space<vmem>>, vector<1x2048xf32>
    tpu.vector_store %arg7[%swap3A_77, %swap3A_78], %add3A_76 {strides = array<i32>} : memref<32x2048xf32, #tpu.memory_space<vmem>>, vector<1x2048xf32>,
    %get3A_80 = arith.constant 0 : index
    %get3A_81 = arith.constant 4 : index
    %get3A_82 = vector.load %arg2[%get3A_80, %get3A_81] : memref<128x32xf32, #tpu.memory_space<vmem>>, vector<128x1xf32>
    %sub3A_83 = vector.broadcast %get3A_82 : vector<128x1xf32> to vector<128x2048xf32>
    %sub3A_84 = arith.subf %get3A_3, %sub3A_83 : vector<128x2048xf32>
    %max3A_85 = arith.constant 0.000000e+00 : f32
    %max3A_86 = vector.broadcast %max3A_85 : f32 to vector<128x2048xf32>
    %max3A_87 = arith.maximumf %sub3A_84, %max3A_86 : vector<128x2048xf32>
    %reduce_sum3A_88 = arith.constant dense<0.000000e+00> : vector<2048xf32>
    %reduce_sum3A_89 = vector.multi_reduction <add>, %max3A_87, %reduce_sum3A_88 [0] : vector<128x2048xf32> to vector<2048xf32>
    %broadcast_in_dim3A_90 = vector.shape_cast %reduce_sum3A_89 : vector<2048xf32> to vector<1x2048xf32>
    %get3A_91 = arith.constant 4 : index
    %get3A_92 = arith.constant 0 : index
    %get3A_93 = vector.load %arg7[%get3A_91, %get3A_92] : memref<32x2048xf32, #tpu.memory_space<vmem>>, vector<1x2048xf32>
    %add3A_94 = arith.addf %get3A_93, %broadcast_in_dim3A_90 : vector<1x2048xf32>
    %swap3A_95 = arith.constant 4 : index
    %swap3A_96 = arith.constant 0 : index
    %swap3A_97 = vector.load %arg7[%swap3A_95, %swap3A_96] : memref<32x2048xf32, #tpu.memory_space<vmem>>, vector<1x2048xf32>
    tpu.vector_store %arg7[%swap3A_95, %swap3A_96], %add3A_94 {strides = array<i32>} : memref<32x2048xf32, #tpu.memory_space<vmem>>, vector<1x2048xf32>,
    %get3A_98 = arith.constant 0 : index
    %get3A_99 = arith.constant 5 : index
    %get3A_100 = vector.load %arg2[%get3A_98, %get3A_99] : memref<128x32xf32, #tpu.memory_space<vmem>>, vector<128x1xf32>
    %sub3A_101 = vector.broadcast %get3A_100 : vector<128x1xf32> to vector<128x2048xf32>
    %sub3A_102 = arith.subf %get3A_3, %sub3A_101 : vector<128x2048xf32>
    %max3A_103 = arith.constant 0.000000e+00 : f32
    %max3A_104 = vector.broadcast %max3A_103 : f32 to vector<128x2048xf32>
    %max3A_105 = arith.maximumf %sub3A_102, %max3A_104 : vector<128x2048xf32>
    %reduce_sum3A_106 = arith.constant dense<0.000000e+00> : vector<2048xf32>
    %reduce_sum3A_107 = vector.multi_reduction <add>, %max3A_105, %reduce_sum3A_106 [0] : vector<128x2048xf32> to vector<2048xf32>
    %broadcast_in_dim3A_108 = vector.shape_cast %reduce_sum3A_107 : vector<2048xf32> to vector<1x2048xf32>
    %get3A_109 = arith.constant 5 : index
    %get3A_110 = arith.constant 0 : index
    %get3A_111 = vector.load %arg7[%get3A_109, %get3A_110] : memref<32x2048xf32, #tpu.memory_space<vmem>>, vector<1x2048xf32>
    %add3A_112 = arith.addf %get3A_111, %broadcast_in_dim3A_108 : vector<1x2048xf32>
    %swap3A_113 = arith.constant 5 : index
    %swap3A_114 = arith.constant 0 : index
    %swap3A_115 = vector.load %arg7[%swap3A_113, %swap3A_114] : memref<32x2048xf32, #tpu.memory_space<vmem>>, vector<1x2048xf32>
    tpu.vector_store %arg7[%swap3A_113, %swap3A_114], %add3A_112 {strides = array<i32>} : memref<32x2048xf32, #tpu.memory_space<vmem>>, vector<1x2048xf32>,
    %get3A_116 = arith.constant 0 : index
    %get3A_117 = arith.constant 6 : index
    %get3A_118 = vector.load %arg2[%get3A_116, %get3A_117] : memref<128x32xf32, #tpu.memory_space<vmem>>, vector<128x1xf32>
    %sub3A_119 = vector.broadcast %get3A_118 : vector<128x1xf32> to vector<128x2048xf32>
    %sub3A_120 = arith.subf %get3A_3, %sub3A_119 : vector<128x2048xf32>
    %max3A_121 = arith.constant 0.000000e+00 : f32
    %max3A_122 = vector.broadcast %max3A_121 : f32 to vector<128x2048xf32>
    %max3A_123 = arith.maximumf %sub3A_120, %max3A_122 : vector<128x2048xf32>
    %reduce_sum3A_124 = arith.constant dense<0.000000e+00> : vector<2048xf32>
    %reduce_sum3A_125 = vector.multi_reduction <add>, %max3A_123, %reduce_sum3A_124 [0] : vector<128x2048xf32> to vector<2048xf32>
    %broadcast_in_dim3A_126 = vector.shape_cast %reduce_sum3A_125 : vector<2048xf32> to vector<1x2048xf32>
    %get3A_127 = arith.constant 6 : index
    %get3A_128 = arith.constant 0 : index
    %get3A_129 = vector.load %arg7[%get3A_127, %get3A_128] : memref<32x2048xf32, #tpu.memory_space<vmem>>, vector<1x2048xf32>
    %add3A_130 = arith.addf %get3A_129, %broadcast_in_dim3A_126 : vector<1x2048xf32>
    %swap3A_131 = arith.constant 6 : index
    %swap3A_132 = arith.constant 0 : index
    %swap3A_133 = vector.load %arg7[%swap3A_131, %swap3A_132] : memref<32x2048xf32, #tpu.memory_space<vmem>>, vector<1x2048xf32>
    tpu.vector_store %arg7[%swap3A_131, %swap3A_132], %add3A_130 {strides = array<i32>} : memref<32x2048xf32, #tpu.memory_space<vmem>>, vector<1x2048xf32>,
    %get3A_134 = arith.constant 0 : index
    %get3A_135 = arith.constant 7 : index
    %get3A_136 = vector.load %arg2[%get3A_134, %get3A_135] : memref<128x32xf32, #tpu.memory_space<vmem>>, vector<128x1xf32>
    %sub3A_137 = vector.broadcast %get3A_136 : vector<128x1xf32> to vector<128x2048xf32>
    %sub3A_138 = arith.subf %get3A_3, %sub3A_137 : vector<128x2048xf32>
    %max3A_139 = arith.constant 0.000000e+00 : f32
    %max3A_140 = vector.broadcast %max3A_139 : f32 to vector<128x2048xf32>
    %max3A_141 = arith.maximumf %sub3A_138, %max3A_140 : vector<128x2048xf32>
    %reduce_sum3A_142 = arith.constant dense<0.000000e+00> : vector<2048xf32>
    %reduce_sum3A_143 = vector.multi_reduction <add>, %max3A_141, %reduce_sum3A_142 [0] : vector<128x2048xf32> to vector<2048xf32>
    %broadcast_in_dim3A_144 = vector.shape_cast %reduce_sum3A_143 : vector<2048xf32> to vector<1x2048xf32>
    %get3A_145 = arith.constant 7 : index
    %get3A_146 = arith.constant 0 : index
    %get3A_147 = vector.load %arg7[%get3A_145, %get3A_146] : memref<32x2048xf32, #tpu.memory_space<vmem>>, vector<1x2048xf32>
    %add3A_148 = arith.addf %get3A_147, %broadcast_in_dim3A_144 : vector<1x2048xf32>
    %swap3A_149 = arith.constant 7 : index
    %swap3A_150 = arith.constant 0 : index
    %swap3A_151 = vector.load %arg7[%swap3A_149, %swap3A_150] : memref<32x2048xf32, #tpu.memory_space<vmem>>, vector<1x2048xf32>
    tpu.vector_store %arg7[%swap3A_149, %swap3A_150], %add3A_148 {strides = array<i32>} : memref<32x2048xf32, #tpu.memory_space<vmem>>, vector<1x2048xf32>,
    %get3A_152 = arith.constant 0 : index
    %get3A_153 = arith.constant 8 : index
    %get3A_154 = vector.load %arg2[%get3A_152, %get3A_153] : memref<128x32xf32, #tpu.memory_space<vmem>>, vector<128x1xf32>
    %sub3A_155 = vector.broadcast %get3A_154 : vector<128x1xf32> to vector<128x2048xf32>
    %sub3A_156 = arith.subf %get3A_3, %sub3A_155 : vector<128x2048xf32>
    %max3A_157 = arith.constant 0.000000e+00 : f32
    %max3A_158 = vector.broadcast %max3A_157 : f32 to vector<128x2048xf32>
    %max3A_159 = arith.maximumf %sub3A_156, %max3A_158 : vector<128x2048xf32>
    %reduce_sum3A_160 = arith.constant dense<0.000000e+00> : vector<2048xf32>
    %reduce_sum3A_161 = vector.multi_reduction <add>, %max3A_159, %reduce_sum3A_160 [0] : vector<128x2048xf32> to vector<2048xf32>
    %broadcast_in_dim3A_162 = vector.shape_cast %reduce_sum3A_161 : vector<2048xf32> to vector<1x2048xf32>
    %get3A_163 = arith.constant 8 : index
    %get3A_164 = arith.constant 0 : index
    %get3A_165 = vector.load %arg7[%get3A_163, %get3A_164] : memref<32x2048xf32, #tpu.memory_space<vmem>>, vector<1x2048xf32>
    %add3A_166 = arith.addf %get3A_165, %broadcast_in_dim3A_162 : vector<1x2048xf32>
    %swap3A_167 = arith.constant 8 : index
    %swap3A_168 = arith.constant 0 : index
    %swap3A_169 = vector.load %arg7[%swap3A_167, %swap3A_168] : memref<32x2048xf32, #tpu.memory_space<vmem>>, vector<1x2048xf32>
    tpu.vector_store %arg7[%swap3A_167, %swap3A_168], %add3A_166 {strides = array<i32>} : memref<32x2048xf32, #tpu.memory_space<vmem>>, vector<1x2048xf32>,
    %get3A_170 = arith.constant 0 : index
    %get3A_171 = arith.constant 9 : index
    %get3A_172 = vector.load %arg2[%get3A_170, %get3A_171] : memref<128x32xf32, #tpu.memory_space<vmem>>, vector<128x1xf32>
    %sub3A_173 = vector.broadcast %get3A_172 : vector<128x1xf32> to vector<128x2048xf32>
    %sub3A_174 = arith.subf %get3A_3, %sub3A_173 : vector<128x2048xf32>
    %max3A_175 = arith.constant 0.000000e+00 : f32
    %max3A_176 = vector.broadcast %max3A_175 : f32 to vector<128x2048xf32>
    %max3A_177 = arith.maximumf %sub3A_174, %max3A_176 : vector<128x2048xf32>
    %reduce_sum3A_178 = arith.constant dense<0.000000e+00> : vector<2048xf32>
    %reduce_sum3A_179 = vector.multi_reduction <add>, %max3A_177, %reduce_sum3A_178 [0] : vector<128x2048xf32> to vector<2048xf32>
    %broadcast_in_dim3A_180 = vector.shape_cast %reduce_sum3A_179 : vector<2048xf32> to vector<1x2048xf32>
    %get3A_181 = arith.constant 9 : index
    %get3A_182 = arith.constant 0 : index
    %get3A_183 = vector.load %arg7[%get3A_181, %get3A_182] : memref<32x2048xf32, #tpu.memory_space<vmem>>, vector<1x2048xf32>
    %add3A_184 = arith.addf %get3A_183, %broadcast_in_dim3A_180 : vector<1x2048xf32>
    %swap3A_185 = arith.constant 9 : index
    %swap3A_186 = arith.constant 0 : index
    %swap3A_187 = vector.load %arg7[%swap3A_185, %swap3A_186] : memref<32x2048xf32, #tpu.memory_space<vmem>>, vector<1x2048xf32>
    tpu.vector_store %arg7[%swap3A_185, %swap3A_186], %add3A_184 {strides = array<i32>} : memref<32x2048xf32, #tpu.memory_space<vmem>>, vector<1x2048xf32>,
    %get3A_188 = arith.constant 0 : index
    %get3A_189 = arith.constant 10 : index
    %get3A_190 = vector.load %arg2[%get3A_188, %get3A_189] : memref<128x32xf32, #tpu.memory_space<vmem>>, vector<128x1xf32>
    %sub3A_191 = vector.broadcast %get3A_190 : vector<128x1xf32> to vector<128x2048xf32>
    %sub3A_192 = arith.subf %get3A_3, %sub3A_191 : vector<128x2048xf32>
    %max3A_193 = arith.constant 0.000000e+00 : f32
    %max3A_194 = vector.broadcast %max3A_193 : f32 to vector<128x2048xf32>
    %max3A_195 = arith.maximumf %sub3A_192, %max3A_194 : vector<128x2048xf32>
    %reduce_sum3A_196 = arith.constant dense<0.000000e+00> : vector<2048xf32>
    %reduce_sum3A_197 = vector.multi_reduction <add>, %max3A_195, %reduce_sum3A_196 [0] : vector<128x2048xf32> to vector<2048xf32>
    %broadcast_in_dim3A_198 = vector.shape_cast %reduce_sum3A_197 : vector<2048xf32> to vector<1x2048xf32>
    %get3A_199 = arith.constant 10 : index
    %get3A_200 = arith.constant 0 : index
    %get3A_201 = vector.load %arg7[%get3A_199, %get3A_200] : memref<32x2048xf32, #tpu.memory_space<vmem>>, vector<1x2048xf32>
    %add3A_202 = arith.addf %get3A_201, %broadcast_in_dim3A_198 : vector<1x2048xf32>
    %swap3A_203 = arith.constant 10 : index
    %swap3A_204 = arith.constant 0 : index
    %swap3A_205 = vector.load %arg7[%swap3A_203, %swap3A_204] : memref<32x2048xf32, #tpu.memory_space<vmem>>, vector<1x2048xf32>
    tpu.vector_store %arg7[%swap3A_203, %swap3A_204], %add3A_202 {strides = array<i32>} : memref<32x2048xf32, #tpu.memory_space<vmem>>, vector<1x2048xf32>,
    %get3A_206 = arith.constant 0 : index
    %get3A_207 = arith.constant 11 : index
    %get3A_208 = vector.load %arg2[%get3A_206, %get3A_207] : memref<128x32xf32, #tpu.memory_space<vmem>>, vector<128x1xf32>
    %sub3A_209 = vector.broadcast %get3A_208 : vector<128x1xf32> to vector<128x2048xf32>
    %sub3A_210 = arith.subf %get3A_3, %sub3A_209 : vector<128x2048xf32>
    %max3A_211 = arith.constant 0.000000e+00 : f32
    %max3A_212 = vector.broadcast %max3A_211 : f32 to vector<128x2048xf32>
    %max3A_213 = arith.maximumf %sub3A_210, %max3A_212 : vector<128x2048xf32>
    %reduce_sum3A_214 = arith.constant dense<0.000000e+00> : vector<2048xf32>
    %reduce_sum3A_215 = vector.multi_reduction <add>, %max3A_213, %reduce_sum3A_214 [0] : vector<128x2048xf32> to vector<2048xf32>
    %broadcast_in_dim3A_216 = vector.shape_cast %reduce_sum3A_215 : vector<2048xf32> to vector<1x2048xf32>
    %get3A_217 = arith.constant 11 : index
    %get3A_218 = arith.constant 0 : index
    %get3A_219 = vector.load %arg7[%get3A_217, %get3A_218] : memref<32x2048xf32, #tpu.memory_space<vmem>>, vector<1x2048xf32>
    %add3A_220 = arith.addf %get3A_219, %broadcast_in_dim3A_216 : vector<1x2048xf32>
    %swap3A_221 = arith.constant 11 : index
    %swap3A_222 = arith.constant 0 : index
    %swap3A_223 = vector.load %arg7[%swap3A_221, %swap3A_222] : memref<32x2048xf32, #tpu.memory_space<vmem>>, vector<1x2048xf32>
    tpu.vector_store %arg7[%swap3A_221, %swap3A_222], %add3A_220 {strides = array<i32>} : memref<32x2048xf32, #tpu.memory_space<vmem>>, vector<1x2048xf32>,
    %get3A_224 = arith.constant 0 : index
    %get3A_225 = arith.constant 12 : index
    %get3A_226 = vector.load %arg2[%get3A_224, %get3A_225] : memref<128x32xf32, #tpu.memory_space<vmem>>, vector<128x1xf32>
    %sub3A_227 = vector.broadcast %get3A_226 : vector<128x1xf32> to vector<128x2048xf32>
    %sub3A_228 = arith.subf %get3A_3, %sub3A_227 : vector<128x2048xf32>
    %max3A_229 = arith.constant 0.000000e+00 : f32
    %max3A_230 = vector.broadcast %max3A_229 : f32 to vector<128x2048xf32>
    %max3A_231 = arith.maximumf %sub3A_228, %max3A_230 : vector<128x2048xf32>
    %reduce_sum3A_232 = arith.constant dense<0.000000e+00> : vector<2048xf32>
    %reduce_sum3A_233 = vector.multi_reduction <add>, %max3A_231, %reduce_sum3A_232 [0] : vector<128x2048xf32> to vector<2048xf32>
    %broadcast_in_dim3A_234 = vector.shape_cast %reduce_sum3A_233 : vector<2048xf32> to vector<1x2048xf32>
    %get3A_235 = arith.constant 12 : index
    %get3A_236 = arith.constant 0 : index
    %get3A_237 = vector.load %arg7[%get3A_235, %get3A_236] : memref<32x2048xf32, #tpu.memory_space<vmem>>, vector<1x2048xf32>
    %add3A_238 = arith.addf %get3A_237, %broadcast_in_dim3A_234 : vector<1x2048xf32>
    %swap3A_239 = arith.constant 12 : index
    %swap3A_240 = arith.constant 0 : index
    %swap3A_241 = vector.load %arg7[%swap3A_239, %swap3A_240] : memref<32x2048xf32, #tpu.memory_space<vmem>>, vector<1x2048xf32>
    tpu.vector_store %arg7[%swap3A_239, %swap3A_240], %add3A_238 {strides = array<i32>} : memref<32x2048xf32, #tpu.memory_space<vmem>>, vector<1x2048xf32>,
    %get3A_242 = arith.constant 0 : index
    %get3A_243 = arith.constant 13 : index
    %get3A_244 = vector.load %arg2[%get3A_242, %get3A_243] : memref<128x32xf32, #tpu.memory_space<vmem>>, vector<128x1xf32>
    %sub3A_245 = vector.broadcast %get3A_244 : vector<128x1xf32> to vector<128x2048xf32>
    %sub3A_246 = arith.subf %get3A_3, %sub3A_245 : vector<128x2048xf32>
    %max3A_247 = arith.constant 0.000000e+00 : f32
    %max3A_248 = vector.broadcast %max3A_247 : f32 to vector<128x2048xf32>
    %max3A_249 = arith.maximumf %sub3A_246, %max3A_248 : vector<128x2048xf32>
    %reduce_sum3A_250 = arith.constant dense<0.000000e+00> : vector<2048xf32>
    %reduce_sum3A_251 = vector.multi_reduction <add>, %max3A_249, %reduce_sum3A_250 [0] : vector<128x2048xf32> to vector<2048xf32>
    %broadcast_in_dim3A_252 = vector.shape_cast %reduce_sum3A_251 : vector<2048xf32> to vector<1x2048xf32>
    %get3A_253 = arith.constant 13 : index
    %get3A_254 = arith.constant 0 : index
    %get3A_255 = vector.load %arg7[%get3A_253, %get3A_254] : memref<32x2048xf32, #tpu.memory_space<vmem>>, vector<1x2048xf32>
    %add3A_256 = arith.addf %get3A_255, %broadcast_in_dim3A_252 : vector<1x2048xf32>
    %swap3A_257 = arith.constant 13 : index
    %swap3A_258 = arith.constant 0 : index
    %swap3A_259 = vector.load %arg7[%swap3A_257, %swap3A_258] : memref<32x2048xf32, #tpu.memory_space<vmem>>, vector<1x2048xf32>
    tpu.vector_store %arg7[%swap3A_257, %swap3A_258], %add3A_256 {strides = array<i32>} : memref<32x2048xf32, #tpu.memory_space<vmem>>, vector<1x2048xf32>,
    %get3A_260 = arith.constant 0 : index
    %get3A_261 = arith.constant 14 : index
    %get3A_262 = vector.load %arg2[%get3A_260, %get3A_261] : memref<128x32xf32, #tpu.memory_space<vmem>>, vector<128x1xf32>
    %sub3A_263 = vector.broadcast %get3A_262 : vector<128x1xf32> to vector<128x2048xf32>
    %sub3A_264 = arith.subf %get3A_3, %sub3A_263 : vector<128x2048xf32>
    %max3A_265 = arith.constant 0.000000e+00 : f32
    %max3A_266 = vector.broadcast %max3A_265 : f32 to vector<128x2048xf32>
    %max3A_267 = arith.maximumf %sub3A_264, %max3A_266 : vector<128x2048xf32>
    %reduce_sum3A_268 = arith.constant dense<0.000000e+00> : vector<2048xf32>
    %reduce_sum3A_269 = vector.multi_reduction <add>, %max3A_267, %reduce_sum3A_268 [0] : vector<128x2048xf32> to vector<2048xf32>
    %broadcast_in_dim3A_270 = vector.shape_cast %reduce_sum3A_269 : vector<2048xf32> to vector<1x2048xf32>
    %get3A_271 = arith.constant 14 : index
    %get3A_272 = arith.constant 0 : index
    %get3A_273 = vector.load %arg7[%get3A_271, %get3A_272] : memref<32x2048xf32, #tpu.memory_space<vmem>>, vector<1x2048xf32>
    %add3A_274 = arith.addf %get3A_273, %broadcast_in_dim3A_270 : vector<1x2048xf32>
    %swap3A_275 = arith.constant 14 : index
    %swap3A_276 = arith.constant 0 : index
    %swap3A_277 = vector.load %arg7[%swap3A_275, %swap3A_276] : memref<32x2048xf32, #tpu.memory_space<vmem>>, vector<1x2048xf32>
    tpu.vector_store %arg7[%swap3A_275, %swap3A_276], %add3A_274 {strides = array<i32>} : memref<32x2048xf32, #tpu.memory_space<vmem>>, vector<1x2048xf32>,
    %get3A_278 = arith.constant 0 : index
    %get3A_279 = arith.constant 15 : index
    %get3A_280 = vector.load %arg2[%get3A_278, %get3A_279] : memref<128x32xf32, #tpu.memory_space<vmem>>, vector<128x1xf32>
    %sub3A_281 = vector.broadcast %get3A_280 : vector<128x1xf32> to vector<128x2048xf32>
    %sub3A_282 = arith.subf %get3A_3, %sub3A_281 : vector<128x2048xf32>
    %max3A_283 = arith.constant 0.000000e+00 : f32
    %max3A_284 = vector.broadcast %max3A_283 : f32 to vector<128x2048xf32>
    %max3A_285 = arith.maximumf %sub3A_282, %max3A_284 : vector<128x2048xf32>
    %reduce_sum3A_286 = arith.constant dense<0.000000e+00> : vector<2048xf32>
    %reduce_sum3A_287 = vector.multi_reduction <add>, %max3A_285, %reduce_sum3A_286 [0] : vector<128x2048xf32> to vector<2048xf32>
    %broadcast_in_dim3A_288 = vector.shape_cast %reduce_sum3A_287 : vector<2048xf32> to vector<1x2048xf32>
    %get3A_289 = arith.constant 15 : index
    %get3A_290 = arith.constant 0 : index
    %get3A_291 = vector.load %arg7[%get3A_289, %get3A_290] : memref<32x2048xf32, #tpu.memory_space<vmem>>, vector<1x2048xf32>
    %add3A_292 = arith.addf %get3A_291, %broadcast_in_dim3A_288 : vector<1x2048xf32>
    %swap3A_293 = arith.constant 15 : index
    %swap3A_294 = arith.constant 0 : index
    %swap3A_295 = vector.load %arg7[%swap3A_293, %swap3A_294] : memref<32x2048xf32, #tpu.memory_space<vmem>>, vector<1x2048xf32>
    tpu.vector_store %arg7[%swap3A_293, %swap3A_294], %add3A_292 {strides = array<i32>} : memref<32x2048xf32, #tpu.memory_space<vmem>>, vector<1x2048xf32>,
    %get3A_296 = arith.constant 0 : index
    %get3A_297 = arith.constant 16 : index
    %get3A_298 = vector.load %arg2[%get3A_296, %get3A_297] : memref<128x32xf32, #tpu.memory_space<vmem>>, vector<128x1xf32>
    %sub3A_299 = vector.broadcast %get3A_298 : vector<128x1xf32> to vector<128x2048xf32>
    %sub3A_300 = arith.subf %get3A_3, %sub3A_299 : vector<128x2048xf32>
    %max3A_301 = arith.constant 0.000000e+00 : f32
    %max3A_302 = vector.broadcast %max3A_301 : f32 to vector<128x2048xf32>
    %max3A_303 = arith.maximumf %sub3A_300, %max3A_302 : vector<128x2048xf32>
    %reduce_sum3A_304 = arith.constant dense<0.000000e+00> : vector<2048xf32>
    %reduce_sum3A_305 = vector.multi_reduction <add>, %max3A_303, %reduce_sum3A_304 [0] : vector<128x2048xf32> to vector<2048xf32>
    %broadcast_in_dim3A_306 = vector.shape_cast %reduce_sum3A_305 : vector<2048xf32> to vector<1x2048xf32>
    %get3A_307 = arith.constant 16 : index
    %get3A_308 = arith.constant 0 : index
    %get3A_309 = vector.load %arg7[%get3A_307, %get3A_308] : memref<32x2048xf32, #tpu.memory_space<vmem>>, vector<1x2048xf32>
    %add3A_310 = arith.addf %get3A_309, %broadcast_in_dim3A_306 : vector<1x2048xf32>
    %swap3A_311 = arith.constant 16 : index
    %swap3A_312 = arith.constant 0 : index
    %swap3A_313 = vector.load %arg7[%swap3A_311, %swap3A_312] : memref<32x2048xf32, #tpu.memory_space<vmem>>, vector<1x2048xf32>
    tpu.vector_store %arg7[%swap3A_311, %swap3A_312], %add3A_310 {strides = array<i32>} : memref<32x2048xf32, #tpu.memory_space<vmem>>, vector<1x2048xf32>,
    %get3A_314 = arith.constant 0 : index
    %get3A_315 = arith.constant 17 : index
    %get3A_316 = vector.load %arg2[%get3A_314, %get3A_315] : memref<128x32xf32, #tpu.memory_space<vmem>>, vector<128x1xf32>
    %sub3A_317 = vector.broadcast %get3A_316 : vector<128x1xf32> to vector<128x2048xf32>
    %sub3A_318 = arith.subf %get3A_3, %sub3A_317 : vector<128x2048xf32>
    %max3A_319 = arith.constant 0.000000e+00 : f32
    %max3A_320 = vector.broadcast %max3A_319 : f32 to vector<128x2048xf32>
    %max3A_321 = arith.maximumf %sub3A_318, %max3A_320 : vector<128x2048xf32>
    %reduce_sum3A_322 = arith.constant dense<0.000000e+00> : vector<2048xf32>
    %reduce_sum3A_323 = vector.multi_reduction <add>, %max3A_321, %reduce_sum3A_322 [0] : vector<128x2048xf32> to vector<2048xf32>
    %broadcast_in_dim3A_324 = vector.shape_cast %reduce_sum3A_323 : vector<2048xf32> to vector<1x2048xf32>
    %get3A_325 = arith.constant 17 : index
    %get3A_326 = arith.constant 0 : index
    %get3A_327 = vector.load %arg7[%get3A_325, %get3A_326] : memref<32x2048xf32, #tpu.memory_space<vmem>>, vector<1x2048xf32>
    %add3A_328 = arith.addf %get3A_327, %broadcast_in_dim3A_324 : vector<1x2048xf32>
    %swap3A_329 = arith.constant 17 : index
    %swap3A_330 = arith.constant 0 : index
    %swap3A_331 = vector.load %arg7[%swap3A_329, %swap3A_330] : memref<32x2048xf32, #tpu.memory_space<vmem>>, vector<1x2048xf32>
    tpu.vector_store %arg7[%swap3A_329, %swap3A_330], %add3A_328 {strides = array<i32>} : memref<32x2048xf32, #tpu.memory_space<vmem>>, vector<1x2048xf32>,
    %get3A_332 = arith.constant 0 : index
    %get3A_333 = arith.constant 18 : index
    %get3A_334 = vector.load %arg2[%get3A_332, %get3A_333] : memref<128x32xf32, #tpu.memory_space<vmem>>, vector<128x1xf32>
    %sub3A_335 = vector.broadcast %get3A_334 : vector<128x1xf32> to vector<128x2048xf32>
    %sub3A_336 = arith.subf %get3A_3, %sub3A_335 : vector<128x2048xf32>
    %max3A_337 = arith.constant 0.000000e+00 : f32
    %max3A_338 = vector.broadcast %max3A_337 : f32 to vector<128x2048xf32>
    %max3A_339 = arith.maximumf %sub3A_336, %max3A_338 : vector<128x2048xf32>
    %reduce_sum3A_340 = arith.constant dense<0.000000e+00> : vector<2048xf32>
    %reduce_sum3A_341 = vector.multi_reduction <add>, %max3A_339, %reduce_sum3A_340 [0] : vector<128x2048xf32> to vector<2048xf32>
    %broadcast_in_dim3A_342 = vector.shape_cast %reduce_sum3A_341 : vector<2048xf32> to vector<1x2048xf32>
    %get3A_343 = arith.constant 18 : index
    %get3A_344 = arith.constant 0 : index
    %get3A_345 = vector.load %arg7[%get3A_343, %get3A_344] : memref<32x2048xf32, #tpu.memory_space<vmem>>, vector<1x2048xf32>
    %add3A_346 = arith.addf %get3A_345, %broadcast_in_dim3A_342 : vector<1x2048xf32>
    %swap3A_347 = arith.constant 18 : index
    %swap3A_348 = arith.constant 0 : index
    %swap3A_349 = vector.load %arg7[%swap3A_347, %swap3A_348] : memref<32x2048xf32, #tpu.memory_space<vmem>>, vector<1x2048xf32>
    tpu.vector_store %arg7[%swap3A_347, %swap3A_348], %add3A_346 {strides = array<i32>} : memref<32x2048xf32, #tpu.memory_space<vmem>>, vector<1x2048xf32>,
    %get3A_350 = arith.constant 0 : index
    %get3A_351 = arith.constant 19 : index
    %get3A_352 = vector.load %arg2[%get3A_350, %get3A_351] : memref<128x32xf32, #tpu.memory_space<vmem>>, vector<128x1xf32>
    %sub3A_353 = vector.broadcast %get3A_352 : vector<128x1xf32> to vector<128x2048xf32>
    %sub3A_354 = arith.subf %get3A_3, %sub3A_353 : vector<128x2048xf32>
    %max3A_355 = arith.constant 0.000000e+00 : f32
    %max3A_356 = vector.broadcast %max3A_355 : f32 to vector<128x2048xf32>
    %max3A_357 = arith.maximumf %sub3A_354, %max3A_356 : vector<128x2048xf32>
    %reduce_sum3A_358 = arith.constant dense<0.000000e+00> : vector<2048xf32>
    %reduce_sum3A_359 = vector.multi_reduction <add>, %max3A_357, %reduce_sum3A_358 [0] : vector<128x2048xf32> to vector<2048xf32>
    %broadcast_in_dim3A_360 = vector.shape_cast %reduce_sum3A_359 : vector<2048xf32> to vector<1x2048xf32>
    %get3A_361 = arith.constant 19 : index
    %get3A_362 = arith.constant 0 : index
    %get3A_363 = vector.load %arg7[%get3A_361, %get3A_362] : memref<32x2048xf32, #tpu.memory_space<vmem>>, vector<1x2048xf32>
    %add3A_364 = arith.addf %get3A_363, %broadcast_in_dim3A_360 : vector<1x2048xf32>
    %swap3A_365 = arith.constant 19 : index
    %swap3A_366 = arith.constant 0 : index
    %swap3A_367 = vector.load %arg7[%swap3A_365, %swap3A_366] : memref<32x2048xf32, #tpu.memory_space<vmem>>, vector<1x2048xf32>
    tpu.vector_store %arg7[%swap3A_365, %swap3A_366], %add3A_364 {strides = array<i32>} : memref<32x2048xf32, #tpu.memory_space<vmem>>, vector<1x2048xf32>,
    %get3A_368 = arith.constant 0 : index
    %get3A_369 = arith.constant 20 : index
    %get3A_370 = vector.load %arg2[%get3A_368, %get3A_369] : memref<128x32xf32, #tpu.memory_space<vmem>>, vector<128x1xf32>
    %sub3A_371 = vector.broadcast %get3A_370 : vector<128x1xf32> to vector<128x2048xf32>
    %sub3A_372 = arith.subf %get3A_3, %sub3A_371 : vector<128x2048xf32>
    %max3A_373 = arith.constant 0.000000e+00 : f32
    %max3A_374 = vector.broadcast %max3A_373 : f32 to vector<128x2048xf32>
    %max3A_375 = arith.maximumf %sub3A_372, %max3A_374 : vector<128x2048xf32>
    %reduce_sum3A_376 = arith.constant dense<0.000000e+00> : vector<2048xf32>
    %reduce_sum3A_377 = vector.multi_reduction <add>, %max3A_375, %reduce_sum3A_376 [0] : vector<128x2048xf32> to vector<2048xf32>
    %broadcast_in_dim3A_378 = vector.shape_cast %reduce_sum3A_377 : vector<2048xf32> to vector<1x2048xf32>
    %get3A_379 = arith.constant 20 : index
    %get3A_380 = arith.constant 0 : index
    %get3A_381 = vector.load %arg7[%get3A_379, %get3A_380] : memref<32x2048xf32, #tpu.memory_space<vmem>>, vector<1x2048xf32>
    %add3A_382 = arith.addf %get3A_381, %broadcast_in_dim3A_378 : vector<1x2048xf32>
    %swap3A_383 = arith.constant 20 : index
    %swap3A_384 = arith.constant 0 : index
    %swap3A_385 = vector.load %arg7[%swap3A_383, %swap3A_384] : memref<32x2048xf32, #tpu.memory_space<vmem>>, vector<1x2048xf32>
    tpu.vector_store %arg7[%swap3A_383, %swap3A_384], %add3A_382 {strides = array<i32>} : memref<32x2048xf32, #tpu.memory_space<vmem>>, vector<1x2048xf32>,
    %get3A_386 = arith.constant 0 : index
    %get3A_387 = arith.constant 21 : index
    %get3A_388 = vector.load %arg2[%get3A_386, %get3A_387] : memref<128x32xf32, #tpu.memory_space<vmem>>, vector<128x1xf32>
    %sub3A_389 = vector.broadcast %get3A_388 : vector<128x1xf32> to vector<128x2048xf32>
    %sub3A_390 = arith.subf %get3A_3, %sub3A_389 : vector<128x2048xf32>
    %max3A_391 = arith.constant 0.000000e+00 : f32
    %max3A_392 = vector.broadcast %max3A_391 : f32 to vector<128x2048xf32>
    %max3A_393 = arith.maximumf %sub3A_390, %max3A_392 : vector<128x2048xf32>
    %reduce_sum3A_394 = arith.constant dense<0.000000e+00> : vector<2048xf32>
    %reduce_sum3A_395 = vector.multi_reduction <add>, %max3A_393, %reduce_sum3A_394 [0] : vector<128x2048xf32> to vector<2048xf32>
    %broadcast_in_dim3A_396 = vector.shape_cast %reduce_sum3A_395 : vector<2048xf32> to vector<1x2048xf32>
    %get3A_397 = arith.constant 21 : index
    %get3A_398 = arith.constant 0 : index
    %get3A_399 = vector.load %arg7[%get3A_397, %get3A_398] : memref<32x2048xf32, #tpu.memory_space<vmem>>, vector<1x2048xf32>
    %add3A_400 = arith.addf %get3A_399, %broadcast_in_dim3A_396 : vector<1x2048xf32>
    %swap3A_401 = arith.constant 21 : index
    %swap3A_402 = arith.constant 0 : index
    %swap3A_403 = vector.load %arg7[%swap3A_401, %swap3A_402] : memref<32x2048xf32, #tpu.memory_space<vmem>>, vector<1x2048xf32>
    tpu.vector_store %arg7[%swap3A_401, %swap3A_402], %add3A_400 {strides = array<i32>} : memref<32x2048xf32, #tpu.memory_space<vmem>>, vector<1x2048xf32>,
    %get3A_404 = arith.constant 0 : index
    %get3A_405 = arith.constant 22 : index
    %get3A_406 = vector.load %arg2[%get3A_404, %get3A_405] : memref<128x32xf32, #tpu.memory_space<vmem>>, vector<128x1xf32>
    %sub3A_407 = vector.broadcast %get3A_406 : vector<128x1xf32> to vector<128x2048xf32>
    %sub3A_408 = arith.subf %get3A_3, %sub3A_407 : vector<128x2048xf32>
    %max3A_409 = arith.constant 0.000000e+00 : f32
    %max3A_410 = vector.broadcast %max3A_409 : f32 to vector<128x2048xf32>
    %max3A_411 = arith.maximumf %sub3A_408, %max3A_410 : vector<128x2048xf32>
    %reduce_sum3A_412 = arith.constant dense<0.000000e+00> : vector<2048xf32>
    %reduce_sum3A_413 = vector.multi_reduction <add>, %max3A_411, %reduce_sum3A_412 [0] : vector<128x2048xf32> to vector<2048xf32>
    %broadcast_in_dim3A_414 = vector.shape_cast %reduce_sum3A_413 : vector<2048xf32> to vector<1x2048xf32>
    %get3A_415 = arith.constant 22 : index
    %get3A_416 = arith.constant 0 : index
    %get3A_417 = vector.load %arg7[%get3A_415, %get3A_416] : memref<32x2048xf32, #tpu.memory_space<vmem>>, vector<1x2048xf32>
    %add3A_418 = arith.addf %get3A_417, %broadcast_in_dim3A_414 : vector<1x2048xf32>
    %swap3A_419 = arith.constant 22 : index
    %swap3A_420 = arith.constant 0 : index
    %swap3A_421 = vector.load %arg7[%swap3A_419, %swap3A_420] : memref<32x2048xf32, #tpu.memory_space<vmem>>, vector<1x2048xf32>
    tpu.vector_store %arg7[%swap3A_419, %swap3A_420], %add3A_418 {strides = array<i32>} : memref<32x2048xf32, #tpu.memory_space<vmem>>, vector<1x2048xf32>,
    %get3A_422 = arith.constant 0 : index
    %get3A_423 = arith.constant 23 : index
    %get3A_424 = vector.load %arg2[%get3A_422, %get3A_423] : memref<128x32xf32, #tpu.memory_space<vmem>>, vector<128x1xf32>
    %sub3A_425 = vector.broadcast %get3A_424 : vector<128x1xf32> to vector<128x2048xf32>
    %sub3A_426 = arith.subf %get3A_3, %sub3A_425 : vector<128x2048xf32>
    %max3A_427 = arith.constant 0.000000e+00 : f32
    %max3A_428 = vector.broadcast %max3A_427 : f32 to vector<128x2048xf32>
    %max3A_429 = arith.maximumf %sub3A_426, %max3A_428 : vector<128x2048xf32>
    %reduce_sum3A_430 = arith.constant dense<0.000000e+00> : vector<2048xf32>
    %reduce_sum3A_431 = vector.multi_reduction <add>, %max3A_429, %reduce_sum3A_430 [0] : vector<128x2048xf32> to vector<2048xf32>
    %broadcast_in_dim3A_432 = vector.shape_cast %reduce_sum3A_431 : vector<2048xf32> to vector<1x2048xf32>
    %get3A_433 = arith.constant 23 : index
    %get3A_434 = arith.constant 0 : index
    %get3A_435 = vector.load %arg7[%get3A_433, %get3A_434] : memref<32x2048xf32, #tpu.memory_space<vmem>>, vector<1x2048xf32>
    %add3A_436 = arith.addf %get3A_435, %broadcast_in_dim3A_432 : vector<1x2048xf32>
    %swap3A_437 = arith.constant 23 : index
    %swap3A_438 = arith.constant 0 : index
    %swap3A_439 = vector.load %arg7[%swap3A_437, %swap3A_438] : memref<32x2048xf32, #tpu.memory_space<vmem>>, vector<1x2048xf32>
    tpu.vector_store %arg7[%swap3A_437, %swap3A_438], %add3A_436 {strides = array<i32>} : memref<32x2048xf32, #tpu.memory_space<vmem>>, vector<1x2048xf32>,
    %get3A_440 = arith.constant 0 : index
    %get3A_441 = arith.constant 24 : index
    %get3A_442 = vector.load %arg2[%get3A_440, %get3A_441] : memref<128x32xf32, #tpu.memory_space<vmem>>, vector<128x1xf32>
    %sub3A_443 = vector.broadcast %get3A_442 : vector<128x1xf32> to vector<128x2048xf32>
    %sub3A_444 = arith.subf %get3A_3, %sub3A_443 : vector<128x2048xf32>
    %max3A_445 = arith.constant 0.000000e+00 : f32
    %max3A_446 = vector.broadcast %max3A_445 : f32 to vector<128x2048xf32>
    %max3A_447 = arith.maximumf %sub3A_444, %max3A_446 : vector<128x2048xf32>
    %reduce_sum3A_448 = arith.constant dense<0.000000e+00> : vector<2048xf32>
    %reduce_sum3A_449 = vector.multi_reduction <add>, %max3A_447, %reduce_sum3A_448 [0] : vector<128x2048xf32> to vector<2048xf32>
    %broadcast_in_dim3A_450 = vector.shape_cast %reduce_sum3A_449 : vector<2048xf32> to vector<1x2048xf32>
    %get3A_451 = arith.constant 24 : index
    %get3A_452 = arith.constant 0 : index
    %get3A_453 = vector.load %arg7[%get3A_451, %get3A_452] : memref<32x2048xf32, #tpu.memory_space<vmem>>, vector<1x2048xf32>
    %add3A_454 = arith.addf %get3A_453, %broadcast_in_dim3A_450 : vector<1x2048xf32>
    %swap3A_455 = arith.constant 24 : index
    %swap3A_456 = arith.constant 0 : index
    %swap3A_457 = vector.load %arg7[%swap3A_455, %swap3A_456] : memref<32x2048xf32, #tpu.memory_space<vmem>>, vector<1x2048xf32>
    tpu.vector_store %arg7[%swap3A_455, %swap3A_456], %add3A_454 {strides = array<i32>} : memref<32x2048xf32, #tpu.memory_space<vmem>>, vector<1x2048xf32>,
    %get3A_458 = arith.constant 0 : index
    %get3A_459 = arith.constant 25 : index
    %get3A_460 = vector.load %arg2[%get3A_458, %get3A_459] : memref<128x32xf32, #tpu.memory_space<vmem>>, vector<128x1xf32>
    %sub3A_461 = vector.broadcast %get3A_460 : vector<128x1xf32> to vector<128x2048xf32>
    %sub3A_462 = arith.subf %get3A_3, %sub3A_461 : vector<128x2048xf32>
    %max3A_463 = arith.constant 0.000000e+00 : f32
    %max3A_464 = vector.broadcast %max3A_463 : f32 to vector<128x2048xf32>
    %max3A_465 = arith.maximumf %sub3A_462, %max3A_464 : vector<128x2048xf32>
    %reduce_sum3A_466 = arith.constant dense<0.000000e+00> : vector<2048xf32>
    %reduce_sum3A_467 = vector.multi_reduction <add>, %max3A_465, %reduce_sum3A_466 [0] : vector<128x2048xf32> to vector<2048xf32>
    %broadcast_in_dim3A_468 = vector.shape_cast %reduce_sum3A_467 : vector<2048xf32> to vector<1x2048xf32>
    %get3A_469 = arith.constant 25 : index
    %get3A_470 = arith.constant 0 : index
    %get3A_471 = vector.load %arg7[%get3A_469, %get3A_470] : memref<32x2048xf32, #tpu.memory_space<vmem>>, vector<1x2048xf32>
    %add3A_472 = arith.addf %get3A_471, %broadcast_in_dim3A_468 : vector<1x2048xf32>
    %swap3A_473 = arith.constant 25 : index
    %swap3A_474 = arith.constant 0 : index
    %swap3A_475 = vector.load %arg7[%swap3A_473, %swap3A_474] : memref<32x2048xf32, #tpu.memory_space<vmem>>, vector<1x2048xf32>
    tpu.vector_store %arg7[%swap3A_473, %swap3A_474], %add3A_472 {strides = array<i32>} : memref<32x2048xf32, #tpu.memory_space<vmem>>, vector<1x2048xf32>,
    %get3A_476 = arith.constant 0 : index
    %get3A_477 = arith.constant 26 : index
    %get3A_478 = vector.load %arg2[%get3A_476, %get3A_477] : memref<128x32xf32, #tpu.memory_space<vmem>>, vector<128x1xf32>
    %sub3A_479 = vector.broadcast %get3A_478 : vector<128x1xf32> to vector<128x2048xf32>
    %sub3A_480 = arith.subf %get3A_3, %sub3A_479 : vector<128x2048xf32>
    %max3A_481 = arith.constant 0.000000e+00 : f32
    %max3A_482 = vector.broadcast %max3A_481 : f32 to vector<128x2048xf32>
    %max3A_483 = arith.maximumf %sub3A_480, %max3A_482 : vector<128x2048xf32>
    %reduce_sum3A_484 = arith.constant dense<0.000000e+00> : vector<2048xf32>
    %reduce_sum3A_485 = vector.multi_reduction <add>, %max3A_483, %reduce_sum3A_484 [0] : vector<128x2048xf32> to vector<2048xf32>
    %broadcast_in_dim3A_486 = vector.shape_cast %reduce_sum3A_485 : vector<2048xf32> to vector<1x2048xf32>
    %get3A_487 = arith.constant 26 : index
    %get3A_488 = arith.constant 0 : index
    %get3A_489 = vector.load %arg7[%get3A_487, %get3A_488] : memref<32x2048xf32, #tpu.memory_space<vmem>>, vector<1x2048xf32>
    %add3A_490 = arith.addf %get3A_489, %broadcast_in_dim3A_486 : vector<1x2048xf32>
    %swap3A_491 = arith.constant 26 : index
    %swap3A_492 = arith.constant 0 : index
    %swap3A_493 = vector.load %arg7[%swap3A_491, %swap3A_492] : memref<32x2048xf32, #tpu.memory_space<vmem>>, vector<1x2048xf32>
    tpu.vector_store %arg7[%swap3A_491, %swap3A_492], %add3A_490 {strides = array<i32>} : memref<32x2048xf32, #tpu.memory_space<vmem>>, vector<1x2048xf32>,
    %get3A_494 = arith.constant 0 : index
    %get3A_495 = arith.constant 27 : index
    %get3A_496 = vector.load %arg2[%get3A_494, %get3A_495] : memref<128x32xf32, #tpu.memory_space<vmem>>, vector<128x1xf32>
    %sub3A_497 = vector.broadcast %get3A_496 : vector<128x1xf32> to vector<128x2048xf32>
    %sub3A_498 = arith.subf %get3A_3, %sub3A_497 : vector<128x2048xf32>
    %max3A_499 = arith.constant 0.000000e+00 : f32
    %max3A_500 = vector.broadcast %max3A_499 : f32 to vector<128x2048xf32>
    %max3A_501 = arith.maximumf %sub3A_498, %max3A_500 : vector<128x2048xf32>
    %reduce_sum3A_502 = arith.constant dense<0.000000e+00> : vector<2048xf32>
    %reduce_sum3A_503 = vector.multi_reduction <add>, %max3A_501, %reduce_sum3A_502 [0] : vector<128x2048xf32> to vector<2048xf32>
    %broadcast_in_dim3A_504 = vector.shape_cast %reduce_sum3A_503 : vector<2048xf32> to vector<1x2048xf32>
    %get3A_505 = arith.constant 27 : index
    %get3A_506 = arith.constant 0 : index
    %get3A_507 = vector.load %arg7[%get3A_505, %get3A_506] : memref<32x2048xf32, #tpu.memory_space<vmem>>, vector<1x2048xf32>
    %add3A_508 = arith.addf %get3A_507, %broadcast_in_dim3A_504 : vector<1x2048xf32>
    %swap3A_509 = arith.constant 27 : index
    %swap3A_510 = arith.constant 0 : index
    %swap3A_511 = vector.load %arg7[%swap3A_509, %swap3A_510] : memref<32x2048xf32, #tpu.memory_space<vmem>>, vector<1x2048xf32>
    tpu.vector_store %arg7[%swap3A_509, %swap3A_510], %add3A_508 {strides = array<i32>} : memref<32x2048xf32, #tpu.memory_space<vmem>>, vector<1x2048xf32>,
    %get3A_512 = arith.constant 0 : index
    %get3A_513 = arith.constant 28 : index
    %get3A_514 = vector.load %arg2[%get3A_512, %get3A_513] : memref<128x32xf32, #tpu.memory_space<vmem>>, vector<128x1xf32>
    %sub3A_515 = vector.broadcast %get3A_514 : vector<128x1xf32> to vector<128x2048xf32>
    %sub3A_516 = arith.subf %get3A_3, %sub3A_515 : vector<128x2048xf32>
    %max3A_517 = arith.constant 0.000000e+00 : f32
    %max3A_518 = vector.broadcast %max3A_517 : f32 to vector<128x2048xf32>
    %max3A_519 = arith.maximumf %sub3A_516, %max3A_518 : vector<128x2048xf32>
    %reduce_sum3A_520 = arith.constant dense<0.000000e+00> : vector<2048xf32>
    %reduce_sum3A_521 = vector.multi_reduction <add>, %max3A_519, %reduce_sum3A_520 [0] : vector<128x2048xf32> to vector<2048xf32>
    %broadcast_in_dim3A_522 = vector.shape_cast %reduce_sum3A_521 : vector<2048xf32> to vector<1x2048xf32>
    %get3A_523 = arith.constant 28 : index
    %get3A_524 = arith.constant 0 : index
    %get3A_525 = vector.load %arg7[%get3A_523, %get3A_524] : memref<32x2048xf32, #tpu.memory_space<vmem>>, vector<1x2048xf32>
    %add3A_526 = arith.addf %get3A_525, %broadcast_in_dim3A_522 : vector<1x2048xf32>
    %swap3A_527 = arith.constant 28 : index
    %swap3A_528 = arith.constant 0 : index
    %swap3A_529 = vector.load %arg7[%swap3A_527, %swap3A_528] : memref<32x2048xf32, #tpu.memory_space<vmem>>, vector<1x2048xf32>
    tpu.vector_store %arg7[%swap3A_527, %swap3A_528], %add3A_526 {strides = array<i32>} : memref<32x2048xf32, #tpu.memory_space<vmem>>, vector<1x2048xf32>,
    %get3A_530 = arith.constant 0 : index
    %get3A_531 = arith.constant 29 : index
    %get3A_532 = vector.load %arg2[%get3A_530, %get3A_531] : memref<128x32xf32, #tpu.memory_space<vmem>>, vector<128x1xf32>
    %sub3A_533 = vector.broadcast %get3A_532 : vector<128x1xf32> to vector<128x2048xf32>
    %sub3A_534 = arith.subf %get3A_3, %sub3A_533 : vector<128x2048xf32>
    %max3A_535 = arith.constant 0.000000e+00 : f32
    %max3A_536 = vector.broadcast %max3A_535 : f32 to vector<128x2048xf32>
    %max3A_537 = arith.maximumf %sub3A_534, %max3A_536 : vector<128x2048xf32>
    %reduce_sum3A_538 = arith.constant dense<0.000000e+00> : vector<2048xf32>
    %reduce_sum3A_539 = vector.multi_reduction <add>, %max3A_537, %reduce_sum3A_538 [0] : vector<128x2048xf32> to vector<2048xf32>
    %broadcast_in_dim3A_540 = vector.shape_cast %reduce_sum3A_539 : vector<2048xf32> to vector<1x2048xf32>
    %get3A_541 = arith.constant 29 : index
    %get3A_542 = arith.constant 0 : index
    %get3A_543 = vector.load %arg7[%get3A_541, %get3A_542] : memref<32x2048xf32, #tpu.memory_space<vmem>>, vector<1x2048xf32>
    %add3A_544 = arith.addf %get3A_543, %broadcast_in_dim3A_540 : vector<1x2048xf32>
    %swap3A_545 = arith.constant 29 : index
    %swap3A_546 = arith.constant 0 : index
    %swap3A_547 = vector.load %arg7[%swap3A_545, %swap3A_546] : memref<32x2048xf32, #tpu.memory_space<vmem>>, vector<1x2048xf32>
    tpu.vector_store %arg7[%swap3A_545, %swap3A_546], %add3A_544 {strides = array<i32>} : memref<32x2048xf32, #tpu.memory_space<vmem>>, vector<1x2048xf32>,
    %get3A_548 = arith.constant 0 : index
    %get3A_549 = arith.constant 30 : index
    %get3A_550 = vector.load %arg2[%get3A_548, %get3A_549] : memref<128x32xf32, #tpu.memory_space<vmem>>, vector<128x1xf32>
    %sub3A_551 = vector.broadcast %get3A_550 : vector<128x1xf32> to vector<128x2048xf32>
    %sub3A_552 = arith.subf %get3A_3, %sub3A_551 : vector<128x2048xf32>
    %max3A_553 = arith.constant 0.000000e+00 : f32
    %max3A_554 = vector.broadcast %max3A_553 : f32 to vector<128x2048xf32>
    %max3A_555 = arith.maximumf %sub3A_552, %max3A_554 : vector<128x2048xf32>
    %reduce_sum3A_556 = arith.constant dense<0.000000e+00> : vector<2048xf32>
    %reduce_sum3A_557 = vector.multi_reduction <add>, %max3A_555, %reduce_sum3A_556 [0] : vector<128x2048xf32> to vector<2048xf32>
    %broadcast_in_dim3A_558 = vector.shape_cast %reduce_sum3A_557 : vector<2048xf32> to vector<1x2048xf32>
    %get3A_559 = arith.constant 30 : index
    %get3A_560 = arith.constant 0 : index
    %get3A_561 = vector.load %arg7[%get3A_559, %get3A_560] : memref<32x2048xf32, #tpu.memory_space<vmem>>, vector<1x2048xf32>
    %add3A_562 = arith.addf %get3A_561, %broadcast_in_dim3A_558 : vector<1x2048xf32>
    %swap3A_563 = arith.constant 30 : index
    %swap3A_564 = arith.constant 0 : index
    %swap3A_565 = vector.load %arg7[%swap3A_563, %swap3A_564] : memref<32x2048xf32, #tpu.memory_space<vmem>>, vector<1x2048xf32>
    tpu.vector_store %arg7[%swap3A_563, %swap3A_564], %add3A_562 {strides = array<i32>} : memref<32x2048xf32, #tpu.memory_space<vmem>>, vector<1x2048xf32>,
    %get3A_566 = arith.constant 0 : index
    %get3A_567 = arith.constant 31 : index
    %get3A_568 = vector.load %arg2[%get3A_566, %get3A_567] : memref<128x32xf32, #tpu.memory_space<vmem>>, vector<128x1xf32>
    %sub3A_569 = vector.broadcast %get3A_568 : vector<128x1xf32> to vector<128x2048xf32>
    %sub3A_570 = arith.subf %get3A_3, %sub3A_569 : vector<128x2048xf32>
    %max3A_571 = arith.constant 0.000000e+00 : f32
    %max3A_572 = vector.broadcast %max3A_571 : f32 to vector<128x2048xf32>
    %max3A_573 = arith.maximumf %sub3A_570, %max3A_572 : vector<128x2048xf32>
    %reduce_sum3A_574 = arith.constant dense<0.000000e+00> : vector<2048xf32>
    %reduce_sum3A_575 = vector.multi_reduction <add>, %max3A_573, %reduce_sum3A_574 [0] : vector<128x2048xf32> to vector<2048xf32>
    %broadcast_in_dim3A_576 = vector.shape_cast %reduce_sum3A_575 : vector<2048xf32> to vector<1x2048xf32>
    %get3A_577 = arith.constant 31 : index
    %get3A_578 = arith.constant 0 : index
    %get3A_579 = vector.load %arg7[%get3A_577, %get3A_578] : memref<32x2048xf32, #tpu.memory_space<vmem>>, vector<1x2048xf32>
    %add3A_580 = arith.addf %get3A_579, %broadcast_in_dim3A_576 : vector<1x2048xf32>
    %swap3A_581 = arith.constant 31 : index
    %swap3A_582 = arith.constant 0 : index
    %swap3A_583 = vector.load %arg7[%swap3A_581, %swap3A_582] : memref<32x2048xf32, #tpu.memory_space<vmem>>, vector<1x2048xf32>
    tpu.vector_store %arg7[%swap3A_581, %swap3A_582], %add3A_580 {strides = array<i32>} : memref<32x2048xf32, #tpu.memory_space<vmem>>, vector<1x2048xf32>,
    %eq3A_584 = arith.constant 7 : i32
    %eq3A_585 = arith.cmpi eq, %arg0, %eq3A_584 : i32
    %convert_element_type3A_586 = arith.extui %eq3A_585 : i1 to i32
    %cond3A_587 = arith.constant 0 : i32
    %cond3A_588 = arith.cmpi ne, %convert_element_type3A_586, %cond3A_587 : i32
    scf.if %cond3A_588 {
      %get3A_589 = arith.constant 0 : index
      %get3A_590 = arith.constant 0 : index
      %get3A_591 = vector.load %arg8[%get3A_589, %get3A_590] : memref<1x2048xf32, #tpu.memory_space<vmem>>, vector<1x2048xf32>
      %eq3A_592 = arith.constant 0.000000e+00 : f32
      %eq3A_593 = vector.broadcast %eq3A_592 : f32 to vector<1x2048xf32>
      %eq3A_594 = arith.cmpf oeq, %get3A_591, %eq3A_593 : vector<1x2048xf32>
      %get3A_595 = arith.constant 0 : index
      %get3A_596 = arith.constant 0 : index
      %get3A_597 = vector.load %arg7[%get3A_595, %get3A_596] : memref<32x2048xf32, #tpu.memory_space<vmem>>, vector<32x2048xf32>
      %div3A = vector.broadcast %get3A_591 : vector<1x2048xf32> to vector<32x2048xf32>
      %div3A_598 = arith.divf %get3A_597, %div3A : vector<32x2048xf32>
      %jit3A = arith.constant 0.000000e+00 : f32
      %broadcast_in_dim3A_599 = vector.shape_cast %eq3A_594 : vector<1x2048xi1> to vector<1x2048xi1>
      %broadcast_in_dim3A_600 = vector.broadcast %broadcast_in_dim3A_599 : vector<1x2048xi1> to vector<32x2048xi1>
      %broadcast_in_dim3A_601 = vector.broadcast %jit3A : f32 to vector<32x2048xf32>
      %select_n3A = arith.select %broadcast_in_dim3A_600, %broadcast_in_dim3A_601, %div3A_598 : vector<32x2048xi1>, vector<32x2048xf32>
      %get3A_602 = arith.constant 0 : index
      %get3A_603 = arith.constant 0 : index
      %get3A_604 = vector.load %arg3[%get3A_602, %get3A_603] : memref<2048x32xf32, #tpu.memory_space<vmem>>, vector<2048x32xf32>
      %transpose3A = tpu.transpose %get3A_604, [1, 0] : vector<2048x32xf32> -> vector<32x2048xf32>
      %swap3A_605 = arith.constant 0 : index
      %swap3A_606 = arith.constant 0 : index
      %swap3A_607 = vector.load %arg6[%swap3A_605, %swap3A_606] : memref<32x2048xf32, #tpu.memory_space<vmem>>, vector<32x2048xf32>
      tpu.vector_store %arg6[%swap3A_605, %swap3A_606], %transpose3A {strides = array<i32>} : memref<32x2048xf32, #tpu.memory_space<vmem>>, vector<32x2048xf32>,
      %iota3A = tpu.iota {dimensions = array<i32: 1>} : vector<32x2048xi32>
      %mul3A = arith.constant 0x49800000 : f32
      %mul3A_608 = vector.broadcast %mul3A : f32 to vector<32x2048xf32>
      %mul3A_609 = arith.mulf %select_n3A, %mul3A_608 : vector<32x2048xf32>
      %convert_element_type3A_610 = arith.fptosi %mul3A_609 : vector<32x2048xf32> to vector<32x2048xi32>
      %min3A = arith.constant 1048575 : i32
      %min3A_611 = vector.broadcast %min3A : i32 to vector<32x2048xi32>
      %min3A_612 = arith.minsi %convert_element_type3A_610, %min3A_611 : vector<32x2048xi32>
      %mul3A_613 = arith.constant 2048 : i32
      %mul3A_614 = vector.broadcast %mul3A_613 : i32 to vector<32x2048xi32>
      %mul3A_615 = arith.muli %min3A_612, %mul3A_614 : vector<32x2048xi32>
      %sub3A_616 = arith.constant 2047 : i32
      %sub3A_617 = vector.broadcast %sub3A_616 : i32 to vector<32x2048xi32>
      %sub3A_618 = arith.subi %sub3A_617, %iota3A : vector<32x2048xi32>
      %add3A_619 = arith.addi %mul3A_615, %sub3A_618 : vector<32x2048xi32>
      %bitcast_convert_type3A = tpu.bitcast %transpose3A : vector<32x2048xf32> -> vector<32x2048xi32>
      %concatenate3A = tpu.concatenate %add3A_619, %bitcast_convert_type3A in 0 : vector<32x2048xi32>, vector<32x2048xi32> -> vector<64x2048xi32>
      %iota3A_620 = tpu.iota {dimensions = array<i32: 1>} : vector<1x2048xi32>
      %iota3A_621 = tpu.iota {dimensions = array<i32: 1>} : vector<1x2048xi32>
      %and3A = arith.constant 1 : i32
      %and3A_622 = vector.broadcast %and3A : i32 to vector<1x2048xi32>
      %and3A_623 = arith.andi %iota3A_621, %and3A_622 : vector<1x2048xi32>
      %eq3A_624 = arith.constant 0 : i32
      %eq3A_625 = vector.broadcast %eq3A_624 : i32 to vector<1x2048xi32>
      %eq3A_626 = arith.cmpi eq, %and3A_623, %eq3A_625 : vector<1x2048xi32>
      %roll3A = arith.constant 2047 : i32
      %roll3A_627 = tpu.dynamic_rotate %concatenate3A by %roll3A dim 1 : vector<64x2048xi32>, i32 -> vector<64x2048xi32>
      %roll3A_628 = arith.constant 1 : i32
      %roll3A_629 = tpu.dynamic_rotate %concatenate3A by %roll3A_628 dim 1 : vector<64x2048xi32>, i32 -> vector<64x2048xi32>
      %broadcast_in_dim3A_630 = vector.shape_cast %eq3A_626 : vector<1x2048xi1> to vector<1x2048xi1>
      %broadcast_in_dim3A_631 = vector.broadcast %broadcast_in_dim3A_630 : vector<1x2048xi1> to vector<64x2048xi1>
      %select_n3A_632 = arith.select %broadcast_in_dim3A_631, %roll3A_627, %roll3A_629 : vector<64x2048xi1>, vector<64x2048xi32>
      %and3A_633 = arith.constant 1 : i32
      %and3A_634 = vector.broadcast %and3A_633 : i32 to vector<1x2048xi32>
      %and3A_635 = arith.andi %iota3A_620, %and3A_634 : vector<1x2048xi32>
      %eq3A_636 = arith.constant 0 : i32
      %eq3A_637 = vector.broadcast %eq3A_636 : i32 to vector<1x2048xi32>
      %eq3A_638 = arith.cmpi eq, %and3A_635, %eq3A_637 : vector<1x2048xi32>
      %and3A_639 = arith.constant 2 : i32
      %and3A_640 = vector.broadcast %and3A_639 : i32 to vector<1x2048xi32>
      %and3A_641 = arith.andi %iota3A_620, %and3A_640 : vector<1x2048xi32>
      %eq3A_642 = arith.constant 0 : i32
      %eq3A_643 = vector.broadcast %eq3A_642 : i32 to vector<1x2048xi32>
      %eq3A_644 = arith.cmpi eq, %and3A_641, %eq3A_643 : vector<1x2048xi32>
      %xor3A = arith.xori %eq3A_638, %eq3A_644 : vector<1x2048xi1>
      %min3A_645 = arith.minsi %concatenate3A, %select_n3A_632 : vector<64x2048xi32>
      %max3A_646 = arith.maxsi %concatenate3A, %select_n3A_632 : vector<64x2048xi32>
      %broadcast_in_dim3A_647 = vector.shape_cast %xor3A : vector<1x2048xi1> to vector<1x2048xi1>
      %broadcast_in_dim3A_648 = vector.broadcast %broadcast_in_dim3A_647 : vector<1x2048xi1> to vector<64x2048xi1>
      %select_n3A_649 = arith.select %broadcast_in_dim3A_648, %min3A_645, %max3A_646 : vector<64x2048xi1>, vector<64x2048xi32>
      %iota3A_650 = tpu.iota {dimensions = array<i32: 1>} : vector<1x2048xi32>
      %and3A_651 = arith.constant 2 : i32
      %and3A_652 = vector.broadcast %and3A_651 : i32 to vector<1x2048xi32>
      %and3A_653 = arith.andi %iota3A_650, %and3A_652 : vector<1x2048xi32>
      %eq3A_654 = arith.constant 0 : i32
      %eq3A_655 = vector.broadcast %eq3A_654 : i32 to vector<1x2048xi32>
      %eq3A_656 = arith.cmpi eq, %and3A_653, %eq3A_655 : vector<1x2048xi32>
      %roll3A_657 = arith.constant 2046 : i32
      %roll3A_658 = tpu.dynamic_rotate %select_n3A_649 by %roll3A_657 dim 1 : vector<64x2048xi32>, i32 -> vector<64x2048xi32>
      %roll3A_659 = arith.constant 2 : i32
      %roll3A_660 = tpu.dynamic_rotate %select_n3A_649 by %roll3A_659 dim 1 : vector<64x2048xi32>, i32 -> vector<64x2048xi32>
      %broadcast_in_dim3A_661 = vector.shape_cast %eq3A_656 : vector<1x2048xi1> to vector<1x2048xi1>
      %broadcast_in_dim3A_662 = vector.broadcast %broadcast_in_dim3A_661 : vector<1x2048xi1> to vector<64x2048xi1>
      %select_n3A_663 = arith.select %broadcast_in_dim3A_662, %roll3A_658, %roll3A_660 : vector<64x2048xi1>, vector<64x2048xi32>
      %and3A_664 = arith.constant 2 : i32
      %and3A_665 = vector.broadcast %and3A_664 : i32 to vector<1x2048xi32>
      %and3A_666 = arith.andi %iota3A_620, %and3A_665 : vector<1x2048xi32>
      %eq3A_667 = arith.constant 0 : i32
      %eq3A_668 = vector.broadcast %eq3A_667 : i32 to vector<1x2048xi32>
      %eq3A_669 = arith.cmpi eq, %and3A_666, %eq3A_668 : vector<1x2048xi32>
      %and3A_670 = arith.constant 4 : i32
      %and3A_671 = vector.broadcast %and3A_670 : i32 to vector<1x2048xi32>
      %and3A_672 = arith.andi %iota3A_620, %and3A_671 : vector<1x2048xi32>
      %eq3A_673 = arith.constant 0 : i32
      %eq3A_674 = vector.broadcast %eq3A_673 : i32 to vector<1x2048xi32>
      %eq3A_675 = arith.cmpi eq, %and3A_672, %eq3A_674 : vector<1x2048xi32>
      %xor3A_676 = arith.xori %eq3A_669, %eq3A_675 : vector<1x2048xi1>
      %min3A_677 = arith.minsi %select_n3A_649, %select_n3A_663 : vector<64x2048xi32>
      %max3A_678 = arith.maxsi %select_n3A_649, %select_n3A_663 : vector<64x2048xi32>
      %broadcast_in_dim3A_679 = vector.shape_cast %xor3A_676 : vector<1x2048xi1> to vector<1x2048xi1>
      %broadcast_in_dim3A_680 = vector.broadcast %broadcast_in_dim3A_679 : vector<1x2048xi1> to vector<64x2048xi1>
      %select_n3A_681 = arith.select %broadcast_in_dim3A_680, %min3A_677, %max3A_678 : vector<64x2048xi1>, vector<64x2048xi32>
      %iota3A_682 = tpu.iota {dimensions = array<i32: 1>} : vector<1x2048xi32>
      %and3A_683 = arith.constant 1 : i32
      %and3A_684 = vector.broadcast %and3A_683 : i32 to vector<1x2048xi32>
      %and3A_685 = arith.andi %iota3A_682, %and3A_684 : vector<1x2048xi32>
      %eq3A_686 = arith.constant 0 : i32
      %eq3A_687 = vector.broadcast %eq3A_686 : i32 to vector<1x2048xi32>
      %eq3A_688 = arith.cmpi eq, %and3A_685, %eq3A_687 : vector<1x2048xi32>
      %roll3A_689 = arith.constant 2047 : i32
      %roll3A_690 = tpu.dynamic_rotate %select_n3A_681 by %roll3A_689 dim 1 : vector<64x2048xi32>, i32 -> vector<64x2048xi32>
      %roll3A_691 = arith.constant 1 : i32
      %roll3A_692 = tpu.dynamic_rotate %select_n3A_681 by %roll3A_691 dim 1 : vector<64x2048xi32>, i32 -> vector<64x2048xi32>
      %broadcast_in_dim3A_693 = vector.shape_cast %eq3A_688 : vector<1x2048xi1> to vector<1x2048xi1>
      %broadcast_in_dim3A_694 = vector.broadcast %broadcast_in_dim3A_693 : vector<1x2048xi1> to vector<64x2048xi1>
      %select_n3A_695 = arith.select %broadcast_in_dim3A_694, %roll3A_690, %roll3A_692 : vector<64x2048xi1>, vector<64x2048xi32>
      %and3A_696 = arith.constant 1 : i32
      %and3A_697 = vector.broadcast %and3A_696 : i32 to vector<1x2048xi32>
      %and3A_698 = arith.andi %iota3A_620, %and3A_697 : vector<1x2048xi32>
      %eq3A_699 = arith.constant 0 : i32
      %eq3A_700 = vector.broadcast %eq3A_699 : i32 to vector<1x2048xi32>
      %eq3A_701 = arith.cmpi eq, %and3A_698, %eq3A_700 : vector<1x2048xi32>
      %and3A_702 = arith.constant 4 : i32
      %and3A_703 = vector.broadcast %and3A_702 : i32 to vector<1x2048xi32>
      %and3A_704 = arith.andi %iota3A_620, %and3A_703 : vector<1x2048xi32>
      %eq3A_705 = arith.constant 0 : i32
      %eq3A_706 = vector.broadcast %eq3A_705 : i32 to vector<1x2048xi32>
      %eq3A_707 = arith.cmpi eq, %and3A_704, %eq3A_706 : vector<1x2048xi32>
      %xor3A_708 = arith.xori %eq3A_701, %eq3A_707 : vector<1x2048xi1>
      %min3A_709 = arith.minsi %select_n3A_681, %select_n3A_695 : vector<64x2048xi32>
      %max3A_710 = arith.maxsi %select_n3A_681, %select_n3A_695 : vector<64x2048xi32>
      %broadcast_in_dim3A_711 = vector.shape_cast %xor3A_708 : vector<1x2048xi1> to vector<1x2048xi1>
      %broadcast_in_dim3A_712 = vector.broadcast %broadcast_in_dim3A_711 : vector<1x2048xi1> to vector<64x2048xi1>
      %select_n3A_713 = arith.select %broadcast_in_dim3A_712, %min3A_709, %max3A_710 : vector<64x2048xi1>, vector<64x2048xi32>
      %iota3A_714 = tpu.iota {dimensions = array<i32: 1>} : vector<1x2048xi32>
      %and3A_715 = arith.constant 4 : i32
      %and3A_716 = vector.broadcast %and3A_715 : i32 to vector<1x2048xi32>
      %and3A_717 = arith.andi %iota3A_714, %and3A_716 : vector<1x2048xi32>
      %eq3A_718 = arith.constant 0 : i32
      %eq3A_719 = vector.broadcast %eq3A_718 : i32 to vector<1x2048xi32>
      %eq3A_720 = arith.cmpi eq, %and3A_717, %eq3A_719 : vector<1x2048xi32>
      %roll3A_721 = arith.constant 2044 : i32
      %roll3A_722 = tpu.dynamic_rotate %select_n3A_713 by %roll3A_721 dim 1 : vector<64x2048xi32>, i32 -> vector<64x2048xi32>
      %roll3A_723 = arith.constant 4 : i32
      %roll3A_724 = tpu.dynamic_rotate %select_n3A_713 by %roll3A_723 dim 1 : vector<64x2048xi32>, i32 -> vector<64x2048xi32>
      %broadcast_in_dim3A_725 = vector.shape_cast %eq3A_720 : vector<1x2048xi1> to vector<1x2048xi1>
      %broadcast_in_dim3A_726 = vector.broadcast %broadcast_in_dim3A_725 : vector<1x2048xi1> to vector<64x2048xi1>
      %select_n3A_727 = arith.select %broadcast_in_dim3A_726, %roll3A_722, %roll3A_724 : vector<64x2048xi1>, vector<64x2048xi32>
      %and3A_728 = arith.constant 4 : i32
      %and3A_729 = vector.broadcast %and3A_728 : i32 to vector<1x2048xi32>
      %and3A_730 = arith.andi %iota3A_620, %and3A_729 : vector<1x2048xi32>
      %eq3A_731 = arith.constant 0 : i32
      %eq3A_732 = vector.broadcast %eq3A_731 : i32 to vector<1x2048xi32>
      %eq3A_733 = arith.cmpi eq, %and3A_730, %eq3A_732 : vector<1x2048xi32>
      %and3A_734 = arith.constant 8 : i32
      %and3A_735 = vector.broadcast %and3A_734 : i32 to vector<1x2048xi32>
      %and3A_736 = arith.andi %iota3A_620, %and3A_735 : vector<1x2048xi32>
      %eq3A_737 = arith.constant 0 : i32
      %eq3A_738 = vector.broadcast %eq3A_737 : i32 to vector<1x2048xi32>
      %eq3A_739 = arith.cmpi eq, %and3A_736, %eq3A_738 : vector<1x2048xi32>
      %xor3A_740 = arith.xori %eq3A_733, %eq3A_739 : vector<1x2048xi1>
      %min3A_741 = arith.minsi %select_n3A_713, %select_n3A_727 : vector<64x2048xi32>
      %max3A_742 = arith.maxsi %select_n3A_713, %select_n3A_727 : vector<64x2048xi32>
      %broadcast_in_dim3A_743 = vector.shape_cast %xor3A_740 : vector<1x2048xi1> to vector<1x2048xi1>
      %broadcast_in_dim3A_744 = vector.broadcast %broadcast_in_dim3A_743 : vector<1x2048xi1> to vector<64x2048xi1>
      %select_n3A_745 = arith.select %broadcast_in_dim3A_744, %min3A_741, %max3A_742 : vector<64x2048xi1>, vector<64x2048xi32>
      %iota3A_746 = tpu.iota {dimensions = array<i32: 1>} : vector<1x2048xi32>
      %and3A_747 = arith.constant 2 : i32
      %and3A_748 = vector.broadcast %and3A_747 : i32 to vector<1x2048xi32>
      %and3A_749 = arith.andi %iota3A_746, %and3A_748 : vector<1x2048xi32>
      %eq3A_750 = arith.constant 0 : i32
      %eq3A_751 = vector.broadcast %eq3A_750 : i32 to vector<1x2048xi32>
      %eq3A_752 = arith.cmpi eq, %and3A_749, %eq3A_751 : vector<1x2048xi32>
      %roll3A_753 = arith.constant 2046 : i32
      %roll3A_754 = tpu.dynamic_rotate %select_n3A_745 by %roll3A_753 dim 1 : vector<64x2048xi32>, i32 -> vector<64x2048xi32>
      %roll3A_755 = arith.constant 2 : i32
      %roll3A_756 = tpu.dynamic_rotate %select_n3A_745 by %roll3A_755 dim 1 : vector<64x2048xi32>, i32 -> vector<64x2048xi32>
      %broadcast_in_dim3A_757 = vector.shape_cast %eq3A_752 : vector<1x2048xi1> to vector<1x2048xi1>
      %broadcast_in_dim3A_758 = vector.broadcast %broadcast_in_dim3A_757 : vector<1x2048xi1> to vector<64x2048xi1>
      %select_n3A_759 = arith.select %broadcast_in_dim3A_758, %roll3A_754, %roll3A_756 : vector<64x2048xi1>, vector<64x2048xi32>
      %and3A_760 = arith.constant 2 : i32
      %and3A_761 = vector.broadcast %and3A_760 : i32 to vector<1x2048xi32>
      %and3A_762 = arith.andi %iota3A_620, %and3A_761 : vector<1x2048xi32>
      %eq3A_763 = arith.constant 0 : i32
      %eq3A_764 = vector.broadcast %eq3A_763 : i32 to vector<1x2048xi32>
      %eq3A_765 = arith.cmpi eq, %and3A_762, %eq3A_764 : vector<1x2048xi32>
      %and3A_766 = arith.constant 8 : i32
      %and3A_767 = vector.broadcast %and3A_766 : i32 to vector<1x2048xi32>
      %and3A_768 = arith.andi %iota3A_620, %and3A_767 : vector<1x2048xi32>
      %eq3A_769 = arith.constant 0 : i32
      %eq3A_770 = vector.broadcast %eq3A_769 : i32 to vector<1x2048xi32>
      %eq3A_771 = arith.cmpi eq, %and3A_768, %eq3A_770 : vector<1x2048xi32>
      %xor3A_772 = arith.xori %eq3A_765, %eq3A_771 : vector<1x2048xi1>
      %min3A_773 = arith.minsi %select_n3A_745, %select_n3A_759 : vector<64x2048xi32>
      %max3A_774 = arith.maxsi %select_n3A_745, %select_n3A_759 : vector<64x2048xi32>
      %broadcast_in_dim3A_775 = vector.shape_cast %xor3A_772 : vector<1x2048xi1> to vector<1x2048xi1>
      %broadcast_in_dim3A_776 = vector.broadcast %broadcast_in_dim3A_775 : vector<1x2048xi1> to vector<64x2048xi1>
      %select_n3A_777 = arith.select %broadcast_in_dim3A_776, %min3A_773, %max3A_774 : vector<64x2048xi1>, vector<64x2048xi32>
      %iota3A_778 = tpu.iota {dimensions = array<i32: 1>} : vector<1x2048xi32>
      %and3A_779 = arith.constant 1 : i32
      %and3A_780 = vector.broadcast %and3A_779 : i32 to vector<1x2048xi32>
      %and3A_781 = arith.andi %iota3A_778, %and3A_780 : vector<1x2048xi32>
      %eq3A_782 = arith.constant 0 : i32
      %eq3A_783 = vector.broadcast %eq3A_782 : i32 to vector<1x2048xi32>
      %eq3A_784 = arith.cmpi eq, %and3A_781, %eq3A_783 : vector<1x2048xi32>
      %roll3A_785 = arith.constant 2047 : i32
      %roll3A_786 = tpu.dynamic_rotate %select_n3A_777 by %roll3A_785 dim 1 : vector<64x2048xi32>, i32 -> vector<64x2048xi32>
      %roll3A_787 = arith.constant 1 : i32
      %roll3A_788 = tpu.dynamic_rotate %select_n3A_777 by %roll3A_787 dim 1 : vector<64x2048xi32>, i32 -> vector<64x2048xi32>
      %broadcast_in_dim3A_789 = vector.shape_cast %eq3A_784 : vector<1x2048xi1> to vector<1x2048xi1>
      %broadcast_in_dim3A_790 = vector.broadcast %broadcast_in_dim3A_789 : vector<1x2048xi1> to vector<64x2048xi1>
      %select_n3A_791 = arith.select %broadcast_in_dim3A_790, %roll3A_786, %roll3A_788 : vector<64x2048xi1>, vector<64x2048xi32>
      %and3A_792 = arith.constant 1 : i32
      %and3A_793 = vector.broadcast %and3A_792 : i32 to vector<1x2048xi32>
      %and3A_794 = arith.andi %iota3A_620, %and3A_793 : vector<1x2048xi32>
      %eq3A_795 = arith.constant 0 : i32
      %eq3A_796 = vector.broadcast %eq3A_795 : i32 to vector<1x2048xi32>
      %eq3A_797 = arith.cmpi eq, %and3A_794, %eq3A_796 : vector<1x2048xi32>
      %and3A_798 = arith.constant 8 : i32
      %and3A_799 = vector.broadcast %and3A_798 : i32 to vector<1x2048xi32>
      %and3A_800 = arith.andi %iota3A_620, %and3A_799 : vector<1x2048xi32>
      %eq3A_801 = arith.constant 0 : i32
      %eq3A_802 = vector.broadcast %eq3A_801 : i32 to vector<1x2048xi32>
      %eq3A_803 = arith.cmpi eq, %and3A_800, %eq3A_802 : vector<1x2048xi32>
      %xor3A_804 = arith.xori %eq3A_797, %eq3A_803 : vector<1x2048xi1>
      %min3A_805 = arith.minsi %select_n3A_777, %select_n3A_791 : vector<64x2048xi32>
      %max3A_806 = arith.maxsi %select_n3A_777, %select_n3A_791 : vector<64x2048xi32>
      %broadcast_in_dim3A_807 = vector.shape_cast %xor3A_804 : vector<1x2048xi1> to vector<1x2048xi1>
      %broadcast_in_dim3A_808 = vector.broadcast %broadcast_in_dim3A_807 : vector<1x2048xi1> to vector<64x2048xi1>
      %select_n3A_809 = arith.select %broadcast_in_dim3A_808, %min3A_805, %max3A_806 : vector<64x2048xi1>, vector<64x2048xi32>
      %iota3A_810 = tpu.iota {dimensions = array<i32: 1>} : vector<1x2048xi32>
      %and3A_811 = arith.constant 8 : i32
      %and3A_812 = vector.broadcast %and3A_811 : i32 to vector<1x2048xi32>
      %and3A_813 = arith.andi %iota3A_810, %and3A_812 : vector<1x2048xi32>
      %eq3A_814 = arith.constant 0 : i32
      %eq3A_815 = vector.broadcast %eq3A_814 : i32 to vector<1x2048xi32>
      %eq3A_816 = arith.cmpi eq, %and3A_813, %eq3A_815 : vector<1x2048xi32>
      %roll3A_817 = arith.constant 2040 : i32
      %roll3A_818 = tpu.dynamic_rotate %select_n3A_809 by %roll3A_817 dim 1 : vector<64x2048xi32>, i32 -> vector<64x2048xi32>
      %roll3A_819 = arith.constant 8 : i32
      %roll3A_820 = tpu.dynamic_rotate %select_n3A_809 by %roll3A_819 dim 1 : vector<64x2048xi32>, i32 -> vector<64x2048xi32>
      %broadcast_in_dim3A_821 = vector.shape_cast %eq3A_816 : vector<1x2048xi1> to vector<1x2048xi1>
      %broadcast_in_dim3A_822 = vector.broadcast %broadcast_in_dim3A_821 : vector<1x2048xi1> to vector<64x2048xi1>
      %select_n3A_823 = arith.select %broadcast_in_dim3A_822, %roll3A_818, %roll3A_820 : vector<64x2048xi1>, vector<64x2048xi32>
      %and3A_824 = arith.constant 8 : i32
      %and3A_825 = vector.broadcast %and3A_824 : i32 to vector<1x2048xi32>
      %and3A_826 = arith.andi %iota3A_620, %and3A_825 : vector<1x2048xi32>
      %eq3A_827 = arith.constant 0 : i32
      %eq3A_828 = vector.broadcast %eq3A_827 : i32 to vector<1x2048xi32>
      %eq3A_829 = arith.cmpi eq, %and3A_826, %eq3A_828 : vector<1x2048xi32>
      %and3A_830 = arith.constant 16 : i32
      %and3A_831 = vector.broadcast %and3A_830 : i32 to vector<1x2048xi32>
      %and3A_832 = arith.andi %iota3A_620, %and3A_831 : vector<1x2048xi32>
      %eq3A_833 = arith.constant 0 : i32
      %eq3A_834 = vector.broadcast %eq3A_833 : i32 to vector<1x2048xi32>
      %eq3A_835 = arith.cmpi eq, %and3A_832, %eq3A_834 : vector<1x2048xi32>
      %xor3A_836 = arith.xori %eq3A_829, %eq3A_835 : vector<1x2048xi1>
      %min3A_837 = arith.minsi %select_n3A_809, %select_n3A_823 : vector<64x2048xi32>
      %max3A_838 = arith.maxsi %select_n3A_809, %select_n3A_823 : vector<64x2048xi32>
      %broadcast_in_dim3A_839 = vector.shape_cast %xor3A_836 : vector<1x2048xi1> to vector<1x2048xi1>
      %broadcast_in_dim3A_840 = vector.broadcast %broadcast_in_dim3A_839 : vector<1x2048xi1> to vector<64x2048xi1>
      %select_n3A_841 = arith.select %broadcast_in_dim3A_840, %min3A_837, %max3A_838 : vector<64x2048xi1>, vector<64x2048xi32>
      %iota3A_842 = tpu.iota {dimensions = array<i32: 1>} : vector<1x2048xi32>
      %and3A_843 = arith.constant 4 : i32
      %and3A_844 = vector.broadcast %and3A_843 : i32 to vector<1x2048xi32>
      %and3A_845 = arith.andi %iota3A_842, %and3A_844 : vector<1x2048xi32>
      %eq3A_846 = arith.constant 0 : i32
      %eq3A_847 = vector.broadcast %eq3A_846 : i32 to vector<1x2048xi32>
      %eq3A_848 = arith.cmpi eq, %and3A_845, %eq3A_847 : vector<1x2048xi32>
      %roll3A_849 = arith.constant 2044 : i32
      %roll3A_850 = tpu.dynamic_rotate %select_n3A_841 by %roll3A_849 dim 1 : vector<64x2048xi32>, i32 -> vector<64x2048xi32>
      %roll3A_851 = arith.constant 4 : i32
      %roll3A_852 = tpu.dynamic_rotate %select_n3A_841 by %roll3A_851 dim 1 : vector<64x2048xi32>, i32 -> vector<64x2048xi32>
      %broadcast_in_dim3A_853 = vector.shape_cast %eq3A_848 : vector<1x2048xi1> to vector<1x2048xi1>
      %broadcast_in_dim3A_854 = vector.broadcast %broadcast_in_dim3A_853 : vector<1x2048xi1> to vector<64x2048xi1>
      %select_n3A_855 = arith.select %broadcast_in_dim3A_854, %roll3A_850, %roll3A_852 : vector<64x2048xi1>, vector<64x2048xi32>
      %and3A_856 = arith.constant 4 : i32
      %and3A_857 = vector.broadcast %and3A_856 : i32 to vector<1x2048xi32>
      %and3A_858 = arith.andi %iota3A_620, %and3A_857 : vector<1x2048xi32>
      %eq3A_859 = arith.constant 0 : i32
      %eq3A_860 = vector.broadcast %eq3A_859 : i32 to vector<1x2048xi32>
      %eq3A_861 = arith.cmpi eq, %and3A_858, %eq3A_860 : vector<1x2048xi32>
      %and3A_862 = arith.constant 16 : i32
      %and3A_863 = vector.broadcast %and3A_862 : i32 to vector<1x2048xi32>
      %and3A_864 = arith.andi %iota3A_620, %and3A_863 : vector<1x2048xi32>
      %eq3A_865 = arith.constant 0 : i32
      %eq3A_866 = vector.broadcast %eq3A_865 : i32 to vector<1x2048xi32>
      %eq3A_867 = arith.cmpi eq, %and3A_864, %eq3A_866 : vector<1x2048xi32>
      %xor3A_868 = arith.xori %eq3A_861, %eq3A_867 : vector<1x2048xi1>
      %min3A_869 = arith.minsi %select_n3A_841, %select_n3A_855 : vector<64x2048xi32>
      %max3A_870 = arith.maxsi %select_n3A_841, %select_n3A_855 : vector<64x2048xi32>
      %broadcast_in_dim3A_871 = vector.shape_cast %xor3A_868 : vector<1x2048xi1> to vector<1x2048xi1>
      %broadcast_in_dim3A_872 = vector.broadcast %broadcast_in_dim3A_871 : vector<1x2048xi1> to vector<64x2048xi1>
      %select_n3A_873 = arith.select %broadcast_in_dim3A_872, %min3A_869, %max3A_870 : vector<64x2048xi1>, vector<64x2048xi32>
      %iota3A_874 = tpu.iota {dimensions = array<i32: 1>} : vector<1x2048xi32>
      %and3A_875 = arith.constant 2 : i32
      %and3A_876 = vector.broadcast %and3A_875 : i32 to vector<1x2048xi32>
      %and3A_877 = arith.andi %iota3A_874, %and3A_876 : vector<1x2048xi32>
      %eq3A_878 = arith.constant 0 : i32
      %eq3A_879 = vector.broadcast %eq3A_878 : i32 to vector<1x2048xi32>
      %eq3A_880 = arith.cmpi eq, %and3A_877, %eq3A_879 : vector<1x2048xi32>
      %roll3A_881 = arith.constant 2046 : i32
      %roll3A_882 = tpu.dynamic_rotate %select_n3A_873 by %roll3A_881 dim 1 : vector<64x2048xi32>, i32 -> vector<64x2048xi32>
      %roll3A_883 = arith.constant 2 : i32
      %roll3A_884 = tpu.dynamic_rotate %select_n3A_873 by %roll3A_883 dim 1 : vector<64x2048xi32>, i32 -> vector<64x2048xi32>
      %broadcast_in_dim3A_885 = vector.shape_cast %eq3A_880 : vector<1x2048xi1> to vector<1x2048xi1>
      %broadcast_in_dim3A_886 = vector.broadcast %broadcast_in_dim3A_885 : vector<1x2048xi1> to vector<64x2048xi1>
      %select_n3A_887 = arith.select %broadcast_in_dim3A_886, %roll3A_882, %roll3A_884 : vector<64x2048xi1>, vector<64x2048xi32>
      %and3A_888 = arith.constant 2 : i32
      %and3A_889 = vector.broadcast %and3A_888 : i32 to vector<1x2048xi32>
      %and3A_890 = arith.andi %iota3A_620, %and3A_889 : vector<1x2048xi32>
      %eq3A_891 = arith.constant 0 : i32
      %eq3A_892 = vector.broadcast %eq3A_891 : i32 to vector<1x2048xi32>
      %eq3A_893 = arith.cmpi eq, %and3A_890, %eq3A_892 : vector<1x2048xi32>
      %and3A_894 = arith.constant 16 : i32
      %and3A_895 = vector.broadcast %and3A_894 : i32 to vector<1x2048xi32>
      %and3A_896 = arith.andi %iota3A_620, %and3A_895 : vector<1x2048xi32>
      %eq3A_897 = arith.constant 0 : i32
      %eq3A_898 = vector.broadcast %eq3A_897 : i32 to vector<1x2048xi32>
      %eq3A_899 = arith.cmpi eq, %and3A_896, %eq3A_898 : vector<1x2048xi32>
      %xor3A_900 = arith.xori %eq3A_893, %eq3A_899 : vector<1x2048xi1>
      %min3A_901 = arith.minsi %select_n3A_873, %select_n3A_887 : vector<64x2048xi32>
      %max3A_902 = arith.maxsi %select_n3A_873, %select_n3A_887 : vector<64x2048xi32>
      %broadcast_in_dim3A_903 = vector.shape_cast %xor3A_900 : vector<1x2048xi1> to vector<1x2048xi1>
      %broadcast_in_dim3A_904 = vector.broadcast %broadcast_in_dim3A_903 : vector<1x2048xi1> to vector<64x2048xi1>
      %select_n3A_905 = arith.select %broadcast_in_dim3A_904, %min3A_901, %max3A_902 : vector<64x2048xi1>, vector<64x2048xi32>
      %iota3A_906 = tpu.iota {dimensions = array<i32: 1>} : vector<1x2048xi32>
      %and3A_907 = arith.constant 1 : i32
      %and3A_908 = vector.broadcast %and3A_907 : i32 to vector<1x2048xi32>
      %and3A_909 = arith.andi %iota3A_906, %and3A_908 : vector<1x2048xi32>
      %eq3A_910 = arith.constant 0 : i32
      %eq3A_911 = vector.broadcast %eq3A_910 : i32 to vector<1x2048xi32>
      %eq3A_912 = arith.cmpi eq, %and3A_909, %eq3A_911 : vector<1x2048xi32>
      %roll3A_913 = arith.constant 2047 : i32
      %roll3A_914 = tpu.dynamic_rotate %select_n3A_905 by %roll3A_913 dim 1 : vector<64x2048xi32>, i32 -> vector<64x2048xi32>
      %roll3A_915 = arith.constant 1 : i32
      %roll3A_916 = tpu.dynamic_rotate %select_n3A_905 by %roll3A_915 dim 1 : vector<64x2048xi32>, i32 -> vector<64x2048xi32>
      %broadcast_in_dim3A_917 = vector.shape_cast %eq3A_912 : vector<1x2048xi1> to vector<1x2048xi1>
      %broadcast_in_dim3A_918 = vector.broadcast %broadcast_in_dim3A_917 : vector<1x2048xi1> to vector<64x2048xi1>
      %select_n3A_919 = arith.select %broadcast_in_dim3A_918, %roll3A_914, %roll3A_916 : vector<64x2048xi1>, vector<64x2048xi32>
      %and3A_920 = arith.constant 1 : i32
      %and3A_921 = vector.broadcast %and3A_920 : i32 to vector<1x2048xi32>
      %and3A_922 = arith.andi %iota3A_620, %and3A_921 : vector<1x2048xi32>
      %eq3A_923 = arith.constant 0 : i32
      %eq3A_924 = vector.broadcast %eq3A_923 : i32 to vector<1x2048xi32>
      %eq3A_925 = arith.cmpi eq, %and3A_922, %eq3A_924 : vector<1x2048xi32>
      %and3A_926 = arith.constant 16 : i32
      %and3A_927 = vector.broadcast %and3A_926 : i32 to vector<1x2048xi32>
      %and3A_928 = arith.andi %iota3A_620, %and3A_927 : vector<1x2048xi32>
      %eq3A_929 = arith.constant 0 : i32
      %eq3A_930 = vector.broadcast %eq3A_929 : i32 to vector<1x2048xi32>
      %eq3A_931 = arith.cmpi eq, %and3A_928, %eq3A_930 : vector<1x2048xi32>
      %xor3A_932 = arith.xori %eq3A_925, %eq3A_931 : vector<1x2048xi1>
      %min3A_933 = arith.minsi %select_n3A_905, %select_n3A_919 : vector<64x2048xi32>
      %max3A_934 = arith.maxsi %select_n3A_905, %select_n3A_919 : vector<64x2048xi32>
      %broadcast_in_dim3A_935 = vector.shape_cast %xor3A_932 : vector<1x2048xi1> to vector<1x2048xi1>
      %broadcast_in_dim3A_936 = vector.broadcast %broadcast_in_dim3A_935 : vector<1x2048xi1> to vector<64x2048xi1>
      %select_n3A_937 = arith.select %broadcast_in_dim3A_936, %min3A_933, %max3A_934 : vector<64x2048xi1>, vector<64x2048xi32>
      %iota3A_938 = tpu.iota {dimensions = array<i32: 1>} : vector<1x2048xi32>
      %and3A_939 = arith.constant 16 : i32
      %and3A_940 = vector.broadcast %and3A_939 : i32 to vector<1x2048xi32>
      %and3A_941 = arith.andi %iota3A_938, %and3A_940 : vector<1x2048xi32>
      %eq3A_942 = arith.constant 0 : i32
      %eq3A_943 = vector.broadcast %eq3A_942 : i32 to vector<1x2048xi32>
      %eq3A_944 = arith.cmpi eq, %and3A_941, %eq3A_943 : vector<1x2048xi32>
      %roll3A_945 = arith.constant 2032 : i32
      %roll3A_946 = tpu.dynamic_rotate %select_n3A_937 by %roll3A_945 dim 1 : vector<64x2048xi32>, i32 -> vector<64x2048xi32>
      %roll3A_947 = arith.constant 16 : i32
      %roll3A_948 = tpu.dynamic_rotate %select_n3A_937 by %roll3A_947 dim 1 : vector<64x2048xi32>, i32 -> vector<64x2048xi32>
      %broadcast_in_dim3A_949 = vector.shape_cast %eq3A_944 : vector<1x2048xi1> to vector<1x2048xi1>
      %broadcast_in_dim3A_950 = vector.broadcast %broadcast_in_dim3A_949 : vector<1x2048xi1> to vector<64x2048xi1>
      %select_n3A_951 = arith.select %broadcast_in_dim3A_950, %roll3A_946, %roll3A_948 : vector<64x2048xi1>, vector<64x2048xi32>
      %and3A_952 = arith.constant 16 : i32
      %and3A_953 = vector.broadcast %and3A_952 : i32 to vector<1x2048xi32>
      %and3A_954 = arith.andi %iota3A_620, %and3A_953 : vector<1x2048xi32>
      %eq3A_955 = arith.constant 0 : i32
      %eq3A_956 = vector.broadcast %eq3A_955 : i32 to vector<1x2048xi32>
      %eq3A_957 = arith.cmpi eq, %and3A_954, %eq3A_956 : vector<1x2048xi32>
      %and3A_958 = arith.constant 32 : i32
      %and3A_959 = vector.broadcast %and3A_958 : i32 to vector<1x2048xi32>
      %and3A_960 = arith.andi %iota3A_620, %and3A_959 : vector<1x2048xi32>
      %eq3A_961 = arith.constant 0 : i32
      %eq3A_962 = vector.broadcast %eq3A_961 : i32 to vector<1x2048xi32>
      %eq3A_963 = arith.cmpi eq, %and3A_960, %eq3A_962 : vector<1x2048xi32>
      %xor3A_964 = arith.xori %eq3A_957, %eq3A_963 : vector<1x2048xi1>
      %min3A_965 = arith.minsi %select_n3A_937, %select_n3A_951 : vector<64x2048xi32>
      %max3A_966 = arith.maxsi %select_n3A_937, %select_n3A_951 : vector<64x2048xi32>
      %broadcast_in_dim3A_967 = vector.shape_cast %xor3A_964 : vector<1x2048xi1> to vector<1x2048xi1>
      %broadcast_in_dim3A_968 = vector.broadcast %broadcast_in_dim3A_967 : vector<1x2048xi1> to vector<64x2048xi1>
      %select_n3A_969 = arith.select %broadcast_in_dim3A_968, %min3A_965, %max3A_966 : vector<64x2048xi1>, vector<64x2048xi32>
      %iota3A_970 = tpu.iota {dimensions = array<i32: 1>} : vector<1x2048xi32>
      %and3A_971 = arith.constant 8 : i32
      %and3A_972 = vector.broadcast %and3A_971 : i32 to vector<1x2048xi32>
      %and3A_973 = arith.andi %iota3A_970, %and3A_972 : vector<1x2048xi32>
      %eq3A_974 = arith.constant 0 : i32
      %eq3A_975 = vector.broadcast %eq3A_974 : i32 to vector<1x2048xi32>
      %eq3A_976 = arith.cmpi eq, %and3A_973, %eq3A_975 : vector<1x2048xi32>
      %roll3A_977 = arith.constant 2040 : i32
      %roll3A_978 = tpu.dynamic_rotate %select_n3A_969 by %roll3A_977 dim 1 : vector<64x2048xi32>, i32 -> vector<64x2048xi32>
      %roll3A_979 = arith.constant 8 : i32
      %roll3A_980 = tpu.dynamic_rotate %select_n3A_969 by %roll3A_979 dim 1 : vector<64x2048xi32>, i32 -> vector<64x2048xi32>
      %broadcast_in_dim3A_981 = vector.shape_cast %eq3A_976 : vector<1x2048xi1> to vector<1x2048xi1>
      %broadcast_in_dim3A_982 = vector.broadcast %broadcast_in_dim3A_981 : vector<1x2048xi1> to vector<64x2048xi1>
      %select_n3A_983 = arith.select %broadcast_in_dim3A_982, %roll3A_978, %roll3A_980 : vector<64x2048xi1>, vector<64x2048xi32>
      %and3A_984 = arith.constant 8 : i32
      %and3A_985 = vector.broadcast %and3A_984 : i32 to vector<1x2048xi32>
      %and3A_986 = arith.andi %iota3A_620, %and3A_985 : vector<1x2048xi32>
      %eq3A_987 = arith.constant 0 : i32
      %eq3A_988 = vector.broadcast %eq3A_987 : i32 to vector<1x2048xi32>
      %eq3A_989 = arith.cmpi eq, %and3A_986, %eq3A_988 : vector<1x2048xi32>
      %and3A_990 = arith.constant 32 : i32
      %and3A_991 = vector.broadcast %and3A_990 : i32 to vector<1x2048xi32>
      %and3A_992 = arith.andi %iota3A_620, %and3A_991 : vector<1x2048xi32>
      %eq3A_993 = arith.constant 0 : i32
      %eq3A_994 = vector.broadcast %eq3A_993 : i32 to vector<1x2048xi32>
      %eq3A_995 = arith.cmpi eq, %and3A_992, %eq3A_994 : vector<1x2048xi32>
      %xor3A_996 = arith.xori %eq3A_989, %eq3A_995 : vector<1x2048xi1>
      %min3A_997 = arith.minsi %select_n3A_969, %select_n3A_983 : vector<64x2048xi32>
      %max3A_998 = arith.maxsi %select_n3A_969, %select_n3A_983 : vector<64x2048xi32>
      %broadcast_in_dim3A_999 = vector.shape_cast %xor3A_996 : vector<1x2048xi1> to vector<1x2048xi1>
      %broadcast_in_dim3A_1000 = vector.broadcast %broadcast_in_dim3A_999 : vector<1x2048xi1> to vector<64x2048xi1>
      %select_n3A_1001 = arith.select %broadcast_in_dim3A_1000, %min3A_997, %max3A_998 : vector<64x2048xi1>, vector<64x2048xi32>
      %iota3A_1002 = tpu.iota {dimensions = array<i32: 1>} : vector<1x2048xi32>
      %and3A_1003 = arith.constant 4 : i32
      %and3A_1004 = vector.broadcast %and3A_1003 : i32 to vector<1x2048xi32>
      %and3A_1005 = arith.andi %iota3A_1002, %and3A_1004 : vector<1x2048xi32>
      %eq3A_1006 = arith.constant 0 : i32
      %eq3A_1007 = vector.broadcast %eq3A_1006 : i32 to vector<1x2048xi32>
      %eq3A_1008 = arith.cmpi eq, %and3A_1005, %eq3A_1007 : vector<1x2048xi32>
      %roll3A_1009 = arith.constant 2044 : i32
      %roll3A_1010 = tpu.dynamic_rotate %select_n3A_1001 by %roll3A_1009 dim 1 : vector<64x2048xi32>, i32 -> vector<64x2048xi32>
      %roll3A_1011 = arith.constant 4 : i32
      %roll3A_1012 = tpu.dynamic_rotate %select_n3A_1001 by %roll3A_1011 dim 1 : vector<64x2048xi32>, i32 -> vector<64x2048xi32>
      %broadcast_in_dim3A_1013 = vector.shape_cast %eq3A_1008 : vector<1x2048xi1> to vector<1x2048xi1>
      %broadcast_in_dim3A_1014 = vector.broadcast %broadcast_in_dim3A_1013 : vector<1x2048xi1> to vector<64x2048xi1>
      %select_n3A_1015 = arith.select %broadcast_in_dim3A_1014, %roll3A_1010, %roll3A_1012 : vector<64x2048xi1>, vector<64x2048xi32>
      %and3A_1016 = arith.constant 4 : i32
      %and3A_1017 = vector.broadcast %and3A_1016 : i32 to vector<1x2048xi32>
      %and3A_1018 = arith.andi %iota3A_620, %and3A_1017 : vector<1x2048xi32>
      %eq3A_1019 = arith.constant 0 : i32
      %eq3A_1020 = vector.broadcast %eq3A_1019 : i32 to vector<1x2048xi32>
      %eq3A_1021 = arith.cmpi eq, %and3A_1018, %eq3A_1020 : vector<1x2048xi32>
      %and3A_1022 = arith.constant 32 : i32
      %and3A_1023 = vector.broadcast %and3A_1022 : i32 to vector<1x2048xi32>
      %and3A_1024 = arith.andi %iota3A_620, %and3A_1023 : vector<1x2048xi32>
      %eq3A_1025 = arith.constant 0 : i32
      %eq3A_1026 = vector.broadcast %eq3A_1025 : i32 to vector<1x2048xi32>
      %eq3A_1027 = arith.cmpi eq, %and3A_1024, %eq3A_1026 : vector<1x2048xi32>
      %xor3A_1028 = arith.xori %eq3A_1021, %eq3A_1027 : vector<1x2048xi1>
      %min3A_1029 = arith.minsi %select_n3A_1001, %select_n3A_1015 : vector<64x2048xi32>
      %max3A_1030 = arith.maxsi %select_n3A_1001, %select_n3A_1015 : vector<64x2048xi32>
      %broadcast_in_dim3A_1031 = vector.shape_cast %xor3A_1028 : vector<1x2048xi1> to vector<1x2048xi1>
      %broadcast_in_dim3A_1032 = vector.broadcast %broadcast_in_dim3A_1031 : vector<1x2048xi1> to vector<64x2048xi1>
      %select_n3A_1033 = arith.select %broadcast_in_dim3A_1032, %min3A_1029, %max3A_1030 : vector<64x2048xi1>, vector<64x2048xi32>
      %iota3A_1034 = tpu.iota {dimensions = array<i32: 1>} : vector<1x2048xi32>
      %and3A_1035 = arith.constant 2 : i32
      %and3A_1036 = vector.broadcast %and3A_1035 : i32 to vector<1x2048xi32>
      %and3A_1037 = arith.andi %iota3A_1034, %and3A_1036 : vector<1x2048xi32>
      %eq3A_1038 = arith.constant 0 : i32
      %eq3A_1039 = vector.broadcast %eq3A_1038 : i32 to vector<1x2048xi32>
      %eq3A_1040 = arith.cmpi eq, %and3A_1037, %eq3A_1039 : vector<1x2048xi32>
      %roll3A_1041 = arith.constant 2046 : i32
      %roll3A_1042 = tpu.dynamic_rotate %select_n3A_1033 by %roll3A_1041 dim 1 : vector<64x2048xi32>, i32 -> vector<64x2048xi32>
      %roll3A_1043 = arith.constant 2 : i32
      %roll3A_1044 = tpu.dynamic_rotate %select_n3A_1033 by %roll3A_1043 dim 1 : vector<64x2048xi32>, i32 -> vector<64x2048xi32>
      %broadcast_in_dim3A_1045 = vector.shape_cast %eq3A_1040 : vector<1x2048xi1> to vector<1x2048xi1>
      %broadcast_in_dim3A_1046 = vector.broadcast %broadcast_in_dim3A_1045 : vector<1x2048xi1> to vector<64x2048xi1>
      %select_n3A_1047 = arith.select %broadcast_in_dim3A_1046, %roll3A_1042, %roll3A_1044 : vector<64x2048xi1>, vector<64x2048xi32>
      %and3A_1048 = arith.constant 2 : i32
      %and3A_1049 = vector.broadcast %and3A_1048 : i32 to vector<1x2048xi32>
      %and3A_1050 = arith.andi %iota3A_620, %and3A_1049 : vector<1x2048xi32>
      %eq3A_1051 = arith.constant 0 : i32
      %eq3A_1052 = vector.broadcast %eq3A_1051 : i32 to vector<1x2048xi32>
      %eq3A_1053 = arith.cmpi eq, %and3A_1050, %eq3A_1052 : vector<1x2048xi32>
      %and3A_1054 = arith.constant 32 : i32
      %and3A_1055 = vector.broadcast %and3A_1054 : i32 to vector<1x2048xi32>
      %and3A_1056 = arith.andi %iota3A_620, %and3A_1055 : vector<1x2048xi32>
      %eq3A_1057 = arith.constant 0 : i32
      %eq3A_1058 = vector.broadcast %eq3A_1057 : i32 to vector<1x2048xi32>
      %eq3A_1059 = arith.cmpi eq, %and3A_1056, %eq3A_1058 : vector<1x2048xi32>
      %xor3A_1060 = arith.xori %eq3A_1053, %eq3A_1059 : vector<1x2048xi1>
      %min3A_1061 = arith.minsi %select_n3A_1033, %select_n3A_1047 : vector<64x2048xi32>
      %max3A_1062 = arith.maxsi %select_n3A_1033, %select_n3A_1047 : vector<64x2048xi32>
      %broadcast_in_dim3A_1063 = vector.shape_cast %xor3A_1060 : vector<1x2048xi1> to vector<1x2048xi1>
      %broadcast_in_dim3A_1064 = vector.broadcast %broadcast_in_dim3A_1063 : vector<1x2048xi1> to vector<64x2048xi1>
      %select_n3A_1065 = arith.select %broadcast_in_dim3A_1064, %min3A_1061, %max3A_1062 : vector<64x2048xi1>, vector<64x2048xi32>
      %iota3A_1066 = tpu.iota {dimensions = array<i32: 1>} : vector<1x2048xi32>
      %and3A_1067 = arith.constant 1 : i32
      %and3A_1068 = vector.broadcast %and3A_1067 : i32 to vector<1x2048xi32>
      %and3A_1069 = arith.andi %iota3A_1066, %and3A_1068 : vector<1x2048xi32>
      %eq3A_1070 = arith.constant 0 : i32
      %eq3A_1071 = vector.broadcast %eq3A_1070 : i32 to vector<1x2048xi32>
      %eq3A_1072 = arith.cmpi eq, %and3A_1069, %eq3A_1071 : vector<1x2048xi32>
      %roll3A_1073 = arith.constant 2047 : i32
      %roll3A_1074 = tpu.dynamic_rotate %select_n3A_1065 by %roll3A_1073 dim 1 : vector<64x2048xi32>, i32 -> vector<64x2048xi32>
      %roll3A_1075 = arith.constant 1 : i32
      %roll3A_1076 = tpu.dynamic_rotate %select_n3A_1065 by %roll3A_1075 dim 1 : vector<64x2048xi32>, i32 -> vector<64x2048xi32>
      %broadcast_in_dim3A_1077 = vector.shape_cast %eq3A_1072 : vector<1x2048xi1> to vector<1x2048xi1>
      %broadcast_in_dim3A_1078 = vector.broadcast %broadcast_in_dim3A_1077 : vector<1x2048xi1> to vector<64x2048xi1>
      %select_n3A_1079 = arith.select %broadcast_in_dim3A_1078, %roll3A_1074, %roll3A_1076 : vector<64x2048xi1>, vector<64x2048xi32>
      %and3A_1080 = arith.constant 1 : i32
      %and3A_1081 = vector.broadcast %and3A_1080 : i32 to vector<1x2048xi32>
      %and3A_1082 = arith.andi %iota3A_620, %and3A_1081 : vector<1x2048xi32>
      %eq3A_1083 = arith.constant 0 : i32
      %eq3A_1084 = vector.broadcast %eq3A_1083 : i32 to vector<1x2048xi32>
      %eq3A_1085 = arith.cmpi eq, %and3A_1082, %eq3A_1084 : vector<1x2048xi32>
      %and3A_1086 = arith.constant 32 : i32
      %and3A_1087 = vector.broadcast %and3A_1086 : i32 to vector<1x2048xi32>
      %and3A_1088 = arith.andi %iota3A_620, %and3A_1087 : vector<1x2048xi32>
      %eq3A_1089 = arith.constant 0 : i32
      %eq3A_1090 = vector.broadcast %eq3A_1089 : i32 to vector<1x2048xi32>
      %eq3A_1091 = arith.cmpi eq, %and3A_1088, %eq3A_1090 : vector<1x2048xi32>
      %xor3A_1092 = arith.xori %eq3A_1085, %eq3A_1091 : vector<1x2048xi1>
      %min3A_1093 = arith.minsi %select_n3A_1065, %select_n3A_1079 : vector<64x2048xi32>
      %max3A_1094 = arith.maxsi %select_n3A_1065, %select_n3A_1079 : vector<64x2048xi32>
      %broadcast_in_dim3A_1095 = vector.shape_cast %xor3A_1092 : vector<1x2048xi1> to vector<1x2048xi1>
      %broadcast_in_dim3A_1096 = vector.broadcast %broadcast_in_dim3A_1095 : vector<1x2048xi1> to vector<64x2048xi1>
      %select_n3A_1097 = arith.select %broadcast_in_dim3A_1096, %min3A_1093, %max3A_1094 : vector<64x2048xi1>, vector<64x2048xi32>
      %iota3A_1098 = tpu.iota {dimensions = array<i32: 1>} : vector<1x2048xi32>
      %and3A_1099 = arith.constant 32 : i32
      %and3A_1100 = vector.broadcast %and3A_1099 : i32 to vector<1x2048xi32>
      %and3A_1101 = arith.andi %iota3A_1098, %and3A_1100 : vector<1x2048xi32>
      %eq3A_1102 = arith.constant 0 : i32
      %eq3A_1103 = vector.broadcast %eq3A_1102 : i32 to vector<1x2048xi32>
      %eq3A_1104 = arith.cmpi eq, %and3A_1101, %eq3A_1103 : vector<1x2048xi32>
      %roll3A_1105 = arith.constant 2016 : i32
      %roll3A_1106 = tpu.dynamic_rotate %select_n3A_1097 by %roll3A_1105 dim 1 : vector<64x2048xi32>, i32 -> vector<64x2048xi32>
      %roll3A_1107 = arith.constant 32 : i32
      %roll3A_1108 = tpu.dynamic_rotate %select_n3A_1097 by %roll3A_1107 dim 1 : vector<64x2048xi32>, i32 -> vector<64x2048xi32>
      %broadcast_in_dim3A_1109 = vector.shape_cast %eq3A_1104 : vector<1x2048xi1> to vector<1x2048xi1>
      %broadcast_in_dim3A_1110 = vector.broadcast %broadcast_in_dim3A_1109 : vector<1x2048xi1> to vector<64x2048xi1>
      %select_n3A_1111 = arith.select %broadcast_in_dim3A_1110, %roll3A_1106, %roll3A_1108 : vector<64x2048xi1>, vector<64x2048xi32>
      %and3A_1112 = arith.constant 32 : i32
      %and3A_1113 = vector.broadcast %and3A_1112 : i32 to vector<1x2048xi32>
      %and3A_1114 = arith.andi %iota3A_620, %and3A_1113 : vector<1x2048xi32>
      %eq3A_1115 = arith.constant 0 : i32
      %eq3A_1116 = vector.broadcast %eq3A_1115 : i32 to vector<1x2048xi32>
      %eq3A_1117 = arith.cmpi eq, %and3A_1114, %eq3A_1116 : vector<1x2048xi32>
      %and3A_1118 = arith.constant 64 : i32
      %and3A_1119 = vector.broadcast %and3A_1118 : i32 to vector<1x2048xi32>
      %and3A_1120 = arith.andi %iota3A_620, %and3A_1119 : vector<1x2048xi32>
      %eq3A_1121 = arith.constant 0 : i32
      %eq3A_1122 = vector.broadcast %eq3A_1121 : i32 to vector<1x2048xi32>
      %eq3A_1123 = arith.cmpi eq, %and3A_1120, %eq3A_1122 : vector<1x2048xi32>
      %xor3A_1124 = arith.xori %eq3A_1117, %eq3A_1123 : vector<1x2048xi1>
      %min3A_1125 = arith.minsi %select_n3A_1097, %select_n3A_1111 : vector<64x2048xi32>
      %max3A_1126 = arith.maxsi %select_n3A_1097, %select_n3A_1111 : vector<64x2048xi32>
      %broadcast_in_dim3A_1127 = vector.shape_cast %xor3A_1124 : vector<1x2048xi1> to vector<1x2048xi1>
      %broadcast_in_dim3A_1128 = vector.broadcast %broadcast_in_dim3A_1127 : vector<1x2048xi1> to vector<64x2048xi1>
      %select_n3A_1129 = arith.select %broadcast_in_dim3A_1128, %min3A_1125, %max3A_1126 : vector<64x2048xi1>, vector<64x2048xi32>
      %iota3A_1130 = tpu.iota {dimensions = array<i32: 1>} : vector<1x2048xi32>
      %and3A_1131 = arith.constant 16 : i32
      %and3A_1132 = vector.broadcast %and3A_1131 : i32 to vector<1x2048xi32>
      %and3A_1133 = arith.andi %iota3A_1130, %and3A_1132 : vector<1x2048xi32>
      %eq3A_1134 = arith.constant 0 : i32
      %eq3A_1135 = vector.broadcast %eq3A_1134 : i32 to vector<1x2048xi32>
      %eq3A_1136 = arith.cmpi eq, %and3A_1133, %eq3A_1135 : vector<1x2048xi32>
      %roll3A_1137 = arith.constant 2032 : i32
      %roll3A_1138 = tpu.dynamic_rotate %select_n3A_1129 by %roll3A_1137 dim 1 : vector<64x2048xi32>, i32 -> vector<64x2048xi32>
      %roll3A_1139 = arith.constant 16 : i32
      %roll3A_1140 = tpu.dynamic_rotate %select_n3A_1129 by %roll3A_1139 dim 1 : vector<64x2048xi32>, i32 -> vector<64x2048xi32>
      %broadcast_in_dim3A_1141 = vector.shape_cast %eq3A_1136 : vector<1x2048xi1> to vector<1x2048xi1>
      %broadcast_in_dim3A_1142 = vector.broadcast %broadcast_in_dim3A_1141 : vector<1x2048xi1> to vector<64x2048xi1>
      %select_n3A_1143 = arith.select %broadcast_in_dim3A_1142, %roll3A_1138, %roll3A_1140 : vector<64x2048xi1>, vector<64x2048xi32>
      %and3A_1144 = arith.constant 16 : i32
      %and3A_1145 = vector.broadcast %and3A_1144 : i32 to vector<1x2048xi32>
      %and3A_1146 = arith.andi %iota3A_620, %and3A_1145 : vector<1x2048xi32>
      %eq3A_1147 = arith.constant 0 : i32
      %eq3A_1148 = vector.broadcast %eq3A_1147 : i32 to vector<1x2048xi32>
      %eq3A_1149 = arith.cmpi eq, %and3A_1146, %eq3A_1148 : vector<1x2048xi32>
      %and3A_1150 = arith.constant 64 : i32
      %and3A_1151 = vector.broadcast %and3A_1150 : i32 to vector<1x2048xi32>
      %and3A_1152 = arith.andi %iota3A_620, %and3A_1151 : vector<1x2048xi32>
      %eq3A_1153 = arith.constant 0 : i32
      %eq3A_1154 = vector.broadcast %eq3A_1153 : i32 to vector<1x2048xi32>
      %eq3A_1155 = arith.cmpi eq, %and3A_1152, %eq3A_1154 : vector<1x2048xi32>
      %xor3A_1156 = arith.xori %eq3A_1149, %eq3A_1155 : vector<1x2048xi1>
      %min3A_1157 = arith.minsi %select_n3A_1129, %select_n3A_1143 : vector<64x2048xi32>
      %max3A_1158 = arith.maxsi %select_n3A_1129, %select_n3A_1143 : vector<64x2048xi32>
      %broadcast_in_dim3A_1159 = vector.shape_cast %xor3A_1156 : vector<1x2048xi1> to vector<1x2048xi1>
      %broadcast_in_dim3A_1160 = vector.broadcast %broadcast_in_dim3A_1159 : vector<1x2048xi1> to vector<64x2048xi1>
      %select_n3A_1161 = arith.select %broadcast_in_dim3A_1160, %min3A_1157, %max3A_1158 : vector<64x2048xi1>, vector<64x2048xi32>
      %iota3A_1162 = tpu.iota {dimensions = array<i32: 1>} : vector<1x2048xi32>
      %and3A_1163 = arith.constant 8 : i32
      %and3A_1164 = vector.broadcast %and3A_1163 : i32 to vector<1x2048xi32>
      %and3A_1165 = arith.andi %iota3A_1162, %and3A_1164 : vector<1x2048xi32>
      %eq3A_1166 = arith.constant 0 : i32
      %eq3A_1167 = vector.broadcast %eq3A_1166 : i32 to vector<1x2048xi32>
      %eq3A_1168 = arith.cmpi eq, %and3A_1165, %eq3A_1167 : vector<1x2048xi32>
      %roll3A_1169 = arith.constant 2040 : i32
      %roll3A_1170 = tpu.dynamic_rotate %select_n3A_1161 by %roll3A_1169 dim 1 : vector<64x2048xi32>, i32 -> vector<64x2048xi32>
      %roll3A_1171 = arith.constant 8 : i32
      %roll3A_1172 = tpu.dynamic_rotate %select_n3A_1161 by %roll3A_1171 dim 1 : vector<64x2048xi32>, i32 -> vector<64x2048xi32>
      %broadcast_in_dim3A_1173 = vector.shape_cast %eq3A_1168 : vector<1x2048xi1> to vector<1x2048xi1>
      %broadcast_in_dim3A_1174 = vector.broadcast %broadcast_in_dim3A_1173 : vector<1x2048xi1> to vector<64x2048xi1>
      %select_n3A_1175 = arith.select %broadcast_in_dim3A_1174, %roll3A_1170, %roll3A_1172 : vector<64x2048xi1>, vector<64x2048xi32>
      %and3A_1176 = arith.constant 8 : i32
      %and3A_1177 = vector.broadcast %and3A_1176 : i32 to vector<1x2048xi32>
      %and3A_1178 = arith.andi %iota3A_620, %and3A_1177 : vector<1x2048xi32>
      %eq3A_1179 = arith.constant 0 : i32
      %eq3A_1180 = vector.broadcast %eq3A_1179 : i32 to vector<1x2048xi32>
      %eq3A_1181 = arith.cmpi eq, %and3A_1178, %eq3A_1180 : vector<1x2048xi32>
      %and3A_1182 = arith.constant 64 : i32
      %and3A_1183 = vector.broadcast %and3A_1182 : i32 to vector<1x2048xi32>
      %and3A_1184 = arith.andi %iota3A_620, %and3A_1183 : vector<1x2048xi32>
      %eq3A_1185 = arith.constant 0 : i32
      %eq3A_1186 = vector.broadcast %eq3A_1185 : i32 to vector<1x2048xi32>
      %eq3A_1187 = arith.cmpi eq, %and3A_1184, %eq3A_1186 : vector<1x2048xi32>
      %xor3A_1188 = arith.xori %eq3A_1181, %eq3A_1187 : vector<1x2048xi1>
      %min3A_1189 = arith.minsi %select_n3A_1161, %select_n3A_1175 : vector<64x2048xi32>
      %max3A_1190 = arith.maxsi %select_n3A_1161, %select_n3A_1175 : vector<64x2048xi32>
      %broadcast_in_dim3A_1191 = vector.shape_cast %xor3A_1188 : vector<1x2048xi1> to vector<1x2048xi1>
      %broadcast_in_dim3A_1192 = vector.broadcast %broadcast_in_dim3A_1191 : vector<1x2048xi1> to vector<64x2048xi1>
      %select_n3A_1193 = arith.select %broadcast_in_dim3A_1192, %min3A_1189, %max3A_1190 : vector<64x2048xi1>, vector<64x2048xi32>
      %iota3A_1194 = tpu.iota {dimensions = array<i32: 1>} : vector<1x2048xi32>
      %and3A_1195 = arith.constant 4 : i32
      %and3A_1196 = vector.broadcast %and3A_1195 : i32 to vector<1x2048xi32>
      %and3A_1197 = arith.andi %iota3A_1194, %and3A_1196 : vector<1x2048xi32>
      %eq3A_1198 = arith.constant 0 : i32
      %eq3A_1199 = vector.broadcast %eq3A_1198 : i32 to vector<1x2048xi32>
      %eq3A_1200 = arith.cmpi eq, %and3A_1197, %eq3A_1199 : vector<1x2048xi32>
      %roll3A_1201 = arith.constant 2044 : i32
      %roll3A_1202 = tpu.dynamic_rotate %select_n3A_1193 by %roll3A_1201 dim 1 : vector<64x2048xi32>, i32 -> vector<64x2048xi32>
      %roll3A_1203 = arith.constant 4 : i32
      %roll3A_1204 = tpu.dynamic_rotate %select_n3A_1193 by %roll3A_1203 dim 1 : vector<64x2048xi32>, i32 -> vector<64x2048xi32>
      %broadcast_in_dim3A_1205 = vector.shape_cast %eq3A_1200 : vector<1x2048xi1> to vector<1x2048xi1>
      %broadcast_in_dim3A_1206 = vector.broadcast %broadcast_in_dim3A_1205 : vector<1x2048xi1> to vector<64x2048xi1>
      %select_n3A_1207 = arith.select %broadcast_in_dim3A_1206, %roll3A_1202, %roll3A_1204 : vector<64x2048xi1>, vector<64x2048xi32>
      %and3A_1208 = arith.constant 4 : i32
      %and3A_1209 = vector.broadcast %and3A_1208 : i32 to vector<1x2048xi32>
      %and3A_1210 = arith.andi %iota3A_620, %and3A_1209 : vector<1x2048xi32>
      %eq3A_1211 = arith.constant 0 : i32
      %eq3A_1212 = vector.broadcast %eq3A_1211 : i32 to vector<1x2048xi32>
      %eq3A_1213 = arith.cmpi eq, %and3A_1210, %eq3A_1212 : vector<1x2048xi32>
      %and3A_1214 = arith.constant 64 : i32
      %and3A_1215 = vector.broadcast %and3A_1214 : i32 to vector<1x2048xi32>
      %and3A_1216 = arith.andi %iota3A_620, %and3A_1215 : vector<1x2048xi32>
      %eq3A_1217 = arith.constant 0 : i32
      %eq3A_1218 = vector.broadcast %eq3A_1217 : i32 to vector<1x2048xi32>
      %eq3A_1219 = arith.cmpi eq, %and3A_1216, %eq3A_1218 : vector<1x2048xi32>
      %xor3A_1220 = arith.xori %eq3A_1213, %eq3A_1219 : vector<1x2048xi1>
      %min3A_1221 = arith.minsi %select_n3A_1193, %select_n3A_1207 : vector<64x2048xi32>
      %max3A_1222 = arith.maxsi %select_n3A_1193, %select_n3A_1207 : vector<64x2048xi32>
      %broadcast_in_dim3A_1223 = vector.shape_cast %xor3A_1220 : vector<1x2048xi1> to vector<1x2048xi1>
      %broadcast_in_dim3A_1224 = vector.broadcast %broadcast_in_dim3A_1223 : vector<1x2048xi1> to vector<64x2048xi1>
      %select_n3A_1225 = arith.select %broadcast_in_dim3A_1224, %min3A_1221, %max3A_1222 : vector<64x2048xi1>, vector<64x2048xi32>
      %iota3A_1226 = tpu.iota {dimensions = array<i32: 1>} : vector<1x2048xi32>
      %and3A_1227 = arith.constant 2 : i32
      %and3A_1228 = vector.broadcast %and3A_1227 : i32 to vector<1x2048xi32>
      %and3A_1229 = arith.andi %iota3A_1226, %and3A_1228 : vector<1x2048xi32>
      %eq3A_1230 = arith.constant 0 : i32
      %eq3A_1231 = vector.broadcast %eq3A_1230 : i32 to vector<1x2048xi32>
      %eq3A_1232 = arith.cmpi eq, %and3A_1229, %eq3A_1231 : vector<1x2048xi32>
      %roll3A_1233 = arith.constant 2046 : i32
      %roll3A_1234 = tpu.dynamic_rotate %select_n3A_1225 by %roll3A_1233 dim 1 : vector<64x2048xi32>, i32 -> vector<64x2048xi32>
      %roll3A_1235 = arith.constant 2 : i32
      %roll3A_1236 = tpu.dynamic_rotate %select_n3A_1225 by %roll3A_1235 dim 1 : vector<64x2048xi32>, i32 -> vector<64x2048xi32>
      %broadcast_in_dim3A_1237 = vector.shape_cast %eq3A_1232 : vector<1x2048xi1> to vector<1x2048xi1>
      %broadcast_in_dim3A_1238 = vector.broadcast %broadcast_in_dim3A_1237 : vector<1x2048xi1> to vector<64x2048xi1>
      %select_n3A_1239 = arith.select %broadcast_in_dim3A_1238, %roll3A_1234, %roll3A_1236 : vector<64x2048xi1>, vector<64x2048xi32>
      %and3A_1240 = arith.constant 2 : i32
      %and3A_1241 = vector.broadcast %and3A_1240 : i32 to vector<1x2048xi32>
      %and3A_1242 = arith.andi %iota3A_620, %and3A_1241 : vector<1x2048xi32>
      %eq3A_1243 = arith.constant 0 : i32
      %eq3A_1244 = vector.broadcast %eq3A_1243 : i32 to vector<1x2048xi32>
      %eq3A_1245 = arith.cmpi eq, %and3A_1242, %eq3A_1244 : vector<1x2048xi32>
      %and3A_1246 = arith.constant 64 : i32
      %and3A_1247 = vector.broadcast %and3A_1246 : i32 to vector<1x2048xi32>
      %and3A_1248 = arith.andi %iota3A_620, %and3A_1247 : vector<1x2048xi32>
      %eq3A_1249 = arith.constant 0 : i32
      %eq3A_1250 = vector.broadcast %eq3A_1249 : i32 to vector<1x2048xi32>
      %eq3A_1251 = arith.cmpi eq, %and3A_1248, %eq3A_1250 : vector<1x2048xi32>
      %xor3A_1252 = arith.xori %eq3A_1245, %eq3A_1251 : vector<1x2048xi1>
      %min3A_1253 = arith.minsi %select_n3A_1225, %select_n3A_1239 : vector<64x2048xi32>
      %max3A_1254 = arith.maxsi %select_n3A_1225, %select_n3A_1239 : vector<64x2048xi32>
      %broadcast_in_dim3A_1255 = vector.shape_cast %xor3A_1252 : vector<1x2048xi1> to vector<1x2048xi1>
      %broadcast_in_dim3A_1256 = vector.broadcast %broadcast_in_dim3A_1255 : vector<1x2048xi1> to vector<64x2048xi1>
      %select_n3A_1257 = arith.select %broadcast_in_dim3A_1256, %min3A_1253, %max3A_1254 : vector<64x2048xi1>, vector<64x2048xi32>
      %iota3A_1258 = tpu.iota {dimensions = array<i32: 1>} : vector<1x2048xi32>
      %and3A_1259 = arith.constant 1 : i32
      %and3A_1260 = vector.broadcast %and3A_1259 : i32 to vector<1x2048xi32>
      %and3A_1261 = arith.andi %iota3A_1258, %and3A_1260 : vector<1x2048xi32>
      %eq3A_1262 = arith.constant 0 : i32
      %eq3A_1263 = vector.broadcast %eq3A_1262 : i32 to vector<1x2048xi32>
      %eq3A_1264 = arith.cmpi eq, %and3A_1261, %eq3A_1263 : vector<1x2048xi32>
      %roll3A_1265 = arith.constant 2047 : i32
      %roll3A_1266 = tpu.dynamic_rotate %select_n3A_1257 by %roll3A_1265 dim 1 : vector<64x2048xi32>, i32 -> vector<64x2048xi32>
      %roll3A_1267 = arith.constant 1 : i32
      %roll3A_1268 = tpu.dynamic_rotate %select_n3A_1257 by %roll3A_1267 dim 1 : vector<64x2048xi32>, i32 -> vector<64x2048xi32>
      %broadcast_in_dim3A_1269 = vector.shape_cast %eq3A_1264 : vector<1x2048xi1> to vector<1x2048xi1>
      %broadcast_in_dim3A_1270 = vector.broadcast %broadcast_in_dim3A_1269 : vector<1x2048xi1> to vector<64x2048xi1>
      %select_n3A_1271 = arith.select %broadcast_in_dim3A_1270, %roll3A_1266, %roll3A_1268 : vector<64x2048xi1>, vector<64x2048xi32>
      %and3A_1272 = arith.constant 1 : i32
      %and3A_1273 = vector.broadcast %and3A_1272 : i32 to vector<1x2048xi32>
      %and3A_1274 = arith.andi %iota3A_620, %and3A_1273 : vector<1x2048xi32>
      %eq3A_1275 = arith.constant 0 : i32
      %eq3A_1276 = vector.broadcast %eq3A_1275 : i32 to vector<1x2048xi32>
      %eq3A_1277 = arith.cmpi eq, %and3A_1274, %eq3A_1276 : vector<1x2048xi32>
      %and3A_1278 = arith.constant 64 : i32
      %and3A_1279 = vector.broadcast %and3A_1278 : i32 to vector<1x2048xi32>
      %and3A_1280 = arith.andi %iota3A_620, %and3A_1279 : vector<1x2048xi32>
      %eq3A_1281 = arith.constant 0 : i32
      %eq3A_1282 = vector.broadcast %eq3A_1281 : i32 to vector<1x2048xi32>
      %eq3A_1283 = arith.cmpi eq, %and3A_1280, %eq3A_1282 : vector<1x2048xi32>
      %xor3A_1284 = arith.xori %eq3A_1277, %eq3A_1283 : vector<1x2048xi1>
      %min3A_1285 = arith.minsi %select_n3A_1257, %select_n3A_1271 : vector<64x2048xi32>
      %max3A_1286 = arith.maxsi %select_n3A_1257, %select_n3A_1271 : vector<64x2048xi32>
      %broadcast_in_dim3A_1287 = vector.shape_cast %xor3A_1284 : vector<1x2048xi1> to vector<1x2048xi1>
      %broadcast_in_dim3A_1288 = vector.broadcast %broadcast_in_dim3A_1287 : vector<1x2048xi1> to vector<64x2048xi1>
      %select_n3A_1289 = arith.select %broadcast_in_dim3A_1288, %min3A_1285, %max3A_1286 : vector<64x2048xi1>, vector<64x2048xi32>
      %iota3A_1290 = tpu.iota {dimensions = array<i32: 1>} : vector<1x2048xi32>
      %and3A_1291 = arith.constant 64 : i32
      %and3A_1292 = vector.broadcast %and3A_1291 : i32 to vector<1x2048xi32>
      %and3A_1293 = arith.andi %iota3A_1290, %and3A_1292 : vector<1x2048xi32>
      %eq3A_1294 = arith.constant 0 : i32
      %eq3A_1295 = vector.broadcast %eq3A_1294 : i32 to vector<1x2048xi32>
      %eq3A_1296 = arith.cmpi eq, %and3A_1293, %eq3A_1295 : vector<1x2048xi32>
      %roll3A_1297 = arith.constant 1984 : i32
      %roll3A_1298 = tpu.dynamic_rotate %select_n3A_1289 by %roll3A_1297 dim 1 : vector<64x2048xi32>, i32 -> vector<64x2048xi32>
      %roll3A_1299 = arith.constant 64 : i32
      %roll3A_1300 = tpu.dynamic_rotate %select_n3A_1289 by %roll3A_1299 dim 1 : vector<64x2048xi32>, i32 -> vector<64x2048xi32>
      %broadcast_in_dim3A_1301 = vector.shape_cast %eq3A_1296 : vector<1x2048xi1> to vector<1x2048xi1>
      %broadcast_in_dim3A_1302 = vector.broadcast %broadcast_in_dim3A_1301 : vector<1x2048xi1> to vector<64x2048xi1>
      %select_n3A_1303 = arith.select %broadcast_in_dim3A_1302, %roll3A_1298, %roll3A_1300 : vector<64x2048xi1>, vector<64x2048xi32>
      %and3A_1304 = arith.constant 64 : i32
      %and3A_1305 = vector.broadcast %and3A_1304 : i32 to vector<1x2048xi32>
      %and3A_1306 = arith.andi %iota3A_620, %and3A_1305 : vector<1x2048xi32>
      %eq3A_1307 = arith.constant 0 : i32
      %eq3A_1308 = vector.broadcast %eq3A_1307 : i32 to vector<1x2048xi32>
      %eq3A_1309 = arith.cmpi eq, %and3A_1306, %eq3A_1308 : vector<1x2048xi32>
      %and3A_1310 = arith.constant 128 : i32
      %and3A_1311 = vector.broadcast %and3A_1310 : i32 to vector<1x2048xi32>
      %and3A_1312 = arith.andi %iota3A_620, %and3A_1311 : vector<1x2048xi32>
      %eq3A_1313 = arith.constant 0 : i32
      %eq3A_1314 = vector.broadcast %eq3A_1313 : i32 to vector<1x2048xi32>
      %eq3A_1315 = arith.cmpi eq, %and3A_1312, %eq3A_1314 : vector<1x2048xi32>
      %xor3A_1316 = arith.xori %eq3A_1309, %eq3A_1315 : vector<1x2048xi1>
      %min3A_1317 = arith.minsi %select_n3A_1289, %select_n3A_1303 : vector<64x2048xi32>
      %max3A_1318 = arith.maxsi %select_n3A_1289, %select_n3A_1303 : vector<64x2048xi32>
      %broadcast_in_dim3A_1319 = vector.shape_cast %xor3A_1316 : vector<1x2048xi1> to vector<1x2048xi1>
      %broadcast_in_dim3A_1320 = vector.broadcast %broadcast_in_dim3A_1319 : vector<1x2048xi1> to vector<64x2048xi1>
      %select_n3A_1321 = arith.select %broadcast_in_dim3A_1320, %min3A_1317, %max3A_1318 : vector<64x2048xi1>, vector<64x2048xi32>
      %iota3A_1322 = tpu.iota {dimensions = array<i32: 1>} : vector<1x2048xi32>
      %and3A_1323 = arith.constant 32 : i32
      %and3A_1324 = vector.broadcast %and3A_1323 : i32 to vector<1x2048xi32>
      %and3A_1325 = arith.andi %iota3A_1322, %and3A_1324 : vector<1x2048xi32>
      %eq3A_1326 = arith.constant 0 : i32
      %eq3A_1327 = vector.broadcast %eq3A_1326 : i32 to vector<1x2048xi32>
      %eq3A_1328 = arith.cmpi eq, %and3A_1325, %eq3A_1327 : vector<1x2048xi32>
      %roll3A_1329 = arith.constant 2016 : i32
      %roll3A_1330 = tpu.dynamic_rotate %select_n3A_1321 by %roll3A_1329 dim 1 : vector<64x2048xi32>, i32 -> vector<64x2048xi32>
      %roll3A_1331 = arith.constant 32 : i32
      %roll3A_1332 = tpu.dynamic_rotate %select_n3A_1321 by %roll3A_1331 dim 1 : vector<64x2048xi32>, i32 -> vector<64x2048xi32>
      %broadcast_in_dim3A_1333 = vector.shape_cast %eq3A_1328 : vector<1x2048xi1> to vector<1x2048xi1>
      %broadcast_in_dim3A_1334 = vector.broadcast %broadcast_in_dim3A_1333 : vector<1x2048xi1> to vector<64x2048xi1>
      %select_n3A_1335 = arith.select %broadcast_in_dim3A_1334, %roll3A_1330, %roll3A_1332 : vector<64x2048xi1>, vector<64x2048xi32>
      %and3A_1336 = arith.constant 32 : i32
      %and3A_1337 = vector.broadcast %and3A_1336 : i32 to vector<1x2048xi32>
      %and3A_1338 = arith.andi %iota3A_620, %and3A_1337 : vector<1x2048xi32>
      %eq3A_1339 = arith.constant 0 : i32
      %eq3A_1340 = vector.broadcast %eq3A_1339 : i32 to vector<1x2048xi32>
      %eq3A_1341 = arith.cmpi eq, %and3A_1338, %eq3A_1340 : vector<1x2048xi32>
      %and3A_1342 = arith.constant 128 : i32
      %and3A_1343 = vector.broadcast %and3A_1342 : i32 to vector<1x2048xi32>
      %and3A_1344 = arith.andi %iota3A_620, %and3A_1343 : vector<1x2048xi32>
      %eq3A_1345 = arith.constant 0 : i32
      %eq3A_1346 = vector.broadcast %eq3A_1345 : i32 to vector<1x2048xi32>
      %eq3A_1347 = arith.cmpi eq, %and3A_1344, %eq3A_1346 : vector<1x2048xi32>
      %xor3A_1348 = arith.xori %eq3A_1341, %eq3A_1347 : vector<1x2048xi1>
      %min3A_1349 = arith.minsi %select_n3A_1321, %select_n3A_1335 : vector<64x2048xi32>
      %max3A_1350 = arith.maxsi %select_n3A_1321, %select_n3A_1335 : vector<64x2048xi32>
      %broadcast_in_dim3A_1351 = vector.shape_cast %xor3A_1348 : vector<1x2048xi1> to vector<1x2048xi1>
      %broadcast_in_dim3A_1352 = vector.broadcast %broadcast_in_dim3A_1351 : vector<1x2048xi1> to vector<64x2048xi1>
      %select_n3A_1353 = arith.select %broadcast_in_dim3A_1352, %min3A_1349, %max3A_1350 : vector<64x2048xi1>, vector<64x2048xi32>
      %iota3A_1354 = tpu.iota {dimensions = array<i32: 1>} : vector<1x2048xi32>
      %and3A_1355 = arith.constant 16 : i32
      %and3A_1356 = vector.broadcast %and3A_1355 : i32 to vector<1x2048xi32>
      %and3A_1357 = arith.andi %iota3A_1354, %and3A_1356 : vector<1x2048xi32>
      %eq3A_1358 = arith.constant 0 : i32
      %eq3A_1359 = vector.broadcast %eq3A_1358 : i32 to vector<1x2048xi32>
      %eq3A_1360 = arith.cmpi eq, %and3A_1357, %eq3A_1359 : vector<1x2048xi32>
      %roll3A_1361 = arith.constant 2032 : i32
      %roll3A_1362 = tpu.dynamic_rotate %select_n3A_1353 by %roll3A_1361 dim 1 : vector<64x2048xi32>, i32 -> vector<64x2048xi32>
      %roll3A_1363 = arith.constant 16 : i32
      %roll3A_1364 = tpu.dynamic_rotate %select_n3A_1353 by %roll3A_1363 dim 1 : vector<64x2048xi32>, i32 -> vector<64x2048xi32>
      %broadcast_in_dim3A_1365 = vector.shape_cast %eq3A_1360 : vector<1x2048xi1> to vector<1x2048xi1>
      %broadcast_in_dim3A_1366 = vector.broadcast %broadcast_in_dim3A_1365 : vector<1x2048xi1> to vector<64x2048xi1>
      %select_n3A_1367 = arith.select %broadcast_in_dim3A_1366, %roll3A_1362, %roll3A_1364 : vector<64x2048xi1>, vector<64x2048xi32>
      %and3A_1368 = arith.constant 16 : i32
      %and3A_1369 = vector.broadcast %and3A_1368 : i32 to vector<1x2048xi32>
      %and3A_1370 = arith.andi %iota3A_620, %and3A_1369 : vector<1x2048xi32>
      %eq3A_1371 = arith.constant 0 : i32
      %eq3A_1372 = vector.broadcast %eq3A_1371 : i32 to vector<1x2048xi32>
      %eq3A_1373 = arith.cmpi eq, %and3A_1370, %eq3A_1372 : vector<1x2048xi32>
      %and3A_1374 = arith.constant 128 : i32
      %and3A_1375 = vector.broadcast %and3A_1374 : i32 to vector<1x2048xi32>
      %and3A_1376 = arith.andi %iota3A_620, %and3A_1375 : vector<1x2048xi32>
      %eq3A_1377 = arith.constant 0 : i32
      %eq3A_1378 = vector.broadcast %eq3A_1377 : i32 to vector<1x2048xi32>
      %eq3A_1379 = arith.cmpi eq, %and3A_1376, %eq3A_1378 : vector<1x2048xi32>
      %xor3A_1380 = arith.xori %eq3A_1373, %eq3A_1379 : vector<1x2048xi1>
      %min3A_1381 = arith.minsi %select_n3A_1353, %select_n3A_1367 : vector<64x2048xi32>
      %max3A_1382 = arith.maxsi %select_n3A_1353, %select_n3A_1367 : vector<64x2048xi32>
      %broadcast_in_dim3A_1383 = vector.shape_cast %xor3A_1380 : vector<1x2048xi1> to vector<1x2048xi1>
      %broadcast_in_dim3A_1384 = vector.broadcast %broadcast_in_dim3A_1383 : vector<1x2048xi1> to vector<64x2048xi1>
      %select_n3A_1385 = arith.select %broadcast_in_dim3A_1384, %min3A_1381, %max3A_1382 : vector<64x2048xi1>, vector<64x2048xi32>
      %iota3A_1386 = tpu.iota {dimensions = array<i32: 1>} : vector<1x2048xi32>
      %and3A_1387 = arith.constant 8 : i32
      %and3A_1388 = vector.broadcast %and3A_1387 : i32 to vector<1x2048xi32>
      %and3A_1389 = arith.andi %iota3A_1386, %and3A_1388 : vector<1x2048xi32>
      %eq3A_1390 = arith.constant 0 : i32
      %eq3A_1391 = vector.broadcast %eq3A_1390 : i32 to vector<1x2048xi32>
      %eq3A_1392 = arith.cmpi eq, %and3A_1389, %eq3A_1391 : vector<1x2048xi32>
      %roll3A_1393 = arith.constant 2040 : i32
      %roll3A_1394 = tpu.dynamic_rotate %select_n3A_1385 by %roll3A_1393 dim 1 : vector<64x2048xi32>, i32 -> vector<64x2048xi32>
      %roll3A_1395 = arith.constant 8 : i32
      %roll3A_1396 = tpu.dynamic_rotate %select_n3A_1385 by %roll3A_1395 dim 1 : vector<64x2048xi32>, i32 -> vector<64x2048xi32>
      %broadcast_in_dim3A_1397 = vector.shape_cast %eq3A_1392 : vector<1x2048xi1> to vector<1x2048xi1>
      %broadcast_in_dim3A_1398 = vector.broadcast %broadcast_in_dim3A_1397 : vector<1x2048xi1> to vector<64x2048xi1>
      %select_n3A_1399 = arith.select %broadcast_in_dim3A_1398, %roll3A_1394, %roll3A_1396 : vector<64x2048xi1>, vector<64x2048xi32>
      %and3A_1400 = arith.constant 8 : i32
      %and3A_1401 = vector.broadcast %and3A_1400 : i32 to vector<1x2048xi32>
      %and3A_1402 = arith.andi %iota3A_620, %and3A_1401 : vector<1x2048xi32>
      %eq3A_1403 = arith.constant 0 : i32
      %eq3A_1404 = vector.broadcast %eq3A_1403 : i32 to vector<1x2048xi32>
      %eq3A_1405 = arith.cmpi eq, %and3A_1402, %eq3A_1404 : vector<1x2048xi32>
      %and3A_1406 = arith.constant 128 : i32
      %and3A_1407 = vector.broadcast %and3A_1406 : i32 to vector<1x2048xi32>
      %and3A_1408 = arith.andi %iota3A_620, %and3A_1407 : vector<1x2048xi32>
      %eq3A_1409 = arith.constant 0 : i32
      %eq3A_1410 = vector.broadcast %eq3A_1409 : i32 to vector<1x2048xi32>
      %eq3A_1411 = arith.cmpi eq, %and3A_1408, %eq3A_1410 : vector<1x2048xi32>
      %xor3A_1412 = arith.xori %eq3A_1405, %eq3A_1411 : vector<1x2048xi1>
      %min3A_1413 = arith.minsi %select_n3A_1385, %select_n3A_1399 : vector<64x2048xi32>
      %max3A_1414 = arith.maxsi %select_n3A_1385, %select_n3A_1399 : vector<64x2048xi32>
      %broadcast_in_dim3A_1415 = vector.shape_cast %xor3A_1412 : vector<1x2048xi1> to vector<1x2048xi1>
      %broadcast_in_dim3A_1416 = vector.broadcast %broadcast_in_dim3A_1415 : vector<1x2048xi1> to vector<64x2048xi1>
      %select_n3A_1417 = arith.select %broadcast_in_dim3A_1416, %min3A_1413, %max3A_1414 : vector<64x2048xi1>, vector<64x2048xi32>
      %iota3A_1418 = tpu.iota {dimensions = array<i32: 1>} : vector<1x2048xi32>
      %and3A_1419 = arith.constant 4 : i32
      %and3A_1420 = vector.broadcast %and3A_1419 : i32 to vector<1x2048xi32>
      %and3A_1421 = arith.andi %iota3A_1418, %and3A_1420 : vector<1x2048xi32>
      %eq3A_1422 = arith.constant 0 : i32
      %eq3A_1423 = vector.broadcast %eq3A_1422 : i32 to vector<1x2048xi32>
      %eq3A_1424 = arith.cmpi eq, %and3A_1421, %eq3A_1423 : vector<1x2048xi32>
      %roll3A_1425 = arith.constant 2044 : i32
      %roll3A_1426 = tpu.dynamic_rotate %select_n3A_1417 by %roll3A_1425 dim 1 : vector<64x2048xi32>, i32 -> vector<64x2048xi32>
      %roll3A_1427 = arith.constant 4 : i32
      %roll3A_1428 = tpu.dynamic_rotate %select_n3A_1417 by %roll3A_1427 dim 1 : vector<64x2048xi32>, i32 -> vector<64x2048xi32>
      %broadcast_in_dim3A_1429 = vector.shape_cast %eq3A_1424 : vector<1x2048xi1> to vector<1x2048xi1>
      %broadcast_in_dim3A_1430 = vector.broadcast %broadcast_in_dim3A_1429 : vector<1x2048xi1> to vector<64x2048xi1>
      %select_n3A_1431 = arith.select %broadcast_in_dim3A_1430, %roll3A_1426, %roll3A_1428 : vector<64x2048xi1>, vector<64x2048xi32>
      %and3A_1432 = arith.constant 4 : i32
      %and3A_1433 = vector.broadcast %and3A_1432 : i32 to vector<1x2048xi32>
      %and3A_1434 = arith.andi %iota3A_620, %and3A_1433 : vector<1x2048xi32>
      %eq3A_1435 = arith.constant 0 : i32
      %eq3A_1436 = vector.broadcast %eq3A_1435 : i32 to vector<1x2048xi32>
      %eq3A_1437 = arith.cmpi eq, %and3A_1434, %eq3A_1436 : vector<1x2048xi32>
      %and3A_1438 = arith.constant 128 : i32
      %and3A_1439 = vector.broadcast %and3A_1438 : i32 to vector<1x2048xi32>
      %and3A_1440 = arith.andi %iota3A_620, %and3A_1439 : vector<1x2048xi32>
      %eq3A_1441 = arith.constant 0 : i32
      %eq3A_1442 = vector.broadcast %eq3A_1441 : i32 to vector<1x2048xi32>
      %eq3A_1443 = arith.cmpi eq, %and3A_1440, %eq3A_1442 : vector<1x2048xi32>
      %xor3A_1444 = arith.xori %eq3A_1437, %eq3A_1443 : vector<1x2048xi1>
      %min3A_1445 = arith.minsi %select_n3A_1417, %select_n3A_1431 : vector<64x2048xi32>
      %max3A_1446 = arith.maxsi %select_n3A_1417, %select_n3A_1431 : vector<64x2048xi32>
      %broadcast_in_dim3A_1447 = vector.shape_cast %xor3A_1444 : vector<1x2048xi1> to vector<1x2048xi1>
      %broadcast_in_dim3A_1448 = vector.broadcast %broadcast_in_dim3A_1447 : vector<1x2048xi1> to vector<64x2048xi1>
      %select_n3A_1449 = arith.select %broadcast_in_dim3A_1448, %min3A_1445, %max3A_1446 : vector<64x2048xi1>, vector<64x2048xi32>
      %iota3A_1450 = tpu.iota {dimensions = array<i32: 1>} : vector<1x2048xi32>
      %and3A_1451 = arith.constant 2 : i32
      %and3A_1452 = vector.broadcast %and3A_1451 : i32 to vector<1x2048xi32>
      %and3A_1453 = arith.andi %iota3A_1450, %and3A_1452 : vector<1x2048xi32>
      %eq3A_1454 = arith.constant 0 : i32
      %eq3A_1455 = vector.broadcast %eq3A_1454 : i32 to vector<1x2048xi32>
      %eq3A_1456 = arith.cmpi eq, %and3A_1453, %eq3A_1455 : vector<1x2048xi32>
      %roll3A_1457 = arith.constant 2046 : i32
      %roll3A_1458 = tpu.dynamic_rotate %select_n3A_1449 by %roll3A_1457 dim 1 : vector<64x2048xi32>, i32 -> vector<64x2048xi32>
      %roll3A_1459 = arith.constant 2 : i32
      %roll3A_1460 = tpu.dynamic_rotate %select_n3A_1449 by %roll3A_1459 dim 1 : vector<64x2048xi32>, i32 -> vector<64x2048xi32>
      %broadcast_in_dim3A_1461 = vector.shape_cast %eq3A_1456 : vector<1x2048xi1> to vector<1x2048xi1>
      %broadcast_in_dim3A_1462 = vector.broadcast %broadcast_in_dim3A_1461 : vector<1x2048xi1> to vector<64x2048xi1>
      %select_n3A_1463 = arith.select %broadcast_in_dim3A_1462, %roll3A_1458, %roll3A_1460 : vector<64x2048xi1>, vector<64x2048xi32>
      %and3A_1464 = arith.constant 2 : i32
      %and3A_1465 = vector.broadcast %and3A_1464 : i32 to vector<1x2048xi32>
      %and3A_1466 = arith.andi %iota3A_620, %and3A_1465 : vector<1x2048xi32>
      %eq3A_1467 = arith.constant 0 : i32
      %eq3A_1468 = vector.broadcast %eq3A_1467 : i32 to vector<1x2048xi32>
      %eq3A_1469 = arith.cmpi eq, %and3A_1466, %eq3A_1468 : vector<1x2048xi32>
      %and3A_1470 = arith.constant 128 : i32
      %and3A_1471 = vector.broadcast %and3A_1470 : i32 to vector<1x2048xi32>
      %and3A_1472 = arith.andi %iota3A_620, %and3A_1471 : vector<1x2048xi32>
      %eq3A_1473 = arith.constant 0 : i32
      %eq3A_1474 = vector.broadcast %eq3A_1473 : i32 to vector<1x2048xi32>
      %eq3A_1475 = arith.cmpi eq, %and3A_1472, %eq3A_1474 : vector<1x2048xi32>
      %xor3A_1476 = arith.xori %eq3A_1469, %eq3A_1475 : vector<1x2048xi1>
      %min3A_1477 = arith.minsi %select_n3A_1449, %select_n3A_1463 : vector<64x2048xi32>
      %max3A_1478 = arith.maxsi %select_n3A_1449, %select_n3A_1463 : vector<64x2048xi32>
      %broadcast_in_dim3A_1479 = vector.shape_cast %xor3A_1476 : vector<1x2048xi1> to vector<1x2048xi1>
      %broadcast_in_dim3A_1480 = vector.broadcast %broadcast_in_dim3A_1479 : vector<1x2048xi1> to vector<64x2048xi1>
      %select_n3A_1481 = arith.select %broadcast_in_dim3A_1480, %min3A_1477, %max3A_1478 : vector<64x2048xi1>, vector<64x2048xi32>
      %iota3A_1482 = tpu.iota {dimensions = array<i32: 1>} : vector<1x2048xi32>
      %and3A_1483 = arith.constant 1 : i32
      %and3A_1484 = vector.broadcast %and3A_1483 : i32 to vector<1x2048xi32>
      %and3A_1485 = arith.andi %iota3A_1482, %and3A_1484 : vector<1x2048xi32>
      %eq3A_1486 = arith.constant 0 : i32
      %eq3A_1487 = vector.broadcast %eq3A_1486 : i32 to vector<1x2048xi32>
      %eq3A_1488 = arith.cmpi eq, %and3A_1485, %eq3A_1487 : vector<1x2048xi32>
      %roll3A_1489 = arith.constant 2047 : i32
      %roll3A_1490 = tpu.dynamic_rotate %select_n3A_1481 by %roll3A_1489 dim 1 : vector<64x2048xi32>, i32 -> vector<64x2048xi32>
      %roll3A_1491 = arith.constant 1 : i32
      %roll3A_1492 = tpu.dynamic_rotate %select_n3A_1481 by %roll3A_1491 dim 1 : vector<64x2048xi32>, i32 -> vector<64x2048xi32>
      %broadcast_in_dim3A_1493 = vector.shape_cast %eq3A_1488 : vector<1x2048xi1> to vector<1x2048xi1>
      %broadcast_in_dim3A_1494 = vector.broadcast %broadcast_in_dim3A_1493 : vector<1x2048xi1> to vector<64x2048xi1>
      %select_n3A_1495 = arith.select %broadcast_in_dim3A_1494, %roll3A_1490, %roll3A_1492 : vector<64x2048xi1>, vector<64x2048xi32>
      %and3A_1496 = arith.constant 1 : i32
      %and3A_1497 = vector.broadcast %and3A_1496 : i32 to vector<1x2048xi32>
      %and3A_1498 = arith.andi %iota3A_620, %and3A_1497 : vector<1x2048xi32>
      %eq3A_1499 = arith.constant 0 : i32
      %eq3A_1500 = vector.broadcast %eq3A_1499 : i32 to vector<1x2048xi32>
      %eq3A_1501 = arith.cmpi eq, %and3A_1498, %eq3A_1500 : vector<1x2048xi32>
      %and3A_1502 = arith.constant 128 : i32
      %and3A_1503 = vector.broadcast %and3A_1502 : i32 to vector<1x2048xi32>
      %and3A_1504 = arith.andi %iota3A_620, %and3A_1503 : vector<1x2048xi32>
      %eq3A_1505 = arith.constant 0 : i32
      %eq3A_1506 = vector.broadcast %eq3A_1505 : i32 to vector<1x2048xi32>
      %eq3A_1507 = arith.cmpi eq, %and3A_1504, %eq3A_1506 : vector<1x2048xi32>
      %xor3A_1508 = arith.xori %eq3A_1501, %eq3A_1507 : vector<1x2048xi1>
      %min3A_1509 = arith.minsi %select_n3A_1481, %select_n3A_1495 : vector<64x2048xi32>
      %max3A_1510 = arith.maxsi %select_n3A_1481, %select_n3A_1495 : vector<64x2048xi32>
      %broadcast_in_dim3A_1511 = vector.shape_cast %xor3A_1508 : vector<1x2048xi1> to vector<1x2048xi1>
      %broadcast_in_dim3A_1512 = vector.broadcast %broadcast_in_dim3A_1511 : vector<1x2048xi1> to vector<64x2048xi1>
      %select_n3A_1513 = arith.select %broadcast_in_dim3A_1512, %min3A_1509, %max3A_1510 : vector<64x2048xi1>, vector<64x2048xi32>
      %iota3A_1514 = tpu.iota {dimensions = array<i32: 1>} : vector<1x2048xi32>
      %and3A_1515 = arith.constant 128 : i32
      %and3A_1516 = vector.broadcast %and3A_1515 : i32 to vector<1x2048xi32>
      %and3A_1517 = arith.andi %iota3A_1514, %and3A_1516 : vector<1x2048xi32>
      %eq3A_1518 = arith.constant 0 : i32
      %eq3A_1519 = vector.broadcast %eq3A_1518 : i32 to vector<1x2048xi32>
      %eq3A_1520 = arith.cmpi eq, %and3A_1517, %eq3A_1519 : vector<1x2048xi32>
      %roll3A_1521 = arith.constant 1920 : i32
      %roll3A_1522 = tpu.dynamic_rotate %select_n3A_1513 by %roll3A_1521 dim 1 : vector<64x2048xi32>, i32 -> vector<64x2048xi32>
      %roll3A_1523 = arith.constant 128 : i32
      %roll3A_1524 = tpu.dynamic_rotate %select_n3A_1513 by %roll3A_1523 dim 1 : vector<64x2048xi32>, i32 -> vector<64x2048xi32>
      %broadcast_in_dim3A_1525 = vector.shape_cast %eq3A_1520 : vector<1x2048xi1> to vector<1x2048xi1>
      %broadcast_in_dim3A_1526 = vector.broadcast %broadcast_in_dim3A_1525 : vector<1x2048xi1> to vector<64x2048xi1>
      %select_n3A_1527 = arith.select %broadcast_in_dim3A_1526, %roll3A_1522, %roll3A_1524 : vector<64x2048xi1>, vector<64x2048xi32>
      %and3A_1528 = arith.constant 128 : i32
      %and3A_1529 = vector.broadcast %and3A_1528 : i32 to vector<1x2048xi32>
      %and3A_1530 = arith.andi %iota3A_620, %and3A_1529 : vector<1x2048xi32>
      %eq3A_1531 = arith.constant 0 : i32
      %eq3A_1532 = vector.broadcast %eq3A_1531 : i32 to vector<1x2048xi32>
      %eq3A_1533 = arith.cmpi eq, %and3A_1530, %eq3A_1532 : vector<1x2048xi32>
      %and3A_1534 = arith.constant 256 : i32
      %and3A_1535 = vector.broadcast %and3A_1534 : i32 to vector<1x2048xi32>
      %and3A_1536 = arith.andi %iota3A_620, %and3A_1535 : vector<1x2048xi32>
      %eq3A_1537 = arith.constant 0 : i32
      %eq3A_1538 = vector.broadcast %eq3A_1537 : i32 to vector<1x2048xi32>
      %eq3A_1539 = arith.cmpi eq, %and3A_1536, %eq3A_1538 : vector<1x2048xi32>
      %xor3A_1540 = arith.xori %eq3A_1533, %eq3A_1539 : vector<1x2048xi1>
      %min3A_1541 = arith.minsi %select_n3A_1513, %select_n3A_1527 : vector<64x2048xi32>
      %max3A_1542 = arith.maxsi %select_n3A_1513, %select_n3A_1527 : vector<64x2048xi32>
      %broadcast_in_dim3A_1543 = vector.shape_cast %xor3A_1540 : vector<1x2048xi1> to vector<1x2048xi1>
      %broadcast_in_dim3A_1544 = vector.broadcast %broadcast_in_dim3A_1543 : vector<1x2048xi1> to vector<64x2048xi1>
      %select_n3A_1545 = arith.select %broadcast_in_dim3A_1544, %min3A_1541, %max3A_1542 : vector<64x2048xi1>, vector<64x2048xi32>
      %iota3A_1546 = tpu.iota {dimensions = array<i32: 1>} : vector<1x2048xi32>
      %and3A_1547 = arith.constant 64 : i32
      %and3A_1548 = vector.broadcast %and3A_1547 : i32 to vector<1x2048xi32>
      %and3A_1549 = arith.andi %iota3A_1546, %and3A_1548 : vector<1x2048xi32>
      %eq3A_1550 = arith.constant 0 : i32
      %eq3A_1551 = vector.broadcast %eq3A_1550 : i32 to vector<1x2048xi32>
      %eq3A_1552 = arith.cmpi eq, %and3A_1549, %eq3A_1551 : vector<1x2048xi32>
      %roll3A_1553 = arith.constant 1984 : i32
      %roll3A_1554 = tpu.dynamic_rotate %select_n3A_1545 by %roll3A_1553 dim 1 : vector<64x2048xi32>, i32 -> vector<64x2048xi32>
      %roll3A_1555 = arith.constant 64 : i32
      %roll3A_1556 = tpu.dynamic_rotate %select_n3A_1545 by %roll3A_1555 dim 1 : vector<64x2048xi32>, i32 -> vector<64x2048xi32>
      %broadcast_in_dim3A_1557 = vector.shape_cast %eq3A_1552 : vector<1x2048xi1> to vector<1x2048xi1>
      %broadcast_in_dim3A_1558 = vector.broadcast %broadcast_in_dim3A_1557 : vector<1x2048xi1> to vector<64x2048xi1>
      %select_n3A_1559 = arith.select %broadcast_in_dim3A_1558, %roll3A_1554, %roll3A_1556 : vector<64x2048xi1>, vector<64x2048xi32>
      %and3A_1560 = arith.constant 64 : i32
      %and3A_1561 = vector.broadcast %and3A_1560 : i32 to vector<1x2048xi32>
      %and3A_1562 = arith.andi %iota3A_620, %and3A_1561 : vector<1x2048xi32>
      %eq3A_1563 = arith.constant 0 : i32
      %eq3A_1564 = vector.broadcast %eq3A_1563 : i32 to vector<1x2048xi32>
      %eq3A_1565 = arith.cmpi eq, %and3A_1562, %eq3A_1564 : vector<1x2048xi32>
      %and3A_1566 = arith.constant 256 : i32
      %and3A_1567 = vector.broadcast %and3A_1566 : i32 to vector<1x2048xi32>
      %and3A_1568 = arith.andi %iota3A_620, %and3A_1567 : vector<1x2048xi32>
      %eq3A_1569 = arith.constant 0 : i32
      %eq3A_1570 = vector.broadcast %eq3A_1569 : i32 to vector<1x2048xi32>
      %eq3A_1571 = arith.cmpi eq, %and3A_1568, %eq3A_1570 : vector<1x2048xi32>
      %xor3A_1572 = arith.xori %eq3A_1565, %eq3A_1571 : vector<1x2048xi1>
      %min3A_1573 = arith.minsi %select_n3A_1545, %select_n3A_1559 : vector<64x2048xi32>
      %max3A_1574 = arith.maxsi %select_n3A_1545, %select_n3A_1559 : vector<64x2048xi32>
      %broadcast_in_dim3A_1575 = vector.shape_cast %xor3A_1572 : vector<1x2048xi1> to vector<1x2048xi1>
      %broadcast_in_dim3A_1576 = vector.broadcast %broadcast_in_dim3A_1575 : vector<1x2048xi1> to vector<64x2048xi1>
      %select_n3A_1577 = arith.select %broadcast_in_dim3A_1576, %min3A_1573, %max3A_1574 : vector<64x2048xi1>, vector<64x2048xi32>
      %iota3A_1578 = tpu.iota {dimensions = array<i32: 1>} : vector<1x2048xi32>
      %and3A_1579 = arith.constant 32 : i32
      %and3A_1580 = vector.broadcast %and3A_1579 : i32 to vector<1x2048xi32>
      %and3A_1581 = arith.andi %iota3A_1578, %and3A_1580 : vector<1x2048xi32>
      %eq3A_1582 = arith.constant 0 : i32
      %eq3A_1583 = vector.broadcast %eq3A_1582 : i32 to vector<1x2048xi32>
      %eq3A_1584 = arith.cmpi eq, %and3A_1581, %eq3A_1583 : vector<1x2048xi32>
      %roll3A_1585 = arith.constant 2016 : i32
      %roll3A_1586 = tpu.dynamic_rotate %select_n3A_1577 by %roll3A_1585 dim 1 : vector<64x2048xi32>, i32 -> vector<64x2048xi32>
      %roll3A_1587 = arith.constant 32 : i32
      %roll3A_1588 = tpu.dynamic_rotate %select_n3A_1577 by %roll3A_1587 dim 1 : vector<64x2048xi32>, i32 -> vector<64x2048xi32>
      %broadcast_in_dim3A_1589 = vector.shape_cast %eq3A_1584 : vector<1x2048xi1> to vector<1x2048xi1>
      %broadcast_in_dim3A_1590 = vector.broadcast %broadcast_in_dim3A_1589 : vector<1x2048xi1> to vector<64x2048xi1>
      %select_n3A_1591 = arith.select %broadcast_in_dim3A_1590, %roll3A_1586, %roll3A_1588 : vector<64x2048xi1>, vector<64x2048xi32>
      %and3A_1592 = arith.constant 32 : i32
      %and3A_1593 = vector.broadcast %and3A_1592 : i32 to vector<1x2048xi32>
      %and3A_1594 = arith.andi %iota3A_620, %and3A_1593 : vector<1x2048xi32>
      %eq3A_1595 = arith.constant 0 : i32
      %eq3A_1596 = vector.broadcast %eq3A_1595 : i32 to vector<1x2048xi32>
      %eq3A_1597 = arith.cmpi eq, %and3A_1594, %eq3A_1596 : vector<1x2048xi32>
      %and3A_1598 = arith.constant 256 : i32
      %and3A_1599 = vector.broadcast %and3A_1598 : i32 to vector<1x2048xi32>
      %and3A_1600 = arith.andi %iota3A_620, %and3A_1599 : vector<1x2048xi32>
      %eq3A_1601 = arith.constant 0 : i32
      %eq3A_1602 = vector.broadcast %eq3A_1601 : i32 to vector<1x2048xi32>
      %eq3A_1603 = arith.cmpi eq, %and3A_1600, %eq3A_1602 : vector<1x2048xi32>
      %xor3A_1604 = arith.xori %eq3A_1597, %eq3A_1603 : vector<1x2048xi1>
      %min3A_1605 = arith.minsi %select_n3A_1577, %select_n3A_1591 : vector<64x2048xi32>
      %max3A_1606 = arith.maxsi %select_n3A_1577, %select_n3A_1591 : vector<64x2048xi32>
      %broadcast_in_dim3A_1607 = vector.shape_cast %xor3A_1604 : vector<1x2048xi1> to vector<1x2048xi1>
      %broadcast_in_dim3A_1608 = vector.broadcast %broadcast_in_dim3A_1607 : vector<1x2048xi1> to vector<64x2048xi1>
      %select_n3A_1609 = arith.select %broadcast_in_dim3A_1608, %min3A_1605, %max3A_1606 : vector<64x2048xi1>, vector<64x2048xi32>
      %iota3A_1610 = tpu.iota {dimensions = array<i32: 1>} : vector<1x2048xi32>
      %and3A_1611 = arith.constant 16 : i32
      %and3A_1612 = vector.broadcast %and3A_1611 : i32 to vector<1x2048xi32>
      %and3A_1613 = arith.andi %iota3A_1610, %and3A_1612 : vector<1x2048xi32>
      %eq3A_1614 = arith.constant 0 : i32
      %eq3A_1615 = vector.broadcast %eq3A_1614 : i32 to vector<1x2048xi32>
      %eq3A_1616 = arith.cmpi eq, %and3A_1613, %eq3A_1615 : vector<1x2048xi32>
      %roll3A_1617 = arith.constant 2032 : i32
      %roll3A_1618 = tpu.dynamic_rotate %select_n3A_1609 by %roll3A_1617 dim 1 : vector<64x2048xi32>, i32 -> vector<64x2048xi32>
      %roll3A_1619 = arith.constant 16 : i32
      %roll3A_1620 = tpu.dynamic_rotate %select_n3A_1609 by %roll3A_1619 dim 1 : vector<64x2048xi32>, i32 -> vector<64x2048xi32>
      %broadcast_in_dim3A_1621 = vector.shape_cast %eq3A_1616 : vector<1x2048xi1> to vector<1x2048xi1>
      %broadcast_in_dim3A_1622 = vector.broadcast %broadcast_in_dim3A_1621 : vector<1x2048xi1> to vector<64x2048xi1>
      %select_n3A_1623 = arith.select %broadcast_in_dim3A_1622, %roll3A_1618, %roll3A_1620 : vector<64x2048xi1>, vector<64x2048xi32>
      %and3A_1624 = arith.constant 16 : i32
      %and3A_1625 = vector.broadcast %and3A_1624 : i32 to vector<1x2048xi32>
      %and3A_1626 = arith.andi %iota3A_620, %and3A_1625 : vector<1x2048xi32>
      %eq3A_1627 = arith.constant 0 : i32
      %eq3A_1628 = vector.broadcast %eq3A_1627 : i32 to vector<1x2048xi32>
      %eq3A_1629 = arith.cmpi eq, %and3A_1626, %eq3A_1628 : vector<1x2048xi32>
      %and3A_1630 = arith.constant 256 : i32
      %and3A_1631 = vector.broadcast %and3A_1630 : i32 to vector<1x2048xi32>
      %and3A_1632 = arith.andi %iota3A_620, %and3A_1631 : vector<1x2048xi32>
      %eq3A_1633 = arith.constant 0 : i32
      %eq3A_1634 = vector.broadcast %eq3A_1633 : i32 to vector<1x2048xi32>
      %eq3A_1635 = arith.cmpi eq, %and3A_1632, %eq3A_1634 : vector<1x2048xi32>
      %xor3A_1636 = arith.xori %eq3A_1629, %eq3A_1635 : vector<1x2048xi1>
      %min3A_1637 = arith.minsi %select_n3A_1609, %select_n3A_1623 : vector<64x2048xi32>
      %max3A_1638 = arith.maxsi %select_n3A_1609, %select_n3A_1623 : vector<64x2048xi32>
      %broadcast_in_dim3A_1639 = vector.shape_cast %xor3A_1636 : vector<1x2048xi1> to vector<1x2048xi1>
      %broadcast_in_dim3A_1640 = vector.broadcast %broadcast_in_dim3A_1639 : vector<1x2048xi1> to vector<64x2048xi1>
      %select_n3A_1641 = arith.select %broadcast_in_dim3A_1640, %min3A_1637, %max3A_1638 : vector<64x2048xi1>, vector<64x2048xi32>
      %iota3A_1642 = tpu.iota {dimensions = array<i32: 1>} : vector<1x2048xi32>
      %and3A_1643 = arith.constant 8 : i32
      %and3A_1644 = vector.broadcast %and3A_1643 : i32 to vector<1x2048xi32>
      %and3A_1645 = arith.andi %iota3A_1642, %and3A_1644 : vector<1x2048xi32>
      %eq3A_1646 = arith.constant 0 : i32
      %eq3A_1647 = vector.broadcast %eq3A_1646 : i32 to vector<1x2048xi32>
      %eq3A_1648 = arith.cmpi eq, %and3A_1645, %eq3A_1647 : vector<1x2048xi32>
      %roll3A_1649 = arith.constant 2040 : i32
      %roll3A_1650 = tpu.dynamic_rotate %select_n3A_1641 by %roll3A_1649 dim 1 : vector<64x2048xi32>, i32 -> vector<64x2048xi32>
      %roll3A_1651 = arith.constant 8 : i32
      %roll3A_1652 = tpu.dynamic_rotate %select_n3A_1641 by %roll3A_1651 dim 1 : vector<64x2048xi32>, i32 -> vector<64x2048xi32>
      %broadcast_in_dim3A_1653 = vector.shape_cast %eq3A_1648 : vector<1x2048xi1> to vector<1x2048xi1>
      %broadcast_in_dim3A_1654 = vector.broadcast %broadcast_in_dim3A_1653 : vector<1x2048xi1> to vector<64x2048xi1>
      %select_n3A_1655 = arith.select %broadcast_in_dim3A_1654, %roll3A_1650, %roll3A_1652 : vector<64x2048xi1>, vector<64x2048xi32>
      %and3A_1656 = arith.constant 8 : i32
      %and3A_1657 = vector.broadcast %and3A_1656 : i32 to vector<1x2048xi32>
      %and3A_1658 = arith.andi %iota3A_620, %and3A_1657 : vector<1x2048xi32>
      %eq3A_1659 = arith.constant 0 : i32
      %eq3A_1660 = vector.broadcast %eq3A_1659 : i32 to vector<1x2048xi32>
      %eq3A_1661 = arith.cmpi eq, %and3A_1658, %eq3A_1660 : vector<1x2048xi32>
      %and3A_1662 = arith.constant 256 : i32
      %and3A_1663 = vector.broadcast %and3A_1662 : i32 to vector<1x2048xi32>
      %and3A_1664 = arith.andi %iota3A_620, %and3A_1663 : vector<1x2048xi32>
      %eq3A_1665 = arith.constant 0 : i32
      %eq3A_1666 = vector.broadcast %eq3A_1665 : i32 to vector<1x2048xi32>
      %eq3A_1667 = arith.cmpi eq, %and3A_1664, %eq3A_1666 : vector<1x2048xi32>
      %xor3A_1668 = arith.xori %eq3A_1661, %eq3A_1667 : vector<1x2048xi1>
      %min3A_1669 = arith.minsi %select_n3A_1641, %select_n3A_1655 : vector<64x2048xi32>
      %max3A_1670 = arith.maxsi %select_n3A_1641, %select_n3A_1655 : vector<64x2048xi32>
      %broadcast_in_dim3A_1671 = vector.shape_cast %xor3A_1668 : vector<1x2048xi1> to vector<1x2048xi1>
      %broadcast_in_dim3A_1672 = vector.broadcast %broadcast_in_dim3A_1671 : vector<1x2048xi1> to vector<64x2048xi1>
      %select_n3A_1673 = arith.select %broadcast_in_dim3A_1672, %min3A_1669, %max3A_1670 : vector<64x2048xi1>, vector<64x2048xi32>
      %iota3A_1674 = tpu.iota {dimensions = array<i32: 1>} : vector<1x2048xi32>
      %and3A_1675 = arith.constant 4 : i32
      %and3A_1676 = vector.broadcast %and3A_1675 : i32 to vector<1x2048xi32>
      %and3A_1677 = arith.andi %iota3A_1674, %and3A_1676 : vector<1x2048xi32>
      %eq3A_1678 = arith.constant 0 : i32
      %eq3A_1679 = vector.broadcast %eq3A_1678 : i32 to vector<1x2048xi32>
      %eq3A_1680 = arith.cmpi eq, %and3A_1677, %eq3A_1679 : vector<1x2048xi32>
      %roll3A_1681 = arith.constant 2044 : i32
      %roll3A_1682 = tpu.dynamic_rotate %select_n3A_1673 by %roll3A_1681 dim 1 : vector<64x2048xi32>, i32 -> vector<64x2048xi32>
      %roll3A_1683 = arith.constant 4 : i32
      %roll3A_1684 = tpu.dynamic_rotate %select_n3A_1673 by %roll3A_1683 dim 1 : vector<64x2048xi32>, i32 -> vector<64x2048xi32>
      %broadcast_in_dim3A_1685 = vector.shape_cast %eq3A_1680 : vector<1x2048xi1> to vector<1x2048xi1>
      %broadcast_in_dim3A_1686 = vector.broadcast %broadcast_in_dim3A_1685 : vector<1x2048xi1> to vector<64x2048xi1>
      %select_n3A_1687 = arith.select %broadcast_in_dim3A_1686, %roll3A_1682, %roll3A_1684 : vector<64x2048xi1>, vector<64x2048xi32>
      %and3A_1688 = arith.constant 4 : i32
      %and3A_1689 = vector.broadcast %and3A_1688 : i32 to vector<1x2048xi32>
      %and3A_1690 = arith.andi %iota3A_620, %and3A_1689 : vector<1x2048xi32>
      %eq3A_1691 = arith.constant 0 : i32
      %eq3A_1692 = vector.broadcast %eq3A_1691 : i32 to vector<1x2048xi32>
      %eq3A_1693 = arith.cmpi eq, %and3A_1690, %eq3A_1692 : vector<1x2048xi32>
      %and3A_1694 = arith.constant 256 : i32
      %and3A_1695 = vector.broadcast %and3A_1694 : i32 to vector<1x2048xi32>
      %and3A_1696 = arith.andi %iota3A_620, %and3A_1695 : vector<1x2048xi32>
      %eq3A_1697 = arith.constant 0 : i32
      %eq3A_1698 = vector.broadcast %eq3A_1697 : i32 to vector<1x2048xi32>
      %eq3A_1699 = arith.cmpi eq, %and3A_1696, %eq3A_1698 : vector<1x2048xi32>
      %xor3A_1700 = arith.xori %eq3A_1693, %eq3A_1699 : vector<1x2048xi1>
      %min3A_1701 = arith.minsi %select_n3A_1673, %select_n3A_1687 : vector<64x2048xi32>
      %max3A_1702 = arith.maxsi %select_n3A_1673, %select_n3A_1687 : vector<64x2048xi32>
      %broadcast_in_dim3A_1703 = vector.shape_cast %xor3A_1700 : vector<1x2048xi1> to vector<1x2048xi1>
      %broadcast_in_dim3A_1704 = vector.broadcast %broadcast_in_dim3A_1703 : vector<1x2048xi1> to vector<64x2048xi1>
      %select_n3A_1705 = arith.select %broadcast_in_dim3A_1704, %min3A_1701, %max3A_1702 : vector<64x2048xi1>, vector<64x2048xi32>
      %iota3A_1706 = tpu.iota {dimensions = array<i32: 1>} : vector<1x2048xi32>
      %and3A_1707 = arith.constant 2 : i32
      %and3A_1708 = vector.broadcast %and3A_1707 : i32 to vector<1x2048xi32>
      %and3A_1709 = arith.andi %iota3A_1706, %and3A_1708 : vector<1x2048xi32>
      %eq3A_1710 = arith.constant 0 : i32
      %eq3A_1711 = vector.broadcast %eq3A_1710 : i32 to vector<1x2048xi32>
      %eq3A_1712 = arith.cmpi eq, %and3A_1709, %eq3A_1711 : vector<1x2048xi32>
      %roll3A_1713 = arith.constant 2046 : i32
      %roll3A_1714 = tpu.dynamic_rotate %select_n3A_1705 by %roll3A_1713 dim 1 : vector<64x2048xi32>, i32 -> vector<64x2048xi32>
      %roll3A_1715 = arith.constant 2 : i32
      %roll3A_1716 = tpu.dynamic_rotate %select_n3A_1705 by %roll3A_1715 dim 1 : vector<64x2048xi32>, i32 -> vector<64x2048xi32>
      %broadcast_in_dim3A_1717 = vector.shape_cast %eq3A_1712 : vector<1x2048xi1> to vector<1x2048xi1>
      %broadcast_in_dim3A_1718 = vector.broadcast %broadcast_in_dim3A_1717 : vector<1x2048xi1> to vector<64x2048xi1>
      %select_n3A_1719 = arith.select %broadcast_in_dim3A_1718, %roll3A_1714, %roll3A_1716 : vector<64x2048xi1>, vector<64x2048xi32>
      %and3A_1720 = arith.constant 2 : i32
      %and3A_1721 = vector.broadcast %and3A_1720 : i32 to vector<1x2048xi32>
      %and3A_1722 = arith.andi %iota3A_620, %and3A_1721 : vector<1x2048xi32>
      %eq3A_1723 = arith.constant 0 : i32
      %eq3A_1724 = vector.broadcast %eq3A_1723 : i32 to vector<1x2048xi32>
      %eq3A_1725 = arith.cmpi eq, %and3A_1722, %eq3A_1724 : vector<1x2048xi32>
      %and3A_1726 = arith.constant 256 : i32
      %and3A_1727 = vector.broadcast %and3A_1726 : i32 to vector<1x2048xi32>
      %and3A_1728 = arith.andi %iota3A_620, %and3A_1727 : vector<1x2048xi32>
      %eq3A_1729 = arith.constant 0 : i32
      %eq3A_1730 = vector.broadcast %eq3A_1729 : i32 to vector<1x2048xi32>
      %eq3A_1731 = arith.cmpi eq, %and3A_1728, %eq3A_1730 : vector<1x2048xi32>
      %xor3A_1732 = arith.xori %eq3A_1725, %eq3A_1731 : vector<1x2048xi1>
      %min3A_1733 = arith.minsi %select_n3A_1705, %select_n3A_1719 : vector<64x2048xi32>
      %max3A_1734 = arith.maxsi %select_n3A_1705, %select_n3A_1719 : vector<64x2048xi32>
      %broadcast_in_dim3A_1735 = vector.shape_cast %xor3A_1732 : vector<1x2048xi1> to vector<1x2048xi1>
      %broadcast_in_dim3A_1736 = vector.broadcast %broadcast_in_dim3A_1735 : vector<1x2048xi1> to vector<64x2048xi1>
      %select_n3A_1737 = arith.select %broadcast_in_dim3A_1736, %min3A_1733, %max3A_1734 : vector<64x2048xi1>, vector<64x2048xi32>
      %iota3A_1738 = tpu.iota {dimensions = array<i32: 1>} : vector<1x2048xi32>
      %and3A_1739 = arith.constant 1 : i32
      %and3A_1740 = vector.broadcast %and3A_1739 : i32 to vector<1x2048xi32>
      %and3A_1741 = arith.andi %iota3A_1738, %and3A_1740 : vector<1x2048xi32>
      %eq3A_1742 = arith.constant 0 : i32
      %eq3A_1743 = vector.broadcast %eq3A_1742 : i32 to vector<1x2048xi32>
      %eq3A_1744 = arith.cmpi eq, %and3A_1741, %eq3A_1743 : vector<1x2048xi32>
      %roll3A_1745 = arith.constant 2047 : i32
      %roll3A_1746 = tpu.dynamic_rotate %select_n3A_1737 by %roll3A_1745 dim 1 : vector<64x2048xi32>, i32 -> vector<64x2048xi32>
      %roll3A_1747 = arith.constant 1 : i32
      %roll3A_1748 = tpu.dynamic_rotate %select_n3A_1737 by %roll3A_1747 dim 1 : vector<64x2048xi32>, i32 -> vector<64x2048xi32>
      %broadcast_in_dim3A_1749 = vector.shape_cast %eq3A_1744 : vector<1x2048xi1> to vector<1x2048xi1>
      %broadcast_in_dim3A_1750 = vector.broadcast %broadcast_in_dim3A_1749 : vector<1x2048xi1> to vector<64x2048xi1>
      %select_n3A_1751 = arith.select %broadcast_in_dim3A_1750, %roll3A_1746, %roll3A_1748 : vector<64x2048xi1>, vector<64x2048xi32>
      %and3A_1752 = arith.constant 1 : i32
      %and3A_1753 = vector.broadcast %and3A_1752 : i32 to vector<1x2048xi32>
      %and3A_1754 = arith.andi %iota3A_620, %and3A_1753 : vector<1x2048xi32>
      %eq3A_1755 = arith.constant 0 : i32
      %eq3A_1756 = vector.broadcast %eq3A_1755 : i32 to vector<1x2048xi32>
      %eq3A_1757 = arith.cmpi eq, %and3A_1754, %eq3A_1756 : vector<1x2048xi32>
      %and3A_1758 = arith.constant 256 : i32
      %and3A_1759 = vector.broadcast %and3A_1758 : i32 to vector<1x2048xi32>
      %and3A_1760 = arith.andi %iota3A_620, %and3A_1759 : vector<1x2048xi32>
      %eq3A_1761 = arith.constant 0 : i32
      %eq3A_1762 = vector.broadcast %eq3A_1761 : i32 to vector<1x2048xi32>
      %eq3A_1763 = arith.cmpi eq, %and3A_1760, %eq3A_1762 : vector<1x2048xi32>
      %xor3A_1764 = arith.xori %eq3A_1757, %eq3A_1763 : vector<1x2048xi1>
      %min3A_1765 = arith.minsi %select_n3A_1737, %select_n3A_1751 : vector<64x2048xi32>
      %max3A_1766 = arith.maxsi %select_n3A_1737, %select_n3A_1751 : vector<64x2048xi32>
      %broadcast_in_dim3A_1767 = vector.shape_cast %xor3A_1764 : vector<1x2048xi1> to vector<1x2048xi1>
      %broadcast_in_dim3A_1768 = vector.broadcast %broadcast_in_dim3A_1767 : vector<1x2048xi1> to vector<64x2048xi1>
      %select_n3A_1769 = arith.select %broadcast_in_dim3A_1768, %min3A_1765, %max3A_1766 : vector<64x2048xi1>, vector<64x2048xi32>
      %iota3A_1770 = tpu.iota {dimensions = array<i32: 1>} : vector<1x2048xi32>
      %and3A_1771 = arith.constant 256 : i32
      %and3A_1772 = vector.broadcast %and3A_1771 : i32 to vector<1x2048xi32>
      %and3A_1773 = arith.andi %iota3A_1770, %and3A_1772 : vector<1x2048xi32>
      %eq3A_1774 = arith.constant 0 : i32
      %eq3A_1775 = vector.broadcast %eq3A_1774 : i32 to vector<1x2048xi32>
      %eq3A_1776 = arith.cmpi eq, %and3A_1773, %eq3A_1775 : vector<1x2048xi32>
      %roll3A_1777 = arith.constant 1792 : i32
      %roll3A_1778 = tpu.dynamic_rotate %select_n3A_1769 by %roll3A_1777 dim 1 : vector<64x2048xi32>, i32 -> vector<64x2048xi32>
      %roll3A_1779 = arith.constant 256 : i32
      %roll3A_1780 = tpu.dynamic_rotate %select_n3A_1769 by %roll3A_1779 dim 1 : vector<64x2048xi32>, i32 -> vector<64x2048xi32>
      %broadcast_in_dim3A_1781 = vector.shape_cast %eq3A_1776 : vector<1x2048xi1> to vector<1x2048xi1>
      %broadcast_in_dim3A_1782 = vector.broadcast %broadcast_in_dim3A_1781 : vector<1x2048xi1> to vector<64x2048xi1>
      %select_n3A_1783 = arith.select %broadcast_in_dim3A_1782, %roll3A_1778, %roll3A_1780 : vector<64x2048xi1>, vector<64x2048xi32>
      %and3A_1784 = arith.constant 256 : i32
      %and3A_1785 = vector.broadcast %and3A_1784 : i32 to vector<1x2048xi32>
      %and3A_1786 = arith.andi %iota3A_620, %and3A_1785 : vector<1x2048xi32>
      %eq3A_1787 = arith.constant 0 : i32
      %eq3A_1788 = vector.broadcast %eq3A_1787 : i32 to vector<1x2048xi32>
      %eq3A_1789 = arith.cmpi eq, %and3A_1786, %eq3A_1788 : vector<1x2048xi32>
      %and3A_1790 = arith.constant 512 : i32
      %and3A_1791 = vector.broadcast %and3A_1790 : i32 to vector<1x2048xi32>
      %and3A_1792 = arith.andi %iota3A_620, %and3A_1791 : vector<1x2048xi32>
      %eq3A_1793 = arith.constant 0 : i32
      %eq3A_1794 = vector.broadcast %eq3A_1793 : i32 to vector<1x2048xi32>
      %eq3A_1795 = arith.cmpi eq, %and3A_1792, %eq3A_1794 : vector<1x2048xi32>
      %xor3A_1796 = arith.xori %eq3A_1789, %eq3A_1795 : vector<1x2048xi1>
      %min3A_1797 = arith.minsi %select_n3A_1769, %select_n3A_1783 : vector<64x2048xi32>
      %max3A_1798 = arith.maxsi %select_n3A_1769, %select_n3A_1783 : vector<64x2048xi32>
      %broadcast_in_dim3A_1799 = vector.shape_cast %xor3A_1796 : vector<1x2048xi1> to vector<1x2048xi1>
      %broadcast_in_dim3A_1800 = vector.broadcast %broadcast_in_dim3A_1799 : vector<1x2048xi1> to vector<64x2048xi1>
      %select_n3A_1801 = arith.select %broadcast_in_dim3A_1800, %min3A_1797, %max3A_1798 : vector<64x2048xi1>, vector<64x2048xi32>
      %iota3A_1802 = tpu.iota {dimensions = array<i32: 1>} : vector<1x2048xi32>
      %and3A_1803 = arith.constant 128 : i32
      %and3A_1804 = vector.broadcast %and3A_1803 : i32 to vector<1x2048xi32>
      %and3A_1805 = arith.andi %iota3A_1802, %and3A_1804 : vector<1x2048xi32>
      %eq3A_1806 = arith.constant 0 : i32
      %eq3A_1807 = vector.broadcast %eq3A_1806 : i32 to vector<1x2048xi32>
      %eq3A_1808 = arith.cmpi eq, %and3A_1805, %eq3A_1807 : vector<1x2048xi32>
      %roll3A_1809 = arith.constant 1920 : i32
      %roll3A_1810 = tpu.dynamic_rotate %select_n3A_1801 by %roll3A_1809 dim 1 : vector<64x2048xi32>, i32 -> vector<64x2048xi32>
      %roll3A_1811 = arith.constant 128 : i32
      %roll3A_1812 = tpu.dynamic_rotate %select_n3A_1801 by %roll3A_1811 dim 1 : vector<64x2048xi32>, i32 -> vector<64x2048xi32>
      %broadcast_in_dim3A_1813 = vector.shape_cast %eq3A_1808 : vector<1x2048xi1> to vector<1x2048xi1>
      %broadcast_in_dim3A_1814 = vector.broadcast %broadcast_in_dim3A_1813 : vector<1x2048xi1> to vector<64x2048xi1>
      %select_n3A_1815 = arith.select %broadcast_in_dim3A_1814, %roll3A_1810, %roll3A_1812 : vector<64x2048xi1>, vector<64x2048xi32>
      %and3A_1816 = arith.constant 128 : i32
      %and3A_1817 = vector.broadcast %and3A_1816 : i32 to vector<1x2048xi32>
      %and3A_1818 = arith.andi %iota3A_620, %and3A_1817 : vector<1x2048xi32>
      %eq3A_1819 = arith.constant 0 : i32
      %eq3A_1820 = vector.broadcast %eq3A_1819 : i32 to vector<1x2048xi32>
      %eq3A_1821 = arith.cmpi eq, %and3A_1818, %eq3A_1820 : vector<1x2048xi32>
      %and3A_1822 = arith.constant 512 : i32
      %and3A_1823 = vector.broadcast %and3A_1822 : i32 to vector<1x2048xi32>
      %and3A_1824 = arith.andi %iota3A_620, %and3A_1823 : vector<1x2048xi32>
      %eq3A_1825 = arith.constant 0 : i32
      %eq3A_1826 = vector.broadcast %eq3A_1825 : i32 to vector<1x2048xi32>
      %eq3A_1827 = arith.cmpi eq, %and3A_1824, %eq3A_1826 : vector<1x2048xi32>
      %xor3A_1828 = arith.xori %eq3A_1821, %eq3A_1827 : vector<1x2048xi1>
      %min3A_1829 = arith.minsi %select_n3A_1801, %select_n3A_1815 : vector<64x2048xi32>
      %max3A_1830 = arith.maxsi %select_n3A_1801, %select_n3A_1815 : vector<64x2048xi32>
      %broadcast_in_dim3A_1831 = vector.shape_cast %xor3A_1828 : vector<1x2048xi1> to vector<1x2048xi1>
      %broadcast_in_dim3A_1832 = vector.broadcast %broadcast_in_dim3A_1831 : vector<1x2048xi1> to vector<64x2048xi1>
      %select_n3A_1833 = arith.select %broadcast_in_dim3A_1832, %min3A_1829, %max3A_1830 : vector<64x2048xi1>, vector<64x2048xi32>
      %iota3A_1834 = tpu.iota {dimensions = array<i32: 1>} : vector<1x2048xi32>
      %and3A_1835 = arith.constant 64 : i32
      %and3A_1836 = vector.broadcast %and3A_1835 : i32 to vector<1x2048xi32>
      %and3A_1837 = arith.andi %iota3A_1834, %and3A_1836 : vector<1x2048xi32>
      %eq3A_1838 = arith.constant 0 : i32
      %eq3A_1839 = vector.broadcast %eq3A_1838 : i32 to vector<1x2048xi32>
      %eq3A_1840 = arith.cmpi eq, %and3A_1837, %eq3A_1839 : vector<1x2048xi32>
      %roll3A_1841 = arith.constant 1984 : i32
      %roll3A_1842 = tpu.dynamic_rotate %select_n3A_1833 by %roll3A_1841 dim 1 : vector<64x2048xi32>, i32 -> vector<64x2048xi32>
      %roll3A_1843 = arith.constant 64 : i32
      %roll3A_1844 = tpu.dynamic_rotate %select_n3A_1833 by %roll3A_1843 dim 1 : vector<64x2048xi32>, i32 -> vector<64x2048xi32>
      %broadcast_in_dim3A_1845 = vector.shape_cast %eq3A_1840 : vector<1x2048xi1> to vector<1x2048xi1>
      %broadcast_in_dim3A_1846 = vector.broadcast %broadcast_in_dim3A_1845 : vector<1x2048xi1> to vector<64x2048xi1>
      %select_n3A_1847 = arith.select %broadcast_in_dim3A_1846, %roll3A_1842, %roll3A_1844 : vector<64x2048xi1>, vector<64x2048xi32>
      %and3A_1848 = arith.constant 64 : i32
      %and3A_1849 = vector.broadcast %and3A_1848 : i32 to vector<1x2048xi32>
      %and3A_1850 = arith.andi %iota3A_620, %and3A_1849 : vector<1x2048xi32>
      %eq3A_1851 = arith.constant 0 : i32
      %eq3A_1852 = vector.broadcast %eq3A_1851 : i32 to vector<1x2048xi32>
      %eq3A_1853 = arith.cmpi eq, %and3A_1850, %eq3A_1852 : vector<1x2048xi32>
      %and3A_1854 = arith.constant 512 : i32
      %and3A_1855 = vector.broadcast %and3A_1854 : i32 to vector<1x2048xi32>
      %and3A_1856 = arith.andi %iota3A_620, %and3A_1855 : vector<1x2048xi32>
      %eq3A_1857 = arith.constant 0 : i32
      %eq3A_1858 = vector.broadcast %eq3A_1857 : i32 to vector<1x2048xi32>
      %eq3A_1859 = arith.cmpi eq, %and3A_1856, %eq3A_1858 : vector<1x2048xi32>
      %xor3A_1860 = arith.xori %eq3A_1853, %eq3A_1859 : vector<1x2048xi1>
      %min3A_1861 = arith.minsi %select_n3A_1833, %select_n3A_1847 : vector<64x2048xi32>
      %max3A_1862 = arith.maxsi %select_n3A_1833, %select_n3A_1847 : vector<64x2048xi32>
      %broadcast_in_dim3A_1863 = vector.shape_cast %xor3A_1860 : vector<1x2048xi1> to vector<1x2048xi1>
      %broadcast_in_dim3A_1864 = vector.broadcast %broadcast_in_dim3A_1863 : vector<1x2048xi1> to vector<64x2048xi1>
      %select_n3A_1865 = arith.select %broadcast_in_dim3A_1864, %min3A_1861, %max3A_1862 : vector<64x2048xi1>, vector<64x2048xi32>
      %iota3A_1866 = tpu.iota {dimensions = array<i32: 1>} : vector<1x2048xi32>
      %and3A_1867 = arith.constant 32 : i32
      %and3A_1868 = vector.broadcast %and3A_1867 : i32 to vector<1x2048xi32>
      %and3A_1869 = arith.andi %iota3A_1866, %and3A_1868 : vector<1x2048xi32>
      %eq3A_1870 = arith.constant 0 : i32
      %eq3A_1871 = vector.broadcast %eq3A_1870 : i32 to vector<1x2048xi32>
      %eq3A_1872 = arith.cmpi eq, %and3A_1869, %eq3A_1871 : vector<1x2048xi32>
      %roll3A_1873 = arith.constant 2016 : i32
      %roll3A_1874 = tpu.dynamic_rotate %select_n3A_1865 by %roll3A_1873 dim 1 : vector<64x2048xi32>, i32 -> vector<64x2048xi32>
      %roll3A_1875 = arith.constant 32 : i32
      %roll3A_1876 = tpu.dynamic_rotate %select_n3A_1865 by %roll3A_1875 dim 1 : vector<64x2048xi32>, i32 -> vector<64x2048xi32>
      %broadcast_in_dim3A_1877 = vector.shape_cast %eq3A_1872 : vector<1x2048xi1> to vector<1x2048xi1>
      %broadcast_in_dim3A_1878 = vector.broadcast %broadcast_in_dim3A_1877 : vector<1x2048xi1> to vector<64x2048xi1>
      %select_n3A_1879 = arith.select %broadcast_in_dim3A_1878, %roll3A_1874, %roll3A_1876 : vector<64x2048xi1>, vector<64x2048xi32>
      %and3A_1880 = arith.constant 32 : i32
      %and3A_1881 = vector.broadcast %and3A_1880 : i32 to vector<1x2048xi32>
      %and3A_1882 = arith.andi %iota3A_620, %and3A_1881 : vector<1x2048xi32>
      %eq3A_1883 = arith.constant 0 : i32
      %eq3A_1884 = vector.broadcast %eq3A_1883 : i32 to vector<1x2048xi32>
      %eq3A_1885 = arith.cmpi eq, %and3A_1882, %eq3A_1884 : vector<1x2048xi32>
      %and3A_1886 = arith.constant 512 : i32
      %and3A_1887 = vector.broadcast %and3A_1886 : i32 to vector<1x2048xi32>
      %and3A_1888 = arith.andi %iota3A_620, %and3A_1887 : vector<1x2048xi32>
      %eq3A_1889 = arith.constant 0 : i32
      %eq3A_1890 = vector.broadcast %eq3A_1889 : i32 to vector<1x2048xi32>
      %eq3A_1891 = arith.cmpi eq, %and3A_1888, %eq3A_1890 : vector<1x2048xi32>
      %xor3A_1892 = arith.xori %eq3A_1885, %eq3A_1891 : vector<1x2048xi1>
      %min3A_1893 = arith.minsi %select_n3A_1865, %select_n3A_1879 : vector<64x2048xi32>
      %max3A_1894 = arith.maxsi %select_n3A_1865, %select_n3A_1879 : vector<64x2048xi32>
      %broadcast_in_dim3A_1895 = vector.shape_cast %xor3A_1892 : vector<1x2048xi1> to vector<1x2048xi1>
      %broadcast_in_dim3A_1896 = vector.broadcast %broadcast_in_dim3A_1895 : vector<1x2048xi1> to vector<64x2048xi1>
      %select_n3A_1897 = arith.select %broadcast_in_dim3A_1896, %min3A_1893, %max3A_1894 : vector<64x2048xi1>, vector<64x2048xi32>
      %iota3A_1898 = tpu.iota {dimensions = array<i32: 1>} : vector<1x2048xi32>
      %and3A_1899 = arith.constant 16 : i32
      %and3A_1900 = vector.broadcast %and3A_1899 : i32 to vector<1x2048xi32>
      %and3A_1901 = arith.andi %iota3A_1898, %and3A_1900 : vector<1x2048xi32>
      %eq3A_1902 = arith.constant 0 : i32
      %eq3A_1903 = vector.broadcast %eq3A_1902 : i32 to vector<1x2048xi32>
      %eq3A_1904 = arith.cmpi eq, %and3A_1901, %eq3A_1903 : vector<1x2048xi32>
      %roll3A_1905 = arith.constant 2032 : i32
      %roll3A_1906 = tpu.dynamic_rotate %select_n3A_1897 by %roll3A_1905 dim 1 : vector<64x2048xi32>, i32 -> vector<64x2048xi32>
      %roll3A_1907 = arith.constant 16 : i32
      %roll3A_1908 = tpu.dynamic_rotate %select_n3A_1897 by %roll3A_1907 dim 1 : vector<64x2048xi32>, i32 -> vector<64x2048xi32>
      %broadcast_in_dim3A_1909 = vector.shape_cast %eq3A_1904 : vector<1x2048xi1> to vector<1x2048xi1>
      %broadcast_in_dim3A_1910 = vector.broadcast %broadcast_in_dim3A_1909 : vector<1x2048xi1> to vector<64x2048xi1>
      %select_n3A_1911 = arith.select %broadcast_in_dim3A_1910, %roll3A_1906, %roll3A_1908 : vector<64x2048xi1>, vector<64x2048xi32>
      %and3A_1912 = arith.constant 16 : i32
      %and3A_1913 = vector.broadcast %and3A_1912 : i32 to vector<1x2048xi32>
      %and3A_1914 = arith.andi %iota3A_620, %and3A_1913 : vector<1x2048xi32>
      %eq3A_1915 = arith.constant 0 : i32
      %eq3A_1916 = vector.broadcast %eq3A_1915 : i32 to vector<1x2048xi32>
      %eq3A_1917 = arith.cmpi eq, %and3A_1914, %eq3A_1916 : vector<1x2048xi32>
      %and3A_1918 = arith.constant 512 : i32
      %and3A_1919 = vector.broadcast %and3A_1918 : i32 to vector<1x2048xi32>
      %and3A_1920 = arith.andi %iota3A_620, %and3A_1919 : vector<1x2048xi32>
      %eq3A_1921 = arith.constant 0 : i32
      %eq3A_1922 = vector.broadcast %eq3A_1921 : i32 to vector<1x2048xi32>
      %eq3A_1923 = arith.cmpi eq, %and3A_1920, %eq3A_1922 : vector<1x2048xi32>
      %xor3A_1924 = arith.xori %eq3A_1917, %eq3A_1923 : vector<1x2048xi1>
      %min3A_1925 = arith.minsi %select_n3A_1897, %select_n3A_1911 : vector<64x2048xi32>
      %max3A_1926 = arith.maxsi %select_n3A_1897, %select_n3A_1911 : vector<64x2048xi32>
      %broadcast_in_dim3A_1927 = vector.shape_cast %xor3A_1924 : vector<1x2048xi1> to vector<1x2048xi1>
      %broadcast_in_dim3A_1928 = vector.broadcast %broadcast_in_dim3A_1927 : vector<1x2048xi1> to vector<64x2048xi1>
      %select_n3A_1929 = arith.select %broadcast_in_dim3A_1928, %min3A_1925, %max3A_1926 : vector<64x2048xi1>, vector<64x2048xi32>
      %iota3A_1930 = tpu.iota {dimensions = array<i32: 1>} : vector<1x2048xi32>
      %and3A_1931 = arith.constant 8 : i32
      %and3A_1932 = vector.broadcast %and3A_1931 : i32 to vector<1x2048xi32>
      %and3A_1933 = arith.andi %iota3A_1930, %and3A_1932 : vector<1x2048xi32>
      %eq3A_1934 = arith.constant 0 : i32
      %eq3A_1935 = vector.broadcast %eq3A_1934 : i32 to vector<1x2048xi32>
      %eq3A_1936 = arith.cmpi eq, %and3A_1933, %eq3A_1935 : vector<1x2048xi32>
      %roll3A_1937 = arith.constant 2040 : i32
      %roll3A_1938 = tpu.dynamic_rotate %select_n3A_1929 by %roll3A_1937 dim 1 : vector<64x2048xi32>, i32 -> vector<64x2048xi32>
      %roll3A_1939 = arith.constant 8 : i32
      %roll3A_1940 = tpu.dynamic_rotate %select_n3A_1929 by %roll3A_1939 dim 1 : vector<64x2048xi32>, i32 -> vector<64x2048xi32>
      %broadcast_in_dim3A_1941 = vector.shape_cast %eq3A_1936 : vector<1x2048xi1> to vector<1x2048xi1>
      %broadcast_in_dim3A_1942 = vector.broadcast %broadcast_in_dim3A_1941 : vector<1x2048xi1> to vector<64x2048xi1>
      %select_n3A_1943 = arith.select %broadcast_in_dim3A_1942, %roll3A_1938, %roll3A_1940 : vector<64x2048xi1>, vector<64x2048xi32>
      %and3A_1944 = arith.constant 8 : i32
      %and3A_1945 = vector.broadcast %and3A_1944 : i32 to vector<1x2048xi32>
      %and3A_1946 = arith.andi %iota3A_620, %and3A_1945 : vector<1x2048xi32>
      %eq3A_1947 = arith.constant 0 : i32
      %eq3A_1948 = vector.broadcast %eq3A_1947 : i32 to vector<1x2048xi32>
      %eq3A_1949 = arith.cmpi eq, %and3A_1946, %eq3A_1948 : vector<1x2048xi32>
      %and3A_1950 = arith.constant 512 : i32
      %and3A_1951 = vector.broadcast %and3A_1950 : i32 to vector<1x2048xi32>
      %and3A_1952 = arith.andi %iota3A_620, %and3A_1951 : vector<1x2048xi32>
      %eq3A_1953 = arith.constant 0 : i32
      %eq3A_1954 = vector.broadcast %eq3A_1953 : i32 to vector<1x2048xi32>
      %eq3A_1955 = arith.cmpi eq, %and3A_1952, %eq3A_1954 : vector<1x2048xi32>
      %xor3A_1956 = arith.xori %eq3A_1949, %eq3A_1955 : vector<1x2048xi1>
      %min3A_1957 = arith.minsi %select_n3A_1929, %select_n3A_1943 : vector<64x2048xi32>
      %max3A_1958 = arith.maxsi %select_n3A_1929, %select_n3A_1943 : vector<64x2048xi32>
      %broadcast_in_dim3A_1959 = vector.shape_cast %xor3A_1956 : vector<1x2048xi1> to vector<1x2048xi1>
      %broadcast_in_dim3A_1960 = vector.broadcast %broadcast_in_dim3A_1959 : vector<1x2048xi1> to vector<64x2048xi1>
      %select_n3A_1961 = arith.select %broadcast_in_dim3A_1960, %min3A_1957, %max3A_1958 : vector<64x2048xi1>, vector<64x2048xi32>
      %iota3A_1962 = tpu.iota {dimensions = array<i32: 1>} : vector<1x2048xi32>
      %and3A_1963 = arith.constant 4 : i32
      %and3A_1964 = vector.broadcast %and3A_1963 : i32 to vector<1x2048xi32>
      %and3A_1965 = arith.andi %iota3A_1962, %and3A_1964 : vector<1x2048xi32>
      %eq3A_1966 = arith.constant 0 : i32
      %eq3A_1967 = vector.broadcast %eq3A_1966 : i32 to vector<1x2048xi32>
      %eq3A_1968 = arith.cmpi eq, %and3A_1965, %eq3A_1967 : vector<1x2048xi32>
      %roll3A_1969 = arith.constant 2044 : i32
      %roll3A_1970 = tpu.dynamic_rotate %select_n3A_1961 by %roll3A_1969 dim 1 : vector<64x2048xi32>, i32 -> vector<64x2048xi32>
      %roll3A_1971 = arith.constant 4 : i32
      %roll3A_1972 = tpu.dynamic_rotate %select_n3A_1961 by %roll3A_1971 dim 1 : vector<64x2048xi32>, i32 -> vector<64x2048xi32>
      %broadcast_in_dim3A_1973 = vector.shape_cast %eq3A_1968 : vector<1x2048xi1> to vector<1x2048xi1>
      %broadcast_in_dim3A_1974 = vector.broadcast %broadcast_in_dim3A_1973 : vector<1x2048xi1> to vector<64x2048xi1>
      %select_n3A_1975 = arith.select %broadcast_in_dim3A_1974, %roll3A_1970, %roll3A_1972 : vector<64x2048xi1>, vector<64x2048xi32>
      %and3A_1976 = arith.constant 4 : i32
      %and3A_1977 = vector.broadcast %and3A_1976 : i32 to vector<1x2048xi32>
      %and3A_1978 = arith.andi %iota3A_620, %and3A_1977 : vector<1x2048xi32>
      %eq3A_1979 = arith.constant 0 : i32
      %eq3A_1980 = vector.broadcast %eq3A_1979 : i32 to vector<1x2048xi32>
      %eq3A_1981 = arith.cmpi eq, %and3A_1978, %eq3A_1980 : vector<1x2048xi32>
      %and3A_1982 = arith.constant 512 : i32
      %and3A_1983 = vector.broadcast %and3A_1982 : i32 to vector<1x2048xi32>
      %and3A_1984 = arith.andi %iota3A_620, %and3A_1983 : vector<1x2048xi32>
      %eq3A_1985 = arith.constant 0 : i32
      %eq3A_1986 = vector.broadcast %eq3A_1985 : i32 to vector<1x2048xi32>
      %eq3A_1987 = arith.cmpi eq, %and3A_1984, %eq3A_1986 : vector<1x2048xi32>
      %xor3A_1988 = arith.xori %eq3A_1981, %eq3A_1987 : vector<1x2048xi1>
      %min3A_1989 = arith.minsi %select_n3A_1961, %select_n3A_1975 : vector<64x2048xi32>
      %max3A_1990 = arith.maxsi %select_n3A_1961, %select_n3A_1975 : vector<64x2048xi32>
      %broadcast_in_dim3A_1991 = vector.shape_cast %xor3A_1988 : vector<1x2048xi1> to vector<1x2048xi1>
      %broadcast_in_dim3A_1992 = vector.broadcast %broadcast_in_dim3A_1991 : vector<1x2048xi1> to vector<64x2048xi1>
      %select_n3A_1993 = arith.select %broadcast_in_dim3A_1992, %min3A_1989, %max3A_1990 : vector<64x2048xi1>, vector<64x2048xi32>
      %iota3A_1994 = tpu.iota {dimensions = array<i32: 1>} : vector<1x2048xi32>
      %and3A_1995 = arith.constant 2 : i32
      %and3A_1996 = vector.broadcast %and3A_1995 : i32 to vector<1x2048xi32>
      %and3A_1997 = arith.andi %iota3A_1994, %and3A_1996 : vector<1x2048xi32>
      %eq3A_1998 = arith.constant 0 : i32
      %eq3A_1999 = vector.broadcast %eq3A_1998 : i32 to vector<1x2048xi32>
      %eq3A_2000 = arith.cmpi eq, %and3A_1997, %eq3A_1999 : vector<1x2048xi32>
      %roll3A_2001 = arith.constant 2046 : i32
      %roll3A_2002 = tpu.dynamic_rotate %select_n3A_1993 by %roll3A_2001 dim 1 : vector<64x2048xi32>, i32 -> vector<64x2048xi32>
      %roll3A_2003 = arith.constant 2 : i32
      %roll3A_2004 = tpu.dynamic_rotate %select_n3A_1993 by %roll3A_2003 dim 1 : vector<64x2048xi32>, i32 -> vector<64x2048xi32>
      %broadcast_in_dim3A_2005 = vector.shape_cast %eq3A_2000 : vector<1x2048xi1> to vector<1x2048xi1>
      %broadcast_in_dim3A_2006 = vector.broadcast %broadcast_in_dim3A_2005 : vector<1x2048xi1> to vector<64x2048xi1>
      %select_n3A_2007 = arith.select %broadcast_in_dim3A_2006, %roll3A_2002, %roll3A_2004 : vector<64x2048xi1>, vector<64x2048xi32>
      %and3A_2008 = arith.constant 2 : i32
      %and3A_2009 = vector.broadcast %and3A_2008 : i32 to vector<1x2048xi32>
      %and3A_2010 = arith.andi %iota3A_620, %and3A_2009 : vector<1x2048xi32>
      %eq3A_2011 = arith.constant 0 : i32
      %eq3A_2012 = vector.broadcast %eq3A_2011 : i32 to vector<1x2048xi32>
      %eq3A_2013 = arith.cmpi eq, %and3A_2010, %eq3A_2012 : vector<1x2048xi32>
      %and3A_2014 = arith.constant 512 : i32
      %and3A_2015 = vector.broadcast %and3A_2014 : i32 to vector<1x2048xi32>
      %and3A_2016 = arith.andi %iota3A_620, %and3A_2015 : vector<1x2048xi32>
      %eq3A_2017 = arith.constant 0 : i32
      %eq3A_2018 = vector.broadcast %eq3A_2017 : i32 to vector<1x2048xi32>
      %eq3A_2019 = arith.cmpi eq, %and3A_2016, %eq3A_2018 : vector<1x2048xi32>
      %xor3A_2020 = arith.xori %eq3A_2013, %eq3A_2019 : vector<1x2048xi1>
      %min3A_2021 = arith.minsi %select_n3A_1993, %select_n3A_2007 : vector<64x2048xi32>
      %max3A_2022 = arith.maxsi %select_n3A_1993, %select_n3A_2007 : vector<64x2048xi32>
      %broadcast_in_dim3A_2023 = vector.shape_cast %xor3A_2020 : vector<1x2048xi1> to vector<1x2048xi1>
      %broadcast_in_dim3A_2024 = vector.broadcast %broadcast_in_dim3A_2023 : vector<1x2048xi1> to vector<64x2048xi1>
      %select_n3A_2025 = arith.select %broadcast_in_dim3A_2024, %min3A_2021, %max3A_2022 : vector<64x2048xi1>, vector<64x2048xi32>
      %iota3A_2026 = tpu.iota {dimensions = array<i32: 1>} : vector<1x2048xi32>
      %and3A_2027 = arith.constant 1 : i32
      %and3A_2028 = vector.broadcast %and3A_2027 : i32 to vector<1x2048xi32>
      %and3A_2029 = arith.andi %iota3A_2026, %and3A_2028 : vector<1x2048xi32>
      %eq3A_2030 = arith.constant 0 : i32
      %eq3A_2031 = vector.broadcast %eq3A_2030 : i32 to vector<1x2048xi32>
      %eq3A_2032 = arith.cmpi eq, %and3A_2029, %eq3A_2031 : vector<1x2048xi32>
      %roll3A_2033 = arith.constant 2047 : i32
      %roll3A_2034 = tpu.dynamic_rotate %select_n3A_2025 by %roll3A_2033 dim 1 : vector<64x2048xi32>, i32 -> vector<64x2048xi32>
      %roll3A_2035 = arith.constant 1 : i32
      %roll3A_2036 = tpu.dynamic_rotate %select_n3A_2025 by %roll3A_2035 dim 1 : vector<64x2048xi32>, i32 -> vector<64x2048xi32>
      %broadcast_in_dim3A_2037 = vector.shape_cast %eq3A_2032 : vector<1x2048xi1> to vector<1x2048xi1>
      %broadcast_in_dim3A_2038 = vector.broadcast %broadcast_in_dim3A_2037 : vector<1x2048xi1> to vector<64x2048xi1>
      %select_n3A_2039 = arith.select %broadcast_in_dim3A_2038, %roll3A_2034, %roll3A_2036 : vector<64x2048xi1>, vector<64x2048xi32>
      %and3A_2040 = arith.constant 1 : i32
      %and3A_2041 = vector.broadcast %and3A_2040 : i32 to vector<1x2048xi32>
      %and3A_2042 = arith.andi %iota3A_620, %and3A_2041 : vector<1x2048xi32>
      %eq3A_2043 = arith.constant 0 : i32
      %eq3A_2044 = vector.broadcast %eq3A_2043 : i32 to vector<1x2048xi32>
      %eq3A_2045 = arith.cmpi eq, %and3A_2042, %eq3A_2044 : vector<1x2048xi32>
      %and3A_2046 = arith.constant 512 : i32
      %and3A_2047 = vector.broadcast %and3A_2046 : i32 to vector<1x2048xi32>
      %and3A_2048 = arith.andi %iota3A_620, %and3A_2047 : vector<1x2048xi32>
      %eq3A_2049 = arith.constant 0 : i32
      %eq3A_2050 = vector.broadcast %eq3A_2049 : i32 to vector<1x2048xi32>
      %eq3A_2051 = arith.cmpi eq, %and3A_2048, %eq3A_2050 : vector<1x2048xi32>
      %xor3A_2052 = arith.xori %eq3A_2045, %eq3A_2051 : vector<1x2048xi1>
      %min3A_2053 = arith.minsi %select_n3A_2025, %select_n3A_2039 : vector<64x2048xi32>
      %max3A_2054 = arith.maxsi %select_n3A_2025, %select_n3A_2039 : vector<64x2048xi32>
      %broadcast_in_dim3A_2055 = vector.shape_cast %xor3A_2052 : vector<1x2048xi1> to vector<1x2048xi1>
      %broadcast_in_dim3A_2056 = vector.broadcast %broadcast_in_dim3A_2055 : vector<1x2048xi1> to vector<64x2048xi1>
      %select_n3A_2057 = arith.select %broadcast_in_dim3A_2056, %min3A_2053, %max3A_2054 : vector<64x2048xi1>, vector<64x2048xi32>
      %iota3A_2058 = tpu.iota {dimensions = array<i32: 1>} : vector<1x2048xi32>
      %and3A_2059 = arith.constant 512 : i32
      %and3A_2060 = vector.broadcast %and3A_2059 : i32 to vector<1x2048xi32>
      %and3A_2061 = arith.andi %iota3A_2058, %and3A_2060 : vector<1x2048xi32>
      %eq3A_2062 = arith.constant 0 : i32
      %eq3A_2063 = vector.broadcast %eq3A_2062 : i32 to vector<1x2048xi32>
      %eq3A_2064 = arith.cmpi eq, %and3A_2061, %eq3A_2063 : vector<1x2048xi32>
      %roll3A_2065 = arith.constant 1536 : i32
      %roll3A_2066 = tpu.dynamic_rotate %select_n3A_2057 by %roll3A_2065 dim 1 : vector<64x2048xi32>, i32 -> vector<64x2048xi32>
      %roll3A_2067 = arith.constant 512 : i32
      %roll3A_2068 = tpu.dynamic_rotate %select_n3A_2057 by %roll3A_2067 dim 1 : vector<64x2048xi32>, i32 -> vector<64x2048xi32>
      %broadcast_in_dim3A_2069 = vector.shape_cast %eq3A_2064 : vector<1x2048xi1> to vector<1x2048xi1>
      %broadcast_in_dim3A_2070 = vector.broadcast %broadcast_in_dim3A_2069 : vector<1x2048xi1> to vector<64x2048xi1>
      %select_n3A_2071 = arith.select %broadcast_in_dim3A_2070, %roll3A_2066, %roll3A_2068 : vector<64x2048xi1>, vector<64x2048xi32>
      %and3A_2072 = arith.constant 512 : i32
      %and3A_2073 = vector.broadcast %and3A_2072 : i32 to vector<1x2048xi32>
      %and3A_2074 = arith.andi %iota3A_620, %and3A_2073 : vector<1x2048xi32>
      %eq3A_2075 = arith.constant 0 : i32
      %eq3A_2076 = vector.broadcast %eq3A_2075 : i32 to vector<1x2048xi32>
      %eq3A_2077 = arith.cmpi eq, %and3A_2074, %eq3A_2076 : vector<1x2048xi32>
      %and3A_2078 = arith.constant 1024 : i32
      %and3A_2079 = vector.broadcast %and3A_2078 : i32 to vector<1x2048xi32>
      %and3A_2080 = arith.andi %iota3A_620, %and3A_2079 : vector<1x2048xi32>
      %eq3A_2081 = arith.constant 0 : i32
      %eq3A_2082 = vector.broadcast %eq3A_2081 : i32 to vector<1x2048xi32>
      %eq3A_2083 = arith.cmpi eq, %and3A_2080, %eq3A_2082 : vector<1x2048xi32>
      %xor3A_2084 = arith.xori %eq3A_2077, %eq3A_2083 : vector<1x2048xi1>
      %min3A_2085 = arith.minsi %select_n3A_2057, %select_n3A_2071 : vector<64x2048xi32>
      %max3A_2086 = arith.maxsi %select_n3A_2057, %select_n3A_2071 : vector<64x2048xi32>
      %broadcast_in_dim3A_2087 = vector.shape_cast %xor3A_2084 : vector<1x2048xi1> to vector<1x2048xi1>
      %broadcast_in_dim3A_2088 = vector.broadcast %broadcast_in_dim3A_2087 : vector<1x2048xi1> to vector<64x2048xi1>
      %select_n3A_2089 = arith.select %broadcast_in_dim3A_2088, %min3A_2085, %max3A_2086 : vector<64x2048xi1>, vector<64x2048xi32>
      %iota3A_2090 = tpu.iota {dimensions = array<i32: 1>} : vector<1x2048xi32>
      %and3A_2091 = arith.constant 256 : i32
      %and3A_2092 = vector.broadcast %and3A_2091 : i32 to vector<1x2048xi32>
      %and3A_2093 = arith.andi %iota3A_2090, %and3A_2092 : vector<1x2048xi32>
      %eq3A_2094 = arith.constant 0 : i32
      %eq3A_2095 = vector.broadcast %eq3A_2094 : i32 to vector<1x2048xi32>
      %eq3A_2096 = arith.cmpi eq, %and3A_2093, %eq3A_2095 : vector<1x2048xi32>
      %roll3A_2097 = arith.constant 1792 : i32
      %roll3A_2098 = tpu.dynamic_rotate %select_n3A_2089 by %roll3A_2097 dim 1 : vector<64x2048xi32>, i32 -> vector<64x2048xi32>
      %roll3A_2099 = arith.constant 256 : i32
      %roll3A_2100 = tpu.dynamic_rotate %select_n3A_2089 by %roll3A_2099 dim 1 : vector<64x2048xi32>, i32 -> vector<64x2048xi32>
      %broadcast_in_dim3A_2101 = vector.shape_cast %eq3A_2096 : vector<1x2048xi1> to vector<1x2048xi1>
      %broadcast_in_dim3A_2102 = vector.broadcast %broadcast_in_dim3A_2101 : vector<1x2048xi1> to vector<64x2048xi1>
      %select_n3A_2103 = arith.select %broadcast_in_dim3A_2102, %roll3A_2098, %roll3A_2100 : vector<64x2048xi1>, vector<64x2048xi32>
      %and3A_2104 = arith.constant 256 : i32
      %and3A_2105 = vector.broadcast %and3A_2104 : i32 to vector<1x2048xi32>
      %and3A_2106 = arith.andi %iota3A_620, %and3A_2105 : vector<1x2048xi32>
      %eq3A_2107 = arith.constant 0 : i32
      %eq3A_2108 = vector.broadcast %eq3A_2107 : i32 to vector<1x2048xi32>
      %eq3A_2109 = arith.cmpi eq, %and3A_2106, %eq3A_2108 : vector<1x2048xi32>
      %and3A_2110 = arith.constant 1024 : i32
      %and3A_2111 = vector.broadcast %and3A_2110 : i32 to vector<1x2048xi32>
      %and3A_2112 = arith.andi %iota3A_620, %and3A_2111 : vector<1x2048xi32>
      %eq3A_2113 = arith.constant 0 : i32
      %eq3A_2114 = vector.broadcast %eq3A_2113 : i32 to vector<1x2048xi32>
      %eq3A_2115 = arith.cmpi eq, %and3A_2112, %eq3A_2114 : vector<1x2048xi32>
      %xor3A_2116 = arith.xori %eq3A_2109, %eq3A_2115 : vector<1x2048xi1>
      %min3A_2117 = arith.minsi %select_n3A_2089, %select_n3A_2103 : vector<64x2048xi32>
      %max3A_2118 = arith.maxsi %select_n3A_2089, %select_n3A_2103 : vector<64x2048xi32>
      %broadcast_in_dim3A_2119 = vector.shape_cast %xor3A_2116 : vector<1x2048xi1> to vector<1x2048xi1>
      %broadcast_in_dim3A_2120 = vector.broadcast %broadcast_in_dim3A_2119 : vector<1x2048xi1> to vector<64x2048xi1>
      %select_n3A_2121 = arith.select %broadcast_in_dim3A_2120, %min3A_2117, %max3A_2118 : vector<64x2048xi1>, vector<64x2048xi32>
      %iota3A_2122 = tpu.iota {dimensions = array<i32: 1>} : vector<1x2048xi32>
      %and3A_2123 = arith.constant 128 : i32
      %and3A_2124 = vector.broadcast %and3A_2123 : i32 to vector<1x2048xi32>
      %and3A_2125 = arith.andi %iota3A_2122, %and3A_2124 : vector<1x2048xi32>
      %eq3A_2126 = arith.constant 0 : i32
      %eq3A_2127 = vector.broadcast %eq3A_2126 : i32 to vector<1x2048xi32>
      %eq3A_2128 = arith.cmpi eq, %and3A_2125, %eq3A_2127 : vector<1x2048xi32>
      %roll3A_2129 = arith.constant 1920 : i32
      %roll3A_2130 = tpu.dynamic_rotate %select_n3A_2121 by %roll3A_2129 dim 1 : vector<64x2048xi32>, i32 -> vector<64x2048xi32>
      %roll3A_2131 = arith.constant 128 : i32
      %roll3A_2132 = tpu.dynamic_rotate %select_n3A_2121 by %roll3A_2131 dim 1 : vector<64x2048xi32>, i32 -> vector<64x2048xi32>
      %broadcast_in_dim3A_2133 = vector.shape_cast %eq3A_2128 : vector<1x2048xi1> to vector<1x2048xi1>
      %broadcast_in_dim3A_2134 = vector.broadcast %broadcast_in_dim3A_2133 : vector<1x2048xi1> to vector<64x2048xi1>
      %select_n3A_2135 = arith.select %broadcast_in_dim3A_2134, %roll3A_2130, %roll3A_2132 : vector<64x2048xi1>, vector<64x2048xi32>
      %and3A_2136 = arith.constant 128 : i32
      %and3A_2137 = vector.broadcast %and3A_2136 : i32 to vector<1x2048xi32>
      %and3A_2138 = arith.andi %iota3A_620, %and3A_2137 : vector<1x2048xi32>
      %eq3A_2139 = arith.constant 0 : i32
      %eq3A_2140 = vector.broadcast %eq3A_2139 : i32 to vector<1x2048xi32>
      %eq3A_2141 = arith.cmpi eq, %and3A_2138, %eq3A_2140 : vector<1x2048xi32>
      %and3A_2142 = arith.constant 1024 : i32
      %and3A_2143 = vector.broadcast %and3A_2142 : i32 to vector<1x2048xi32>
      %and3A_2144 = arith.andi %iota3A_620, %and3A_2143 : vector<1x2048xi32>
      %eq3A_2145 = arith.constant 0 : i32
      %eq3A_2146 = vector.broadcast %eq3A_2145 : i32 to vector<1x2048xi32>
      %eq3A_2147 = arith.cmpi eq, %and3A_2144, %eq3A_2146 : vector<1x2048xi32>
      %xor3A_2148 = arith.xori %eq3A_2141, %eq3A_2147 : vector<1x2048xi1>
      %min3A_2149 = arith.minsi %select_n3A_2121, %select_n3A_2135 : vector<64x2048xi32>
      %max3A_2150 = arith.maxsi %select_n3A_2121, %select_n3A_2135 : vector<64x2048xi32>
      %broadcast_in_dim3A_2151 = vector.shape_cast %xor3A_2148 : vector<1x2048xi1> to vector<1x2048xi1>
      %broadcast_in_dim3A_2152 = vector.broadcast %broadcast_in_dim3A_2151 : vector<1x2048xi1> to vector<64x2048xi1>
      %select_n3A_2153 = arith.select %broadcast_in_dim3A_2152, %min3A_2149, %max3A_2150 : vector<64x2048xi1>, vector<64x2048xi32>
      %iota3A_2154 = tpu.iota {dimensions = array<i32: 1>} : vector<1x2048xi32>
      %and3A_2155 = arith.constant 64 : i32
      %and3A_2156 = vector.broadcast %and3A_2155 : i32 to vector<1x2048xi32>
      %and3A_2157 = arith.andi %iota3A_2154, %and3A_2156 : vector<1x2048xi32>
      %eq3A_2158 = arith.constant 0 : i32
      %eq3A_2159 = vector.broadcast %eq3A_2158 : i32 to vector<1x2048xi32>
      %eq3A_2160 = arith.cmpi eq, %and3A_2157, %eq3A_2159 : vector<1x2048xi32>
      %roll3A_2161 = arith.constant 1984 : i32
      %roll3A_2162 = tpu.dynamic_rotate %select_n3A_2153 by %roll3A_2161 dim 1 : vector<64x2048xi32>, i32 -> vector<64x2048xi32>
      %roll3A_2163 = arith.constant 64 : i32
      %roll3A_2164 = tpu.dynamic_rotate %select_n3A_2153 by %roll3A_2163 dim 1 : vector<64x2048xi32>, i32 -> vector<64x2048xi32>
      %broadcast_in_dim3A_2165 = vector.shape_cast %eq3A_2160 : vector<1x2048xi1> to vector<1x2048xi1>
      %broadcast_in_dim3A_2166 = vector.broadcast %broadcast_in_dim3A_2165 : vector<1x2048xi1> to vector<64x2048xi1>
      %select_n3A_2167 = arith.select %broadcast_in_dim3A_2166, %roll3A_2162, %roll3A_2164 : vector<64x2048xi1>, vector<64x2048xi32>
      %and3A_2168 = arith.constant 64 : i32
      %and3A_2169 = vector.broadcast %and3A_2168 : i32 to vector<1x2048xi32>
      %and3A_2170 = arith.andi %iota3A_620, %and3A_2169 : vector<1x2048xi32>
      %eq3A_2171 = arith.constant 0 : i32
      %eq3A_2172 = vector.broadcast %eq3A_2171 : i32 to vector<1x2048xi32>
      %eq3A_2173 = arith.cmpi eq, %and3A_2170, %eq3A_2172 : vector<1x2048xi32>
      %and3A_2174 = arith.constant 1024 : i32
      %and3A_2175 = vector.broadcast %and3A_2174 : i32 to vector<1x2048xi32>
      %and3A_2176 = arith.andi %iota3A_620, %and3A_2175 : vector<1x2048xi32>
      %eq3A_2177 = arith.constant 0 : i32
      %eq3A_2178 = vector.broadcast %eq3A_2177 : i32 to vector<1x2048xi32>
      %eq3A_2179 = arith.cmpi eq, %and3A_2176, %eq3A_2178 : vector<1x2048xi32>
      %xor3A_2180 = arith.xori %eq3A_2173, %eq3A_2179 : vector<1x2048xi1>
      %min3A_2181 = arith.minsi %select_n3A_2153, %select_n3A_2167 : vector<64x2048xi32>
      %max3A_2182 = arith.maxsi %select_n3A_2153, %select_n3A_2167 : vector<64x2048xi32>
      %broadcast_in_dim3A_2183 = vector.shape_cast %xor3A_2180 : vector<1x2048xi1> to vector<1x2048xi1>
      %broadcast_in_dim3A_2184 = vector.broadcast %broadcast_in_dim3A_2183 : vector<1x2048xi1> to vector<64x2048xi1>
      %select_n3A_2185 = arith.select %broadcast_in_dim3A_2184, %min3A_2181, %max3A_2182 : vector<64x2048xi1>, vector<64x2048xi32>
      %iota3A_2186 = tpu.iota {dimensions = array<i32: 1>} : vector<1x2048xi32>
      %and3A_2187 = arith.constant 32 : i32
      %and3A_2188 = vector.broadcast %and3A_2187 : i32 to vector<1x2048xi32>
      %and3A_2189 = arith.andi %iota3A_2186, %and3A_2188 : vector<1x2048xi32>
      %eq3A_2190 = arith.constant 0 : i32
      %eq3A_2191 = vector.broadcast %eq3A_2190 : i32 to vector<1x2048xi32>
      %eq3A_2192 = arith.cmpi eq, %and3A_2189, %eq3A_2191 : vector<1x2048xi32>
      %roll3A_2193 = arith.constant 2016 : i32
      %roll3A_2194 = tpu.dynamic_rotate %select_n3A_2185 by %roll3A_2193 dim 1 : vector<64x2048xi32>, i32 -> vector<64x2048xi32>
      %roll3A_2195 = arith.constant 32 : i32
      %roll3A_2196 = tpu.dynamic_rotate %select_n3A_2185 by %roll3A_2195 dim 1 : vector<64x2048xi32>, i32 -> vector<64x2048xi32>
      %broadcast_in_dim3A_2197 = vector.shape_cast %eq3A_2192 : vector<1x2048xi1> to vector<1x2048xi1>
      %broadcast_in_dim3A_2198 = vector.broadcast %broadcast_in_dim3A_2197 : vector<1x2048xi1> to vector<64x2048xi1>
      %select_n3A_2199 = arith.select %broadcast_in_dim3A_2198, %roll3A_2194, %roll3A_2196 : vector<64x2048xi1>, vector<64x2048xi32>
      %and3A_2200 = arith.constant 32 : i32
      %and3A_2201 = vector.broadcast %and3A_2200 : i32 to vector<1x2048xi32>
      %and3A_2202 = arith.andi %iota3A_620, %and3A_2201 : vector<1x2048xi32>
      %eq3A_2203 = arith.constant 0 : i32
      %eq3A_2204 = vector.broadcast %eq3A_2203 : i32 to vector<1x2048xi32>
      %eq3A_2205 = arith.cmpi eq, %and3A_2202, %eq3A_2204 : vector<1x2048xi32>
      %and3A_2206 = arith.constant 1024 : i32
      %and3A_2207 = vector.broadcast %and3A_2206 : i32 to vector<1x2048xi32>
      %and3A_2208 = arith.andi %iota3A_620, %and3A_2207 : vector<1x2048xi32>
      %eq3A_2209 = arith.constant 0 : i32
      %eq3A_2210 = vector.broadcast %eq3A_2209 : i32 to vector<1x2048xi32>
      %eq3A_2211 = arith.cmpi eq, %and3A_2208, %eq3A_2210 : vector<1x2048xi32>
      %xor3A_2212 = arith.xori %eq3A_2205, %eq3A_2211 : vector<1x2048xi1>
      %min3A_2213 = arith.minsi %select_n3A_2185, %select_n3A_2199 : vector<64x2048xi32>
      %max3A_2214 = arith.maxsi %select_n3A_2185, %select_n3A_2199 : vector<64x2048xi32>
      %broadcast_in_dim3A_2215 = vector.shape_cast %xor3A_2212 : vector<1x2048xi1> to vector<1x2048xi1>
      %broadcast_in_dim3A_2216 = vector.broadcast %broadcast_in_dim3A_2215 : vector<1x2048xi1> to vector<64x2048xi1>
      %select_n3A_2217 = arith.select %broadcast_in_dim3A_2216, %min3A_2213, %max3A_2214 : vector<64x2048xi1>, vector<64x2048xi32>
      %iota3A_2218 = tpu.iota {dimensions = array<i32: 1>} : vector<1x2048xi32>
      %and3A_2219 = arith.constant 16 : i32
      %and3A_2220 = vector.broadcast %and3A_2219 : i32 to vector<1x2048xi32>
      %and3A_2221 = arith.andi %iota3A_2218, %and3A_2220 : vector<1x2048xi32>
      %eq3A_2222 = arith.constant 0 : i32
      %eq3A_2223 = vector.broadcast %eq3A_2222 : i32 to vector<1x2048xi32>
      %eq3A_2224 = arith.cmpi eq, %and3A_2221, %eq3A_2223 : vector<1x2048xi32>
      %roll3A_2225 = arith.constant 2032 : i32
      %roll3A_2226 = tpu.dynamic_rotate %select_n3A_2217 by %roll3A_2225 dim 1 : vector<64x2048xi32>, i32 -> vector<64x2048xi32>
      %roll3A_2227 = arith.constant 16 : i32
      %roll3A_2228 = tpu.dynamic_rotate %select_n3A_2217 by %roll3A_2227 dim 1 : vector<64x2048xi32>, i32 -> vector<64x2048xi32>
      %broadcast_in_dim3A_2229 = vector.shape_cast %eq3A_2224 : vector<1x2048xi1> to vector<1x2048xi1>
      %broadcast_in_dim3A_2230 = vector.broadcast %broadcast_in_dim3A_2229 : vector<1x2048xi1> to vector<64x2048xi1>
      %select_n3A_2231 = arith.select %broadcast_in_dim3A_2230, %roll3A_2226, %roll3A_2228 : vector<64x2048xi1>, vector<64x2048xi32>
      %and3A_2232 = arith.constant 16 : i32
      %and3A_2233 = vector.broadcast %and3A_2232 : i32 to vector<1x2048xi32>
      %and3A_2234 = arith.andi %iota3A_620, %and3A_2233 : vector<1x2048xi32>
      %eq3A_2235 = arith.constant 0 : i32
      %eq3A_2236 = vector.broadcast %eq3A_2235 : i32 to vector<1x2048xi32>
      %eq3A_2237 = arith.cmpi eq, %and3A_2234, %eq3A_2236 : vector<1x2048xi32>
      %and3A_2238 = arith.constant 1024 : i32
      %and3A_2239 = vector.broadcast %and3A_2238 : i32 to vector<1x2048xi32>
      %and3A_2240 = arith.andi %iota3A_620, %and3A_2239 : vector<1x2048xi32>
      %eq3A_2241 = arith.constant 0 : i32
      %eq3A_2242 = vector.broadcast %eq3A_2241 : i32 to vector<1x2048xi32>
      %eq3A_2243 = arith.cmpi eq, %and3A_2240, %eq3A_2242 : vector<1x2048xi32>
      %xor3A_2244 = arith.xori %eq3A_2237, %eq3A_2243 : vector<1x2048xi1>
      %min3A_2245 = arith.minsi %select_n3A_2217, %select_n3A_2231 : vector<64x2048xi32>
      %max3A_2246 = arith.maxsi %select_n3A_2217, %select_n3A_2231 : vector<64x2048xi32>
      %broadcast_in_dim3A_2247 = vector.shape_cast %xor3A_2244 : vector<1x2048xi1> to vector<1x2048xi1>
      %broadcast_in_dim3A_2248 = vector.broadcast %broadcast_in_dim3A_2247 : vector<1x2048xi1> to vector<64x2048xi1>
      %select_n3A_2249 = arith.select %broadcast_in_dim3A_2248, %min3A_2245, %max3A_2246 : vector<64x2048xi1>, vector<64x2048xi32>
      %iota3A_2250 = tpu.iota {dimensions = array<i32: 1>} : vector<1x2048xi32>
      %and3A_2251 = arith.constant 8 : i32
      %and3A_2252 = vector.broadcast %and3A_2251 : i32 to vector<1x2048xi32>
      %and3A_2253 = arith.andi %iota3A_2250, %and3A_2252 : vector<1x2048xi32>
      %eq3A_2254 = arith.constant 0 : i32
      %eq3A_2255 = vector.broadcast %eq3A_2254 : i32 to vector<1x2048xi32>
      %eq3A_2256 = arith.cmpi eq, %and3A_2253, %eq3A_2255 : vector<1x2048xi32>
      %roll3A_2257 = arith.constant 2040 : i32
      %roll3A_2258 = tpu.dynamic_rotate %select_n3A_2249 by %roll3A_2257 dim 1 : vector<64x2048xi32>, i32 -> vector<64x2048xi32>
      %roll3A_2259 = arith.constant 8 : i32
      %roll3A_2260 = tpu.dynamic_rotate %select_n3A_2249 by %roll3A_2259 dim 1 : vector<64x2048xi32>, i32 -> vector<64x2048xi32>
      %broadcast_in_dim3A_2261 = vector.shape_cast %eq3A_2256 : vector<1x2048xi1> to vector<1x2048xi1>
      %broadcast_in_dim3A_2262 = vector.broadcast %broadcast_in_dim3A_2261 : vector<1x2048xi1> to vector<64x2048xi1>
      %select_n3A_2263 = arith.select %broadcast_in_dim3A_2262, %roll3A_2258, %roll3A_2260 : vector<64x2048xi1>, vector<64x2048xi32>
      %and3A_2264 = arith.constant 8 : i32
      %and3A_2265 = vector.broadcast %and3A_2264 : i32 to vector<1x2048xi32>
      %and3A_2266 = arith.andi %iota3A_620, %and3A_2265 : vector<1x2048xi32>
      %eq3A_2267 = arith.constant 0 : i32
      %eq3A_2268 = vector.broadcast %eq3A_2267 : i32 to vector<1x2048xi32>
      %eq3A_2269 = arith.cmpi eq, %and3A_2266, %eq3A_2268 : vector<1x2048xi32>
      %and3A_2270 = arith.constant 1024 : i32
      %and3A_2271 = vector.broadcast %and3A_2270 : i32 to vector<1x2048xi32>
      %and3A_2272 = arith.andi %iota3A_620, %and3A_2271 : vector<1x2048xi32>
      %eq3A_2273 = arith.constant 0 : i32
      %eq3A_2274 = vector.broadcast %eq3A_2273 : i32 to vector<1x2048xi32>
      %eq3A_2275 = arith.cmpi eq, %and3A_2272, %eq3A_2274 : vector<1x2048xi32>
      %xor3A_2276 = arith.xori %eq3A_2269, %eq3A_2275 : vector<1x2048xi1>
      %min3A_2277 = arith.minsi %select_n3A_2249, %select_n3A_2263 : vector<64x2048xi32>
      %max3A_2278 = arith.maxsi %select_n3A_2249, %select_n3A_2263 : vector<64x2048xi32>
      %broadcast_in_dim3A_2279 = vector.shape_cast %xor3A_2276 : vector<1x2048xi1> to vector<1x2048xi1>
      %broadcast_in_dim3A_2280 = vector.broadcast %broadcast_in_dim3A_2279 : vector<1x2048xi1> to vector<64x2048xi1>
      %select_n3A_2281 = arith.select %broadcast_in_dim3A_2280, %min3A_2277, %max3A_2278 : vector<64x2048xi1>, vector<64x2048xi32>
      %iota3A_2282 = tpu.iota {dimensions = array<i32: 1>} : vector<1x2048xi32>
      %and3A_2283 = arith.constant 4 : i32
      %and3A_2284 = vector.broadcast %and3A_2283 : i32 to vector<1x2048xi32>
      %and3A_2285 = arith.andi %iota3A_2282, %and3A_2284 : vector<1x2048xi32>
      %eq3A_2286 = arith.constant 0 : i32
      %eq3A_2287 = vector.broadcast %eq3A_2286 : i32 to vector<1x2048xi32>
      %eq3A_2288 = arith.cmpi eq, %and3A_2285, %eq3A_2287 : vector<1x2048xi32>
      %roll3A_2289 = arith.constant 2044 : i32
      %roll3A_2290 = tpu.dynamic_rotate %select_n3A_2281 by %roll3A_2289 dim 1 : vector<64x2048xi32>, i32 -> vector<64x2048xi32>
      %roll3A_2291 = arith.constant 4 : i32
      %roll3A_2292 = tpu.dynamic_rotate %select_n3A_2281 by %roll3A_2291 dim 1 : vector<64x2048xi32>, i32 -> vector<64x2048xi32>
      %broadcast_in_dim3A_2293 = vector.shape_cast %eq3A_2288 : vector<1x2048xi1> to vector<1x2048xi1>
      %broadcast_in_dim3A_2294 = vector.broadcast %broadcast_in_dim3A_2293 : vector<1x2048xi1> to vector<64x2048xi1>
      %select_n3A_2295 = arith.select %broadcast_in_dim3A_2294, %roll3A_2290, %roll3A_2292 : vector<64x2048xi1>, vector<64x2048xi32>
      %and3A_2296 = arith.constant 4 : i32
      %and3A_2297 = vector.broadcast %and3A_2296 : i32 to vector<1x2048xi32>
      %and3A_2298 = arith.andi %iota3A_620, %and3A_2297 : vector<1x2048xi32>
      %eq3A_2299 = arith.constant 0 : i32
      %eq3A_2300 = vector.broadcast %eq3A_2299 : i32 to vector<1x2048xi32>
      %eq3A_2301 = arith.cmpi eq, %and3A_2298, %eq3A_2300 : vector<1x2048xi32>
      %and3A_2302 = arith.constant 1024 : i32
      %and3A_2303 = vector.broadcast %and3A_2302 : i32 to vector<1x2048xi32>
      %and3A_2304 = arith.andi %iota3A_620, %and3A_2303 : vector<1x2048xi32>
      %eq3A_2305 = arith.constant 0 : i32
      %eq3A_2306 = vector.broadcast %eq3A_2305 : i32 to vector<1x2048xi32>
      %eq3A_2307 = arith.cmpi eq, %and3A_2304, %eq3A_2306 : vector<1x2048xi32>
      %xor3A_2308 = arith.xori %eq3A_2301, %eq3A_2307 : vector<1x2048xi1>
      %min3A_2309 = arith.minsi %select_n3A_2281, %select_n3A_2295 : vector<64x2048xi32>
      %max3A_2310 = arith.maxsi %select_n3A_2281, %select_n3A_2295 : vector<64x2048xi32>
      %broadcast_in_dim3A_2311 = vector.shape_cast %xor3A_2308 : vector<1x2048xi1> to vector<1x2048xi1>
      %broadcast_in_dim3A_2312 = vector.broadcast %broadcast_in_dim3A_2311 : vector<1x2048xi1> to vector<64x2048xi1>
      %select_n3A_2313 = arith.select %broadcast_in_dim3A_2312, %min3A_2309, %max3A_2310 : vector<64x2048xi1>, vector<64x2048xi32>
      %iota3A_2314 = tpu.iota {dimensions = array<i32: 1>} : vector<1x2048xi32>
      %and3A_2315 = arith.constant 2 : i32
      %and3A_2316 = vector.broadcast %and3A_2315 : i32 to vector<1x2048xi32>
      %and3A_2317 = arith.andi %iota3A_2314, %and3A_2316 : vector<1x2048xi32>
      %eq3A_2318 = arith.constant 0 : i32
      %eq3A_2319 = vector.broadcast %eq3A_2318 : i32 to vector<1x2048xi32>
      %eq3A_2320 = arith.cmpi eq, %and3A_2317, %eq3A_2319 : vector<1x2048xi32>
      %roll3A_2321 = arith.constant 2046 : i32
      %roll3A_2322 = tpu.dynamic_rotate %select_n3A_2313 by %roll3A_2321 dim 1 : vector<64x2048xi32>, i32 -> vector<64x2048xi32>
      %roll3A_2323 = arith.constant 2 : i32
      %roll3A_2324 = tpu.dynamic_rotate %select_n3A_2313 by %roll3A_2323 dim 1 : vector<64x2048xi32>, i32 -> vector<64x2048xi32>
      %broadcast_in_dim3A_2325 = vector.shape_cast %eq3A_2320 : vector<1x2048xi1> to vector<1x2048xi1>
      %broadcast_in_dim3A_2326 = vector.broadcast %broadcast_in_dim3A_2325 : vector<1x2048xi1> to vector<64x2048xi1>
      %select_n3A_2327 = arith.select %broadcast_in_dim3A_2326, %roll3A_2322, %roll3A_2324 : vector<64x2048xi1>, vector<64x2048xi32>
      %and3A_2328 = arith.constant 2 : i32
      %and3A_2329 = vector.broadcast %and3A_2328 : i32 to vector<1x2048xi32>
      %and3A_2330 = arith.andi %iota3A_620, %and3A_2329 : vector<1x2048xi32>
      %eq3A_2331 = arith.constant 0 : i32
      %eq3A_2332 = vector.broadcast %eq3A_2331 : i32 to vector<1x2048xi32>
      %eq3A_2333 = arith.cmpi eq, %and3A_2330, %eq3A_2332 : vector<1x2048xi32>
      %and3A_2334 = arith.constant 1024 : i32
      %and3A_2335 = vector.broadcast %and3A_2334 : i32 to vector<1x2048xi32>
      %and3A_2336 = arith.andi %iota3A_620, %and3A_2335 : vector<1x2048xi32>
      %eq3A_2337 = arith.constant 0 : i32
      %eq3A_2338 = vector.broadcast %eq3A_2337 : i32 to vector<1x2048xi32>
      %eq3A_2339 = arith.cmpi eq, %and3A_2336, %eq3A_2338 : vector<1x2048xi32>
      %xor3A_2340 = arith.xori %eq3A_2333, %eq3A_2339 : vector<1x2048xi1>
      %min3A_2341 = arith.minsi %select_n3A_2313, %select_n3A_2327 : vector<64x2048xi32>
      %max3A_2342 = arith.maxsi %select_n3A_2313, %select_n3A_2327 : vector<64x2048xi32>
      %broadcast_in_dim3A_2343 = vector.shape_cast %xor3A_2340 : vector<1x2048xi1> to vector<1x2048xi1>
      %broadcast_in_dim3A_2344 = vector.broadcast %broadcast_in_dim3A_2343 : vector<1x2048xi1> to vector<64x2048xi1>
      %select_n3A_2345 = arith.select %broadcast_in_dim3A_2344, %min3A_2341, %max3A_2342 : vector<64x2048xi1>, vector<64x2048xi32>
      %iota3A_2346 = tpu.iota {dimensions = array<i32: 1>} : vector<1x2048xi32>
      %and3A_2347 = arith.constant 1 : i32
      %and3A_2348 = vector.broadcast %and3A_2347 : i32 to vector<1x2048xi32>
      %and3A_2349 = arith.andi %iota3A_2346, %and3A_2348 : vector<1x2048xi32>
      %eq3A_2350 = arith.constant 0 : i32
      %eq3A_2351 = vector.broadcast %eq3A_2350 : i32 to vector<1x2048xi32>
      %eq3A_2352 = arith.cmpi eq, %and3A_2349, %eq3A_2351 : vector<1x2048xi32>
      %roll3A_2353 = arith.constant 2047 : i32
      %roll3A_2354 = tpu.dynamic_rotate %select_n3A_2345 by %roll3A_2353 dim 1 : vector<64x2048xi32>, i32 -> vector<64x2048xi32>
      %roll3A_2355 = arith.constant 1 : i32
      %roll3A_2356 = tpu.dynamic_rotate %select_n3A_2345 by %roll3A_2355 dim 1 : vector<64x2048xi32>, i32 -> vector<64x2048xi32>
      %broadcast_in_dim3A_2357 = vector.shape_cast %eq3A_2352 : vector<1x2048xi1> to vector<1x2048xi1>
      %broadcast_in_dim3A_2358 = vector.broadcast %broadcast_in_dim3A_2357 : vector<1x2048xi1> to vector<64x2048xi1>
      %select_n3A_2359 = arith.select %broadcast_in_dim3A_2358, %roll3A_2354, %roll3A_2356 : vector<64x2048xi1>, vector<64x2048xi32>
      %and3A_2360 = arith.constant 1 : i32
      %and3A_2361 = vector.broadcast %and3A_2360 : i32 to vector<1x2048xi32>
      %and3A_2362 = arith.andi %iota3A_620, %and3A_2361 : vector<1x2048xi32>
      %eq3A_2363 = arith.constant 0 : i32
      %eq3A_2364 = vector.broadcast %eq3A_2363 : i32 to vector<1x2048xi32>
      %eq3A_2365 = arith.cmpi eq, %and3A_2362, %eq3A_2364 : vector<1x2048xi32>
      %and3A_2366 = arith.constant 1024 : i32
      %and3A_2367 = vector.broadcast %and3A_2366 : i32 to vector<1x2048xi32>
      %and3A_2368 = arith.andi %iota3A_620, %and3A_2367 : vector<1x2048xi32>
      %eq3A_2369 = arith.constant 0 : i32
      %eq3A_2370 = vector.broadcast %eq3A_2369 : i32 to vector<1x2048xi32>
      %eq3A_2371 = arith.cmpi eq, %and3A_2368, %eq3A_2370 : vector<1x2048xi32>
      %xor3A_2372 = arith.xori %eq3A_2365, %eq3A_2371 : vector<1x2048xi1>
      %min3A_2373 = arith.minsi %select_n3A_2345, %select_n3A_2359 : vector<64x2048xi32>
      %max3A_2374 = arith.maxsi %select_n3A_2345, %select_n3A_2359 : vector<64x2048xi32>
      %broadcast_in_dim3A_2375 = vector.shape_cast %xor3A_2372 : vector<1x2048xi1> to vector<1x2048xi1>
      %broadcast_in_dim3A_2376 = vector.broadcast %broadcast_in_dim3A_2375 : vector<1x2048xi1> to vector<64x2048xi1>
      %select_n3A_2377 = arith.select %broadcast_in_dim3A_2376, %min3A_2373, %max3A_2374 : vector<64x2048xi1>, vector<64x2048xi32>
      %iota3A_2378 = tpu.iota {dimensions = array<i32: 1>} : vector<1x2048xi32>
      %and3A_2379 = arith.constant 1024 : i32
      %and3A_2380 = vector.broadcast %and3A_2379 : i32 to vector<1x2048xi32>
      %and3A_2381 = arith.andi %iota3A_2378, %and3A_2380 : vector<1x2048xi32>
      %eq3A_2382 = arith.constant 0 : i32
      %eq3A_2383 = vector.broadcast %eq3A_2382 : i32 to vector<1x2048xi32>
      %eq3A_2384 = arith.cmpi eq, %and3A_2381, %eq3A_2383 : vector<1x2048xi32>
      %roll3A_2385 = arith.constant 1024 : i32
      %roll3A_2386 = tpu.dynamic_rotate %select_n3A_2377 by %roll3A_2385 dim 1 : vector<64x2048xi32>, i32 -> vector<64x2048xi32>
      %roll3A_2387 = arith.constant 1024 : i32
      %roll3A_2388 = tpu.dynamic_rotate %select_n3A_2377 by %roll3A_2387 dim 1 : vector<64x2048xi32>, i32 -> vector<64x2048xi32>
      %broadcast_in_dim3A_2389 = vector.shape_cast %eq3A_2384 : vector<1x2048xi1> to vector<1x2048xi1>
      %broadcast_in_dim3A_2390 = vector.broadcast %broadcast_in_dim3A_2389 : vector<1x2048xi1> to vector<64x2048xi1>
      %select_n3A_2391 = arith.select %broadcast_in_dim3A_2390, %roll3A_2386, %roll3A_2388 : vector<64x2048xi1>, vector<64x2048xi32>
      %and3A_2392 = arith.constant 1024 : i32
      %and3A_2393 = vector.broadcast %and3A_2392 : i32 to vector<1x2048xi32>
      %and3A_2394 = arith.andi %iota3A_620, %and3A_2393 : vector<1x2048xi32>
      %eq3A_2395 = arith.constant 0 : i32
      %eq3A_2396 = vector.broadcast %eq3A_2395 : i32 to vector<1x2048xi32>
      %eq3A_2397 = arith.cmpi eq, %and3A_2394, %eq3A_2396 : vector<1x2048xi32>
      %and3A_2398 = arith.constant 2048 : i32
      %and3A_2399 = vector.broadcast %and3A_2398 : i32 to vector<1x2048xi32>
      %and3A_2400 = arith.andi %iota3A_620, %and3A_2399 : vector<1x2048xi32>
      %eq3A_2401 = arith.constant 0 : i32
      %eq3A_2402 = vector.broadcast %eq3A_2401 : i32 to vector<1x2048xi32>
      %eq3A_2403 = arith.cmpi eq, %and3A_2400, %eq3A_2402 : vector<1x2048xi32>
      %xor3A_2404 = arith.xori %eq3A_2397, %eq3A_2403 : vector<1x2048xi1>
      %min3A_2405 = arith.minsi %select_n3A_2377, %select_n3A_2391 : vector<64x2048xi32>
      %max3A_2406 = arith.maxsi %select_n3A_2377, %select_n3A_2391 : vector<64x2048xi32>
      %broadcast_in_dim3A_2407 = vector.shape_cast %xor3A_2404 : vector<1x2048xi1> to vector<1x2048xi1>
      %broadcast_in_dim3A_2408 = vector.broadcast %broadcast_in_dim3A_2407 : vector<1x2048xi1> to vector<64x2048xi1>
      %select_n3A_2409 = arith.select %broadcast_in_dim3A_2408, %min3A_2405, %max3A_2406 : vector<64x2048xi1>, vector<64x2048xi32>
      %iota3A_2410 = tpu.iota {dimensions = array<i32: 1>} : vector<1x2048xi32>
      %and3A_2411 = arith.constant 512 : i32
      %and3A_2412 = vector.broadcast %and3A_2411 : i32 to vector<1x2048xi32>
      %and3A_2413 = arith.andi %iota3A_2410, %and3A_2412 : vector<1x2048xi32>
      %eq3A_2414 = arith.constant 0 : i32
      %eq3A_2415 = vector.broadcast %eq3A_2414 : i32 to vector<1x2048xi32>
      %eq3A_2416 = arith.cmpi eq, %and3A_2413, %eq3A_2415 : vector<1x2048xi32>
      %roll3A_2417 = arith.constant 1536 : i32
      %roll3A_2418 = tpu.dynamic_rotate %select_n3A_2409 by %roll3A_2417 dim 1 : vector<64x2048xi32>, i32 -> vector<64x2048xi32>
      %roll3A_2419 = arith.constant 512 : i32
      %roll3A_2420 = tpu.dynamic_rotate %select_n3A_2409 by %roll3A_2419 dim 1 : vector<64x2048xi32>, i32 -> vector<64x2048xi32>
      %broadcast_in_dim3A_2421 = vector.shape_cast %eq3A_2416 : vector<1x2048xi1> to vector<1x2048xi1>
      %broadcast_in_dim3A_2422 = vector.broadcast %broadcast_in_dim3A_2421 : vector<1x2048xi1> to vector<64x2048xi1>
      %select_n3A_2423 = arith.select %broadcast_in_dim3A_2422, %roll3A_2418, %roll3A_2420 : vector<64x2048xi1>, vector<64x2048xi32>
      %and3A_2424 = arith.constant 512 : i32
      %and3A_2425 = vector.broadcast %and3A_2424 : i32 to vector<1x2048xi32>
      %and3A_2426 = arith.andi %iota3A_620, %and3A_2425 : vector<1x2048xi32>
      %eq3A_2427 = arith.constant 0 : i32
      %eq3A_2428 = vector.broadcast %eq3A_2427 : i32 to vector<1x2048xi32>
      %eq3A_2429 = arith.cmpi eq, %and3A_2426, %eq3A_2428 : vector<1x2048xi32>
      %and3A_2430 = arith.constant 2048 : i32
      %and3A_2431 = vector.broadcast %and3A_2430 : i32 to vector<1x2048xi32>
      %and3A_2432 = arith.andi %iota3A_620, %and3A_2431 : vector<1x2048xi32>
      %eq3A_2433 = arith.constant 0 : i32
      %eq3A_2434 = vector.broadcast %eq3A_2433 : i32 to vector<1x2048xi32>
      %eq3A_2435 = arith.cmpi eq, %and3A_2432, %eq3A_2434 : vector<1x2048xi32>
      %xor3A_2436 = arith.xori %eq3A_2429, %eq3A_2435 : vector<1x2048xi1>
      %min3A_2437 = arith.minsi %select_n3A_2409, %select_n3A_2423 : vector<64x2048xi32>
      %max3A_2438 = arith.maxsi %select_n3A_2409, %select_n3A_2423 : vector<64x2048xi32>
      %broadcast_in_dim3A_2439 = vector.shape_cast %xor3A_2436 : vector<1x2048xi1> to vector<1x2048xi1>
      %broadcast_in_dim3A_2440 = vector.broadcast %broadcast_in_dim3A_2439 : vector<1x2048xi1> to vector<64x2048xi1>
      %select_n3A_2441 = arith.select %broadcast_in_dim3A_2440, %min3A_2437, %max3A_2438 : vector<64x2048xi1>, vector<64x2048xi32>
      %iota3A_2442 = tpu.iota {dimensions = array<i32: 1>} : vector<1x2048xi32>
      %and3A_2443 = arith.constant 256 : i32
      %and3A_2444 = vector.broadcast %and3A_2443 : i32 to vector<1x2048xi32>
      %and3A_2445 = arith.andi %iota3A_2442, %and3A_2444 : vector<1x2048xi32>
      %eq3A_2446 = arith.constant 0 : i32
      %eq3A_2447 = vector.broadcast %eq3A_2446 : i32 to vector<1x2048xi32>
      %eq3A_2448 = arith.cmpi eq, %and3A_2445, %eq3A_2447 : vector<1x2048xi32>
      %roll3A_2449 = arith.constant 1792 : i32
      %roll3A_2450 = tpu.dynamic_rotate %select_n3A_2441 by %roll3A_2449 dim 1 : vector<64x2048xi32>, i32 -> vector<64x2048xi32>
      %roll3A_2451 = arith.constant 256 : i32
      %roll3A_2452 = tpu.dynamic_rotate %select_n3A_2441 by %roll3A_2451 dim 1 : vector<64x2048xi32>, i32 -> vector<64x2048xi32>
      %broadcast_in_dim3A_2453 = vector.shape_cast %eq3A_2448 : vector<1x2048xi1> to vector<1x2048xi1>
      %broadcast_in_dim3A_2454 = vector.broadcast %broadcast_in_dim3A_2453 : vector<1x2048xi1> to vector<64x2048xi1>
      %select_n3A_2455 = arith.select %broadcast_in_dim3A_2454, %roll3A_2450, %roll3A_2452 : vector<64x2048xi1>, vector<64x2048xi32>
      %and3A_2456 = arith.constant 256 : i32
      %and3A_2457 = vector.broadcast %and3A_2456 : i32 to vector<1x2048xi32>
      %and3A_2458 = arith.andi %iota3A_620, %and3A_2457 : vector<1x2048xi32>
      %eq3A_2459 = arith.constant 0 : i32
      %eq3A_2460 = vector.broadcast %eq3A_2459 : i32 to vector<1x2048xi32>
      %eq3A_2461 = arith.cmpi eq, %and3A_2458, %eq3A_2460 : vector<1x2048xi32>
      %and3A_2462 = arith.constant 2048 : i32
      %and3A_2463 = vector.broadcast %and3A_2462 : i32 to vector<1x2048xi32>
      %and3A_2464 = arith.andi %iota3A_620, %and3A_2463 : vector<1x2048xi32>
      %eq3A_2465 = arith.constant 0 : i32
      %eq3A_2466 = vector.broadcast %eq3A_2465 : i32 to vector<1x2048xi32>
      %eq3A_2467 = arith.cmpi eq, %and3A_2464, %eq3A_2466 : vector<1x2048xi32>
      %xor3A_2468 = arith.xori %eq3A_2461, %eq3A_2467 : vector<1x2048xi1>
      %min3A_2469 = arith.minsi %select_n3A_2441, %select_n3A_2455 : vector<64x2048xi32>
      %max3A_2470 = arith.maxsi %select_n3A_2441, %select_n3A_2455 : vector<64x2048xi32>
      %broadcast_in_dim3A_2471 = vector.shape_cast %xor3A_2468 : vector<1x2048xi1> to vector<1x2048xi1>
      %broadcast_in_dim3A_2472 = vector.broadcast %broadcast_in_dim3A_2471 : vector<1x2048xi1> to vector<64x2048xi1>
      %select_n3A_2473 = arith.select %broadcast_in_dim3A_2472, %min3A_2469, %max3A_2470 : vector<64x2048xi1>, vector<64x2048xi32>
      %iota3A_2474 = tpu.iota {dimensions = array<i32: 1>} : vector<1x2048xi32>
      %and3A_2475 = arith.constant 128 : i32
      %and3A_2476 = vector.broadcast %and3A_2475 : i32 to vector<1x2048xi32>
      %and3A_2477 = arith.andi %iota3A_2474, %and3A_2476 : vector<1x2048xi32>
      %eq3A_2478 = arith.constant 0 : i32
      %eq3A_2479 = vector.broadcast %eq3A_2478 : i32 to vector<1x2048xi32>
      %eq3A_2480 = arith.cmpi eq, %and3A_2477, %eq3A_2479 : vector<1x2048xi32>
      %roll3A_2481 = arith.constant 1920 : i32
      %roll3A_2482 = tpu.dynamic_rotate %select_n3A_2473 by %roll3A_2481 dim 1 : vector<64x2048xi32>, i32 -> vector<64x2048xi32>
      %roll3A_2483 = arith.constant 128 : i32
      %roll3A_2484 = tpu.dynamic_rotate %select_n3A_2473 by %roll3A_2483 dim 1 : vector<64x2048xi32>, i32 -> vector<64x2048xi32>
      %broadcast_in_dim3A_2485 = vector.shape_cast %eq3A_2480 : vector<1x2048xi1> to vector<1x2048xi1>
      %broadcast_in_dim3A_2486 = vector.broadcast %broadcast_in_dim3A_2485 : vector<1x2048xi1> to vector<64x2048xi1>
      %select_n3A_2487 = arith.select %broadcast_in_dim3A_2486, %roll3A_2482, %roll3A_2484 : vector<64x2048xi1>, vector<64x2048xi32>
      %and3A_2488 = arith.constant 128 : i32
      %and3A_2489 = vector.broadcast %and3A_2488 : i32 to vector<1x2048xi32>
      %and3A_2490 = arith.andi %iota3A_620, %and3A_2489 : vector<1x2048xi32>
      %eq3A_2491 = arith.constant 0 : i32
      %eq3A_2492 = vector.broadcast %eq3A_2491 : i32 to vector<1x2048xi32>
      %eq3A_2493 = arith.cmpi eq, %and3A_2490, %eq3A_2492 : vector<1x2048xi32>
      %and3A_2494 = arith.constant 2048 : i32
      %and3A_2495 = vector.broadcast %and3A_2494 : i32 to vector<1x2048xi32>
      %and3A_2496 = arith.andi %iota3A_620, %and3A_2495 : vector<1x2048xi32>
      %eq3A_2497 = arith.constant 0 : i32
      %eq3A_2498 = vector.broadcast %eq3A_2497 : i32 to vector<1x2048xi32>
      %eq3A_2499 = arith.cmpi eq, %and3A_2496, %eq3A_2498 : vector<1x2048xi32>
      %xor3A_2500 = arith.xori %eq3A_2493, %eq3A_2499 : vector<1x2048xi1>
      %min3A_2501 = arith.minsi %select_n3A_2473, %select_n3A_2487 : vector<64x2048xi32>
      %max3A_2502 = arith.maxsi %select_n3A_2473, %select_n3A_2487 : vector<64x2048xi32>
      %broadcast_in_dim3A_2503 = vector.shape_cast %xor3A_2500 : vector<1x2048xi1> to vector<1x2048xi1>
      %broadcast_in_dim3A_2504 = vector.broadcast %broadcast_in_dim3A_2503 : vector<1x2048xi1> to vector<64x2048xi1>
      %select_n3A_2505 = arith.select %broadcast_in_dim3A_2504, %min3A_2501, %max3A_2502 : vector<64x2048xi1>, vector<64x2048xi32>
      %iota3A_2506 = tpu.iota {dimensions = array<i32: 1>} : vector<1x2048xi32>
      %and3A_2507 = arith.constant 64 : i32
      %and3A_2508 = vector.broadcast %and3A_2507 : i32 to vector<1x2048xi32>
      %and3A_2509 = arith.andi %iota3A_2506, %and3A_2508 : vector<1x2048xi32>
      %eq3A_2510 = arith.constant 0 : i32
      %eq3A_2511 = vector.broadcast %eq3A_2510 : i32 to vector<1x2048xi32>
      %eq3A_2512 = arith.cmpi eq, %and3A_2509, %eq3A_2511 : vector<1x2048xi32>
      %roll3A_2513 = arith.constant 1984 : i32
      %roll3A_2514 = tpu.dynamic_rotate %select_n3A_2505 by %roll3A_2513 dim 1 : vector<64x2048xi32>, i32 -> vector<64x2048xi32>
      %roll3A_2515 = arith.constant 64 : i32
      %roll3A_2516 = tpu.dynamic_rotate %select_n3A_2505 by %roll3A_2515 dim 1 : vector<64x2048xi32>, i32 -> vector<64x2048xi32>
      %broadcast_in_dim3A_2517 = vector.shape_cast %eq3A_2512 : vector<1x2048xi1> to vector<1x2048xi1>
      %broadcast_in_dim3A_2518 = vector.broadcast %broadcast_in_dim3A_2517 : vector<1x2048xi1> to vector<64x2048xi1>
      %select_n3A_2519 = arith.select %broadcast_in_dim3A_2518, %roll3A_2514, %roll3A_2516 : vector<64x2048xi1>, vector<64x2048xi32>
      %and3A_2520 = arith.constant 64 : i32
      %and3A_2521 = vector.broadcast %and3A_2520 : i32 to vector<1x2048xi32>
      %and3A_2522 = arith.andi %iota3A_620, %and3A_2521 : vector<1x2048xi32>
      %eq3A_2523 = arith.constant 0 : i32
      %eq3A_2524 = vector.broadcast %eq3A_2523 : i32 to vector<1x2048xi32>
      %eq3A_2525 = arith.cmpi eq, %and3A_2522, %eq3A_2524 : vector<1x2048xi32>
      %and3A_2526 = arith.constant 2048 : i32
      %and3A_2527 = vector.broadcast %and3A_2526 : i32 to vector<1x2048xi32>
      %and3A_2528 = arith.andi %iota3A_620, %and3A_2527 : vector<1x2048xi32>
      %eq3A_2529 = arith.constant 0 : i32
      %eq3A_2530 = vector.broadcast %eq3A_2529 : i32 to vector<1x2048xi32>
      %eq3A_2531 = arith.cmpi eq, %and3A_2528, %eq3A_2530 : vector<1x2048xi32>
      %xor3A_2532 = arith.xori %eq3A_2525, %eq3A_2531 : vector<1x2048xi1>
      %min3A_2533 = arith.minsi %select_n3A_2505, %select_n3A_2519 : vector<64x2048xi32>
      %max3A_2534 = arith.maxsi %select_n3A_2505, %select_n3A_2519 : vector<64x2048xi32>
      %broadcast_in_dim3A_2535 = vector.shape_cast %xor3A_2532 : vector<1x2048xi1> to vector<1x2048xi1>
      %broadcast_in_dim3A_2536 = vector.broadcast %broadcast_in_dim3A_2535 : vector<1x2048xi1> to vector<64x2048xi1>
      %select_n3A_2537 = arith.select %broadcast_in_dim3A_2536, %min3A_2533, %max3A_2534 : vector<64x2048xi1>, vector<64x2048xi32>
      %iota3A_2538 = tpu.iota {dimensions = array<i32: 1>} : vector<1x2048xi32>
      %and3A_2539 = arith.constant 32 : i32
      %and3A_2540 = vector.broadcast %and3A_2539 : i32 to vector<1x2048xi32>
      %and3A_2541 = arith.andi %iota3A_2538, %and3A_2540 : vector<1x2048xi32>
      %eq3A_2542 = arith.constant 0 : i32
      %eq3A_2543 = vector.broadcast %eq3A_2542 : i32 to vector<1x2048xi32>
      %eq3A_2544 = arith.cmpi eq, %and3A_2541, %eq3A_2543 : vector<1x2048xi32>
      %roll3A_2545 = arith.constant 2016 : i32
      %roll3A_2546 = tpu.dynamic_rotate %select_n3A_2537 by %roll3A_2545 dim 1 : vector<64x2048xi32>, i32 -> vector<64x2048xi32>
      %roll3A_2547 = arith.constant 32 : i32
      %roll3A_2548 = tpu.dynamic_rotate %select_n3A_2537 by %roll3A_2547 dim 1 : vector<64x2048xi32>, i32 -> vector<64x2048xi32>
      %broadcast_in_dim3A_2549 = vector.shape_cast %eq3A_2544 : vector<1x2048xi1> to vector<1x2048xi1>
      %broadcast_in_dim3A_2550 = vector.broadcast %broadcast_in_dim3A_2549 : vector<1x2048xi1> to vector<64x2048xi1>
      %select_n3A_2551 = arith.select %broadcast_in_dim3A_2550, %roll3A_2546, %roll3A_2548 : vector<64x2048xi1>, vector<64x2048xi32>
      %and3A_2552 = arith.constant 32 : i32
      %and3A_2553 = vector.broadcast %and3A_2552 : i32 to vector<1x2048xi32>
      %and3A_2554 = arith.andi %iota3A_620, %and3A_2553 : vector<1x2048xi32>
      %eq3A_2555 = arith.constant 0 : i32
      %eq3A_2556 = vector.broadcast %eq3A_2555 : i32 to vector<1x2048xi32>
      %eq3A_2557 = arith.cmpi eq, %and3A_2554, %eq3A_2556 : vector<1x2048xi32>
      %and3A_2558 = arith.constant 2048 : i32
      %and3A_2559 = vector.broadcast %and3A_2558 : i32 to vector<1x2048xi32>
      %and3A_2560 = arith.andi %iota3A_620, %and3A_2559 : vector<1x2048xi32>
      %eq3A_2561 = arith.constant 0 : i32
      %eq3A_2562 = vector.broadcast %eq3A_2561 : i32 to vector<1x2048xi32>
      %eq3A_2563 = arith.cmpi eq, %and3A_2560, %eq3A_2562 : vector<1x2048xi32>
      %xor3A_2564 = arith.xori %eq3A_2557, %eq3A_2563 : vector<1x2048xi1>
      %min3A_2565 = arith.minsi %select_n3A_2537, %select_n3A_2551 : vector<64x2048xi32>
      %max3A_2566 = arith.maxsi %select_n3A_2537, %select_n3A_2551 : vector<64x2048xi32>
      %broadcast_in_dim3A_2567 = vector.shape_cast %xor3A_2564 : vector<1x2048xi1> to vector<1x2048xi1>
      %broadcast_in_dim3A_2568 = vector.broadcast %broadcast_in_dim3A_2567 : vector<1x2048xi1> to vector<64x2048xi1>
      %select_n3A_2569 = arith.select %broadcast_in_dim3A_2568, %min3A_2565, %max3A_2566 : vector<64x2048xi1>, vector<64x2048xi32>
      %iota3A_2570 = tpu.iota {dimensions = array<i32: 1>} : vector<1x2048xi32>
      %and3A_2571 = arith.constant 16 : i32
      %and3A_2572 = vector.broadcast %and3A_2571 : i32 to vector<1x2048xi32>
      %and3A_2573 = arith.andi %iota3A_2570, %and3A_2572 : vector<1x2048xi32>
      %eq3A_2574 = arith.constant 0 : i32
      %eq3A_2575 = vector.broadcast %eq3A_2574 : i32 to vector<1x2048xi32>
      %eq3A_2576 = arith.cmpi eq, %and3A_2573, %eq3A_2575 : vector<1x2048xi32>
      %roll3A_2577 = arith.constant 2032 : i32
      %roll3A_2578 = tpu.dynamic_rotate %select_n3A_2569 by %roll3A_2577 dim 1 : vector<64x2048xi32>, i32 -> vector<64x2048xi32>
      %roll3A_2579 = arith.constant 16 : i32
      %roll3A_2580 = tpu.dynamic_rotate %select_n3A_2569 by %roll3A_2579 dim 1 : vector<64x2048xi32>, i32 -> vector<64x2048xi32>
      %broadcast_in_dim3A_2581 = vector.shape_cast %eq3A_2576 : vector<1x2048xi1> to vector<1x2048xi1>
      %broadcast_in_dim3A_2582 = vector.broadcast %broadcast_in_dim3A_2581 : vector<1x2048xi1> to vector<64x2048xi1>
      %select_n3A_2583 = arith.select %broadcast_in_dim3A_2582, %roll3A_2578, %roll3A_2580 : vector<64x2048xi1>, vector<64x2048xi32>
      %and3A_2584 = arith.constant 16 : i32
      %and3A_2585 = vector.broadcast %and3A_2584 : i32 to vector<1x2048xi32>
      %and3A_2586 = arith.andi %iota3A_620, %and3A_2585 : vector<1x2048xi32>
      %eq3A_2587 = arith.constant 0 : i32
      %eq3A_2588 = vector.broadcast %eq3A_2587 : i32 to vector<1x2048xi32>
      %eq3A_2589 = arith.cmpi eq, %and3A_2586, %eq3A_2588 : vector<1x2048xi32>
      %and3A_2590 = arith.constant 2048 : i32
      %and3A_2591 = vector.broadcast %and3A_2590 : i32 to vector<1x2048xi32>
      %and3A_2592 = arith.andi %iota3A_620, %and3A_2591 : vector<1x2048xi32>
      %eq3A_2593 = arith.constant 0 : i32
      %eq3A_2594 = vector.broadcast %eq3A_2593 : i32 to vector<1x2048xi32>
      %eq3A_2595 = arith.cmpi eq, %and3A_2592, %eq3A_2594 : vector<1x2048xi32>
      %xor3A_2596 = arith.xori %eq3A_2589, %eq3A_2595 : vector<1x2048xi1>
      %min3A_2597 = arith.minsi %select_n3A_2569, %select_n3A_2583 : vector<64x2048xi32>
      %max3A_2598 = arith.maxsi %select_n3A_2569, %select_n3A_2583 : vector<64x2048xi32>
      %broadcast_in_dim3A_2599 = vector.shape_cast %xor3A_2596 : vector<1x2048xi1> to vector<1x2048xi1>
      %broadcast_in_dim3A_2600 = vector.broadcast %broadcast_in_dim3A_2599 : vector<1x2048xi1> to vector<64x2048xi1>
      %select_n3A_2601 = arith.select %broadcast_in_dim3A_2600, %min3A_2597, %max3A_2598 : vector<64x2048xi1>, vector<64x2048xi32>
      %iota3A_2602 = tpu.iota {dimensions = array<i32: 1>} : vector<1x2048xi32>
      %and3A_2603 = arith.constant 8 : i32
      %and3A_2604 = vector.broadcast %and3A_2603 : i32 to vector<1x2048xi32>
      %and3A_2605 = arith.andi %iota3A_2602, %and3A_2604 : vector<1x2048xi32>
      %eq3A_2606 = arith.constant 0 : i32
      %eq3A_2607 = vector.broadcast %eq3A_2606 : i32 to vector<1x2048xi32>
      %eq3A_2608 = arith.cmpi eq, %and3A_2605, %eq3A_2607 : vector<1x2048xi32>
      %roll3A_2609 = arith.constant 2040 : i32
      %roll3A_2610 = tpu.dynamic_rotate %select_n3A_2601 by %roll3A_2609 dim 1 : vector<64x2048xi32>, i32 -> vector<64x2048xi32>
      %roll3A_2611 = arith.constant 8 : i32
      %roll3A_2612 = tpu.dynamic_rotate %select_n3A_2601 by %roll3A_2611 dim 1 : vector<64x2048xi32>, i32 -> vector<64x2048xi32>
      %broadcast_in_dim3A_2613 = vector.shape_cast %eq3A_2608 : vector<1x2048xi1> to vector<1x2048xi1>
      %broadcast_in_dim3A_2614 = vector.broadcast %broadcast_in_dim3A_2613 : vector<1x2048xi1> to vector<64x2048xi1>
      %select_n3A_2615 = arith.select %broadcast_in_dim3A_2614, %roll3A_2610, %roll3A_2612 : vector<64x2048xi1>, vector<64x2048xi32>
      %and3A_2616 = arith.constant 8 : i32
      %and3A_2617 = vector.broadcast %and3A_2616 : i32 to vector<1x2048xi32>
      %and3A_2618 = arith.andi %iota3A_620, %and3A_2617 : vector<1x2048xi32>
      %eq3A_2619 = arith.constant 0 : i32
      %eq3A_2620 = vector.broadcast %eq3A_2619 : i32 to vector<1x2048xi32>
      %eq3A_2621 = arith.cmpi eq, %and3A_2618, %eq3A_2620 : vector<1x2048xi32>
      %and3A_2622 = arith.constant 2048 : i32
      %and3A_2623 = vector.broadcast %and3A_2622 : i32 to vector<1x2048xi32>
      %and3A_2624 = arith.andi %iota3A_620, %and3A_2623 : vector<1x2048xi32>
      %eq3A_2625 = arith.constant 0 : i32
      %eq3A_2626 = vector.broadcast %eq3A_2625 : i32 to vector<1x2048xi32>
      %eq3A_2627 = arith.cmpi eq, %and3A_2624, %eq3A_2626 : vector<1x2048xi32>
      %xor3A_2628 = arith.xori %eq3A_2621, %eq3A_2627 : vector<1x2048xi1>
      %min3A_2629 = arith.minsi %select_n3A_2601, %select_n3A_2615 : vector<64x2048xi32>
      %max3A_2630 = arith.maxsi %select_n3A_2601, %select_n3A_2615 : vector<64x2048xi32>
      %broadcast_in_dim3A_2631 = vector.shape_cast %xor3A_2628 : vector<1x2048xi1> to vector<1x2048xi1>
      %broadcast_in_dim3A_2632 = vector.broadcast %broadcast_in_dim3A_2631 : vector<1x2048xi1> to vector<64x2048xi1>
      %select_n3A_2633 = arith.select %broadcast_in_dim3A_2632, %min3A_2629, %max3A_2630 : vector<64x2048xi1>, vector<64x2048xi32>
      %iota3A_2634 = tpu.iota {dimensions = array<i32: 1>} : vector<1x2048xi32>
      %and3A_2635 = arith.constant 4 : i32
      %and3A_2636 = vector.broadcast %and3A_2635 : i32 to vector<1x2048xi32>
      %and3A_2637 = arith.andi %iota3A_2634, %and3A_2636 : vector<1x2048xi32>
      %eq3A_2638 = arith.constant 0 : i32
      %eq3A_2639 = vector.broadcast %eq3A_2638 : i32 to vector<1x2048xi32>
      %eq3A_2640 = arith.cmpi eq, %and3A_2637, %eq3A_2639 : vector<1x2048xi32>
      %roll3A_2641 = arith.constant 2044 : i32
      %roll3A_2642 = tpu.dynamic_rotate %select_n3A_2633 by %roll3A_2641 dim 1 : vector<64x2048xi32>, i32 -> vector<64x2048xi32>
      %roll3A_2643 = arith.constant 4 : i32
      %roll3A_2644 = tpu.dynamic_rotate %select_n3A_2633 by %roll3A_2643 dim 1 : vector<64x2048xi32>, i32 -> vector<64x2048xi32>
      %broadcast_in_dim3A_2645 = vector.shape_cast %eq3A_2640 : vector<1x2048xi1> to vector<1x2048xi1>
      %broadcast_in_dim3A_2646 = vector.broadcast %broadcast_in_dim3A_2645 : vector<1x2048xi1> to vector<64x2048xi1>
      %select_n3A_2647 = arith.select %broadcast_in_dim3A_2646, %roll3A_2642, %roll3A_2644 : vector<64x2048xi1>, vector<64x2048xi32>
      %and3A_2648 = arith.constant 4 : i32
      %and3A_2649 = vector.broadcast %and3A_2648 : i32 to vector<1x2048xi32>
      %and3A_2650 = arith.andi %iota3A_620, %and3A_2649 : vector<1x2048xi32>
      %eq3A_2651 = arith.constant 0 : i32
      %eq3A_2652 = vector.broadcast %eq3A_2651 : i32 to vector<1x2048xi32>
      %eq3A_2653 = arith.cmpi eq, %and3A_2650, %eq3A_2652 : vector<1x2048xi32>
      %and3A_2654 = arith.constant 2048 : i32
      %and3A_2655 = vector.broadcast %and3A_2654 : i32 to vector<1x2048xi32>
      %and3A_2656 = arith.andi %iota3A_620, %and3A_2655 : vector<1x2048xi32>
      %eq3A_2657 = arith.constant 0 : i32
      %eq3A_2658 = vector.broadcast %eq3A_2657 : i32 to vector<1x2048xi32>
      %eq3A_2659 = arith.cmpi eq, %and3A_2656, %eq3A_2658 : vector<1x2048xi32>
      %xor3A_2660 = arith.xori %eq3A_2653, %eq3A_2659 : vector<1x2048xi1>
      %min3A_2661 = arith.minsi %select_n3A_2633, %select_n3A_2647 : vector<64x2048xi32>
      %max3A_2662 = arith.maxsi %select_n3A_2633, %select_n3A_2647 : vector<64x2048xi32>
      %broadcast_in_dim3A_2663 = vector.shape_cast %xor3A_2660 : vector<1x2048xi1> to vector<1x2048xi1>
      %broadcast_in_dim3A_2664 = vector.broadcast %broadcast_in_dim3A_2663 : vector<1x2048xi1> to vector<64x2048xi1>
      %select_n3A_2665 = arith.select %broadcast_in_dim3A_2664, %min3A_2661, %max3A_2662 : vector<64x2048xi1>, vector<64x2048xi32>
      %iota3A_2666 = tpu.iota {dimensions = array<i32: 1>} : vector<1x2048xi32>
      %and3A_2667 = arith.constant 2 : i32
      %and3A_2668 = vector.broadcast %and3A_2667 : i32 to vector<1x2048xi32>
      %and3A_2669 = arith.andi %iota3A_2666, %and3A_2668 : vector<1x2048xi32>
      %eq3A_2670 = arith.constant 0 : i32
      %eq3A_2671 = vector.broadcast %eq3A_2670 : i32 to vector<1x2048xi32>
      %eq3A_2672 = arith.cmpi eq, %and3A_2669, %eq3A_2671 : vector<1x2048xi32>
      %roll3A_2673 = arith.constant 2046 : i32
      %roll3A_2674 = tpu.dynamic_rotate %select_n3A_2665 by %roll3A_2673 dim 1 : vector<64x2048xi32>, i32 -> vector<64x2048xi32>
      %roll3A_2675 = arith.constant 2 : i32
      %roll3A_2676 = tpu.dynamic_rotate %select_n3A_2665 by %roll3A_2675 dim 1 : vector<64x2048xi32>, i32 -> vector<64x2048xi32>
      %broadcast_in_dim3A_2677 = vector.shape_cast %eq3A_2672 : vector<1x2048xi1> to vector<1x2048xi1>
      %broadcast_in_dim3A_2678 = vector.broadcast %broadcast_in_dim3A_2677 : vector<1x2048xi1> to vector<64x2048xi1>
      %select_n3A_2679 = arith.select %broadcast_in_dim3A_2678, %roll3A_2674, %roll3A_2676 : vector<64x2048xi1>, vector<64x2048xi32>
      %and3A_2680 = arith.constant 2 : i32
      %and3A_2681 = vector.broadcast %and3A_2680 : i32 to vector<1x2048xi32>
      %and3A_2682 = arith.andi %iota3A_620, %and3A_2681 : vector<1x2048xi32>
      %eq3A_2683 = arith.constant 0 : i32
      %eq3A_2684 = vector.broadcast %eq3A_2683 : i32 to vector<1x2048xi32>
      %eq3A_2685 = arith.cmpi eq, %and3A_2682, %eq3A_2684 : vector<1x2048xi32>
      %and3A_2686 = arith.constant 2048 : i32
      %and3A_2687 = vector.broadcast %and3A_2686 : i32 to vector<1x2048xi32>
      %and3A_2688 = arith.andi %iota3A_620, %and3A_2687 : vector<1x2048xi32>
      %eq3A_2689 = arith.constant 0 : i32
      %eq3A_2690 = vector.broadcast %eq3A_2689 : i32 to vector<1x2048xi32>
      %eq3A_2691 = arith.cmpi eq, %and3A_2688, %eq3A_2690 : vector<1x2048xi32>
      %xor3A_2692 = arith.xori %eq3A_2685, %eq3A_2691 : vector<1x2048xi1>
      %min3A_2693 = arith.minsi %select_n3A_2665, %select_n3A_2679 : vector<64x2048xi32>
      %max3A_2694 = arith.maxsi %select_n3A_2665, %select_n3A_2679 : vector<64x2048xi32>
      %broadcast_in_dim3A_2695 = vector.shape_cast %xor3A_2692 : vector<1x2048xi1> to vector<1x2048xi1>
      %broadcast_in_dim3A_2696 = vector.broadcast %broadcast_in_dim3A_2695 : vector<1x2048xi1> to vector<64x2048xi1>
      %select_n3A_2697 = arith.select %broadcast_in_dim3A_2696, %min3A_2693, %max3A_2694 : vector<64x2048xi1>, vector<64x2048xi32>
      %iota3A_2698 = tpu.iota {dimensions = array<i32: 1>} : vector<1x2048xi32>
      %and3A_2699 = arith.constant 1 : i32
      %and3A_2700 = vector.broadcast %and3A_2699 : i32 to vector<1x2048xi32>
      %and3A_2701 = arith.andi %iota3A_2698, %and3A_2700 : vector<1x2048xi32>
      %eq3A_2702 = arith.constant 0 : i32
      %eq3A_2703 = vector.broadcast %eq3A_2702 : i32 to vector<1x2048xi32>
      %eq3A_2704 = arith.cmpi eq, %and3A_2701, %eq3A_2703 : vector<1x2048xi32>
      %roll3A_2705 = arith.constant 2047 : i32
      %roll3A_2706 = tpu.dynamic_rotate %select_n3A_2697 by %roll3A_2705 dim 1 : vector<64x2048xi32>, i32 -> vector<64x2048xi32>
      %roll3A_2707 = arith.constant 1 : i32
      %roll3A_2708 = tpu.dynamic_rotate %select_n3A_2697 by %roll3A_2707 dim 1 : vector<64x2048xi32>, i32 -> vector<64x2048xi32>
      %broadcast_in_dim3A_2709 = vector.shape_cast %eq3A_2704 : vector<1x2048xi1> to vector<1x2048xi1>
      %broadcast_in_dim3A_2710 = vector.broadcast %broadcast_in_dim3A_2709 : vector<1x2048xi1> to vector<64x2048xi1>
      %select_n3A_2711 = arith.select %broadcast_in_dim3A_2710, %roll3A_2706, %roll3A_2708 : vector<64x2048xi1>, vector<64x2048xi32>
      %and3A_2712 = arith.constant 1 : i32
      %and3A_2713 = vector.broadcast %and3A_2712 : i32 to vector<1x2048xi32>
      %and3A_2714 = arith.andi %iota3A_620, %and3A_2713 : vector<1x2048xi32>
      %eq3A_2715 = arith.constant 0 : i32
      %eq3A_2716 = vector.broadcast %eq3A_2715 : i32 to vector<1x2048xi32>
      %eq3A_2717 = arith.cmpi eq, %and3A_2714, %eq3A_2716 : vector<1x2048xi32>
      %and3A_2718 = arith.constant 2048 : i32
      %and3A_2719 = vector.broadcast %and3A_2718 : i32 to vector<1x2048xi32>
      %and3A_2720 = arith.andi %iota3A_620, %and3A_2719 : vector<1x2048xi32>
      %eq3A_2721 = arith.constant 0 : i32
      %eq3A_2722 = vector.broadcast %eq3A_2721 : i32 to vector<1x2048xi32>
      %eq3A_2723 = arith.cmpi eq, %and3A_2720, %eq3A_2722 : vector<1x2048xi32>
      %xor3A_2724 = arith.xori %eq3A_2717, %eq3A_2723 : vector<1x2048xi1>
      %min3A_2725 = arith.minsi %select_n3A_2697, %select_n3A_2711 : vector<64x2048xi32>
      %max3A_2726 = arith.maxsi %select_n3A_2697, %select_n3A_2711 : vector<64x2048xi32>
      %broadcast_in_dim3A_2727 = vector.shape_cast %xor3A_2724 : vector<1x2048xi1> to vector<1x2048xi1>
      %broadcast_in_dim3A_2728 = vector.broadcast %broadcast_in_dim3A_2727 : vector<1x2048xi1> to vector<64x2048xi1>
      %select_n3A_2729 = arith.select %broadcast_in_dim3A_2728, %min3A_2725, %max3A_2726 : vector<64x2048xi1>, vector<64x2048xi32>
      %slice3A = vector.extract_strided_slice %select_n3A_2729 {offsets = [0, 0], sizes = [32, 2048], strides = [1, 1]} : vector<64x2048xi32> to vector<32x2048xi32>
      %and3A_2730 = arith.constant 2047 : i32
      %and3A_2731 = vector.broadcast %and3A_2730 : i32 to vector<32x2048xi32>
      %and3A_2732 = arith.andi %slice3A, %and3A_2731 : vector<32x2048xi32>
      %sub3A_2733 = arith.constant 2047 : i32
      %sub3A_2734 = vector.broadcast %sub3A_2733 : i32 to vector<32x2048xi32>
      %sub3A_2735 = arith.subi %sub3A_2734, %and3A_2732 : vector<32x2048xi32>
      %swap3A_2736 = arith.constant 0 : index
      %swap3A_2737 = arith.constant 0 : index
      %swap3A_2738 = vector.load %arg4[%swap3A_2736, %swap3A_2737] : memref<32x2048xi32, #tpu.memory_space<vmem>>, vector<32x2048xi32>
      tpu.vector_store %arg4[%swap3A_2736, %swap3A_2737], %sub3A_2735 {strides = array<i32>} : memref<32x2048xi32, #tpu.memory_space<vmem>>, vector<32x2048xi32>,
      %slice3A_2739 = vector.extract_strided_slice %select_n3A_2729 {offsets = [32, 0], sizes = [32, 2048], strides = [1, 1]} : vector<64x2048xi32> to vector<32x2048xi32>
      %bitcast_convert_type3A_2740 = tpu.bitcast %slice3A_2739 : vector<32x2048xi32> -> vector<32x2048xf32>
      %swap3A_2741 = arith.constant 0 : index
      %swap3A_2742 = arith.constant 0 : index
      %swap3A_2743 = vector.load %arg5[%swap3A_2741, %swap3A_2742] : memref<32x2048xf32, #tpu.memory_space<vmem>>, vector<32x2048xf32>
      tpu.vector_store %arg5[%swap3A_2741, %swap3A_2742], %bitcast_convert_type3A_2740 {strides = array<i32>} : memref<32x2048xf32, #tpu.memory_space<vmem>>, vector<32x2048xf32>,
    } else {
    }
    return
  }
  func.func @transform_0(%arg0: i32) -> (i32, i32) {
    %c0_i32 = arith.constant 0 : i32
    %c0_i32_0 = arith.constant 0 : i32
    return %arg0, %c0_i32 : i32, i32
  }
  func.func @transform_1(%arg0: i32) -> (i32, i32) {
    %c0_i32 = arith.constant 0 : i32
    %c0_i32_0 = arith.constant 0 : i32
    return %arg0, %c0_i32 : i32, i32
  }
  func.func @transform_2(%arg0: i32) -> (i32, i32) {
    %c0_i32 = arith.constant 0 : i32
    %c0_i32_0 = arith.constant 0 : i32
    %c0_i32_1 = arith.constant 0 : i32
    return %c0_i32, %c0_i32_0 : i32, i32
  }
  func.func @transform_3(%arg0: i32) -> (i32, i32) {
    %c0_i32 = arith.constant 0 : i32
    %c0_i32_0 = arith.constant 0 : i32
    %c0_i32_1 = arith.constant 0 : i32
    return %c0_i32, %c0_i32_0 : i32, i32
  }
  func.func @transform_4(%arg0: i32) -> (i32, i32) {
    %c0_i32 = arith.constant 0 : i32
    %c0_i32_0 = arith.constant 0 : i32
    %c0_i32_1 = arith.constant 0 : i32
    return %c0_i32, %c0_i32_0 : i32, i32
  }
  func.func @transform_5(%arg0: i32) -> (i32, i32) {
    %c0_i32 = arith.constant 0 : i32
    %c0_i32_0 = arith.constant 0 : i32
    %c0_i32_1 = arith.constant 0 : i32
    return %c0_i32, %c0_i32_0 : i32, i32
  }
}

</mosaic_0001>

<sc_bundles>
// kernel: kernel.4.cloned.1.call-start
scs
__scs_entry_jumppad:
0x0: {  	(pc) =	sbr.rel $0x88, $3  }
0x1: {  	(tag) =	ssettag $0x0;
	lr =	simm.s32 $0x1  }
0x2: {  	[smem:$0x3F9E] =	sst lr;
	_ =	strace $0xD0000000  }
0x3: {  	_ = 	snop  }
0x4: {  	_ = 	snop  }
0x5: {  	_ = 	snop  }
0x6: {  	_ = 	snop  }
0x7: {  	_ = 	snop  }
__scs_overlays_trampoline_lowered:
0x8: {  	[smem:$0x3FAD] =	sst s0  }
0x9: {  	[smem:$0x3FAE] =	sst s1  }
0xa: {  	[smem:$0x3FAF] =	sst s2  }
0xb: {  	[smem:$0x3FB0] =	sst s3  }
0xc: {  	[smem:$0x3FB1] =	sst s4  }
0xd: {  	[smem:$0x3FB2] =	sst s5  }
0xe: {  	[smem:$0x3FB3] =	sst s6  }
0xf: {  	[smem:$0x3FB4] =	sst s7  }
0x10: {  	[smem:$0x3FB5] =	sst s8  }
0x11: {  	[smem:$0x3FB6] =	sst s9;
	s0 =	simm.s32 @!p0 $0x0  }
0x12: {  	s1 =	sld [smem:$0x3F9C];
	s0 =	simm.s32 @p0 $0x1  }
0x13: {  	[smem:$0x3FB7] =	sst s0;
	s0 =	simm.s32 @!p1 $0x0  }
0x14: {  	s2 =	sld [smem:$0x3F9B];
	s0 =	simm.s32 @p1 $0x1  }
0x15: {  	[smem:$0x3FB8] =	sst s0;
	s0 =	simm.s32 @!p2 $0x0  }
0x16: {  	s3 =	sld [smem:$0x3FDB];
	s0 =	simm.s32 @p2 $0x1  }
0x17: {  	s4 =	simm.s32 $0x1BF5;
	[smem:$0x3FBA] =	sst s0  }
0x18: {  	s0 =	sld [smem:$0x3F9D];
	_ =	swait.ge [sflag:s4], $0x0  }
0x19: {  	s7 =	sld [smem:$0x3F9E]  }
0x1a: {  	s8 =	sadd.s32 $0xFFFFE003, lr  }
0x1b: {  	s9 =	sadd.s32 $0xFFFFFEF7, lr;
	s5 =	simm.s32 $0xFFFFFFFF;
	p2 =	slt.u32 s8, $0xFFFFF086  }
0x1c: {  	p1 =	slt.u32 s9, $0xF7A;
	s5 =	simm.s32 @!p2 $0x0  }
0x1d: {  	s5 =	simm.s32 @p1 $0x1;
	p0 =	seq.s32 s7, s2  }
0x1e: {  	s7 =	smul.u32 @!p0 $0xF7A, s2;
	p2 =	seq.s32 @!p0 s5, $0x0  }
0x1f: {  	s9 =	smul.u32 $0xF7A, s1;
	s8 =	simm.s32 @!p0 $0x1BF5;
	p2 =	por !p2, p0  }
0x20: {  	[sflag:s8] =	ssyncset.s32 @!p0 $0xFFFFF086;
	s6 =	sadd.s32 @!p0 s3, s7;
	s7 =	simm.s32 @!p0 $0x108  }
0x21: {  	s3 =	sadd.s32 s3, s9;
	s6 =	sadd.s32 @!p0 $0x88, s6;
	s7 =	simm.s32 @p2 $0x1082  }
0x22: {  	[simem:s7], [sflag:s8] =	dma.local @!p0 [hbm:s6], $0xF7A  }
0x23: {  	s9 =	sor.u32 $0xD0000000, s2;
	s6 =	simm.s32 $0x108;
	_ =	swait.ge @!p0 [sflag:s8], $0x0  }
0x24: {  	s3 =	sadd.s32 $0x88, s3;
	s6 =	simm.s32 @!p1 $0x1082;
	[sflag:s4] =	ssyncset.s32 $0xFFFFF086  }
0x25: {  	[simem:s6], [sflag:s4] =	dma.local [hbm:s3], $0xF7A  }
0x26: {  	[smem:$0x3F9E] =	sst s1;
	(tag) =	ssettag s2;
	_ =	strace s9  }
0x27: {  	s1 =	sld [smem:$0x3FAE]  }
0x28: {  	s2 =	sld [smem:$0x3FAF]  }
0x29: {  	s4 =	sld [smem:$0x3FB1]  }
0x2a: {  	p0 =	seq.s32 s5, $0x0;
	s5 =	sld [smem:$0x3FB2]  }
0x2b: {  	s6 =	sld [smem:$0x3FB3]  }
0x2c: {  	s7 =	sld [smem:$0x3FB4]  }
0x2d: {  	s3 =	simm.s32 $0x108;
	s8 =	sld [smem:$0x3FB5]  }
0x2e: {  	s3 =	simm.s32 @!p0 $0x1082;
	s9 =	sld [smem:$0x3FB6]  }
0x2f: {  	lr =	sadd.s32 s0, s3;
	s0 =	sld [smem:$0x3FAD]  }
0x30: {  	s3 =	sld [smem:$0x3FB0]  }
0x31: {  	[smem:$0x3FB9] =	sst s10  }
0x32: {  	s10 =	sld [smem:$0x3FB7];
	_ =	sdelay $0x3  }
0x33: {  	p0 =	seq.s32 s10, $0x1;
	s10 =	sld [smem:$0x3FB9];
	_ =	sdelay $0x3  }
0x34: {  	[smem:$0x3FB9] =	sst s10  }
0x35: {  	s10 =	sld [smem:$0x3FB8];
	_ =	sdelay $0x3  }
0x36: {  	p1 =	seq.s32 s10, $0x1;
	s10 =	sld [smem:$0x3FB9];
	_ =	sdelay $0x3  }
0x37: {  	[smem:$0x3FB9] =	sst s10  }
0x38: {  	s10 =	sld [smem:$0x3FBA]  }
0x39: {  	_ = 	snop;
	(pc) =	sbr.ind lr, $3  }
0x3a: {  	_ = 	snop  }
0x3b: {  	_ = 	snop  }
0x3c: {  	p2 =	seq.s32 s10, $0x1;
	s10 =	sld [smem:$0x3FB9]  }
0x3d: {  	_ =	shalt  }
0x3e: {  	_ =	shalt  }
0x3f: {  	_ =	shalt  }
0x40: {  	_ =	shalt  }
0x41: {  	_ =	shalt  }
0x42: {  	_ =	shalt  }
0x43: {  	_ =	shalt  }
0x44: {  	_ =	shalt  }
0x45: {  	_ =	shalt  }
0x46: {  	_ =	shalt  }
0x47: {  	_ =	shalt  }
0x48: {  	_ =	shalt  }
0x49: {  	_ =	shalt  }
0x4a: {  	_ =	shalt  }
0x4b: {  	_ =	shalt  }
0x4c: {  	_ =	shalt  }
0x4d: {  	_ =	shalt  }
0x4e: {  	_ =	shalt  }
0x4f: {  	_ =	shalt  }
0x50: {  	_ =	shalt  }
0x51: {  	_ =	shalt  }
0x52: {  	_ =	shalt  }
0x53: {  	_ =	shalt  }
0x54: {  	_ =	shalt  }
0x55: {  	_ =	shalt  }
0x56: {  	_ =	shalt  }
0x57: {  	_ =	shalt  }
0x58: {  	_ =	shalt  }
0x59: {  	_ =	shalt  }
0x5a: {  	_ =	shalt  }
0x5b: {  	_ =	shalt  }
0x5c: {  	_ =	shalt  }
0x5d: {  	_ =	shalt  }
0x5e: {  	_ =	shalt  }
0x5f: {  	_ =	shalt  }
0x60: {  	_ =	shalt  }
0x61: {  	_ =	shalt  }
0x62: {  	_ =	shalt  }
0x63: {  	_ =	shalt  }
0x64: {  	_ =	shalt  }
0x65: {  	_ =	shalt  }
0x66: {  	_ =	shalt  }
0x67: {  	_ =	shalt  }
0x68: {  	_ =	shalt  }
0x69: {  	_ =	shalt  }
0x6a: {  	_ =	shalt  }
0x6b: {  	_ =	shalt  }
0x6c: {  	_ =	shalt  }
0x6d: {  	_ =	shalt  }
0x6e: {  	_ =	shalt  }
0x6f: {  	_ =	shalt  }
0x70: {  	_ =	shalt  }
0x71: {  	_ =	shalt  }
0x72: {  	_ =	shalt  }
0x73: {  	_ =	shalt  }
0x74: {  	_ =	shalt  }
0x75: {  	_ =	shalt  }
0x76: {  	_ =	shalt  }
0x77: {  	_ =	shalt  }
0x78: {  	_ =	shalt  }
0x79: {  	_ =	shalt  }
0x7a: {  	_ =	shalt  }
0x7b: {  	_ =	shalt  }
0x7c: {  	_ =	shalt  }
0x7d: {  	_ =	shalt  }
0x7e: {  	_ =	shalt  }
0x7f: {  	_ =	shalt  }
0x80: {  	_ =	shalt  }
0x81: {  	_ =	shalt  }
0x82: {  	_ =	shalt  }
0x83: {  	_ =	shalt  }
0x84: {  	_ =	shalt  }
0x85: {  	_ =	shalt  }
0x86: {  	_ =	shalt  }
0x87: {  	_ =	shalt  }
.Lfunc_end0:
.L_simem_size_0:
called_computation_lowered:
.L_overlay_start_0:
0x88: {  	s2 =	sld [smem:$0x3FD9]  }
0x89: {  	s3 =	sld [smem:$0x3FFE];
	_ =	sdelay $0x1  }
0x8a: {  	s1 =	srdreg.scid  }
0x8b: {  	s0 =	sand.u32 $0x1, s1  }
0x8c: {  	s16 =	sshll.u32 s0, $0xA;
	s2 =	sadd.s32 s3, s2  }
0x8d: {  	s2 =	sadd.s32 s2, s16  }
0x8e: {  	[smem:$0x3FC5] =	sst s2  }
0x8f: {  	_ = 	snop  }
0x90: {  	(tm) =	ssettm $0x1  }
0x91: {  	s17 =	sld [smem:$0x3FFB];
	_ =	sdelay $0x3  }
0x92: {  	_ =	strace s17  }
0x93: {  	s2 =	sld [smem:$0x3FFC];
	_ =	sdelay $0x3  }
0x94: {  	_ =	strace s2  }
0x95: {  	s2 =	sld [smem:$0x3FFD];
	_ =	sdelay $0x3  }
0x96: {  	_ =	strace s2  }
0x97: {  	_ =	strace $0x8FFFFFFF  }
0x98: {  	s18 =	sld [smem:$0x3FDB];
	_ =	sdelay $0x1  }
0x99: {  	s19 =	simm.s32 $_scs_section_size  }
0x9a: {  	s4 =	simm.s32 $_size__tile_overlayer_lowered;
	s5 =	simm.s32 $_tile_overlayer_lowered  }
0x9b: {  	s22 =	simm.s32 $0x1BFF;
	s21 =	sshll.u32 s5, $0x1;
	s2 =	sadd.s32 s19, s18  }
0x9c: {  	s6 =	simm.s32 $0x0;
	s20 =	sshll.u32 s4, $0x1;
	s4 =	sadd.s32 s21, s2  }
0x9d: {  	[timem:s6], [sflag:s22] =	dma.local [hbm:s4], s20  }
0x9e: {  	_ =	swait.ge [sflag:s22], s20  }
0x9f: {  	s3 =	ssub.s32 $0x0, s20;
	[sflag:s22] =	ssyncset.done $0x0  }
0xa0: {  	[sflag:s22] =	ssyncadd.s32 s3;
	_ =	sdelay $0x1  }
0xa1: {  	s23 =	simm.s32 $0x1B8B  }
0xa2: {  	_ =	swait.ge [sflag:s23], $0x1  }
0xa3: {  	[sflag:s23] =	ssyncset.done $0x0  }
0xa4: {  	s25 =	simm.s32 $0x1B8E;
	s24 =	sld [smem:$0x3FFE];
	[sflag:s23] =	ssyncadd.s32 $0xFFFFFFFF  }
0xa5: {  	s26 =	simm.s32 $execute0_lowered;
	[smem:$0x3FD2] =	sst s25  }
0xa6: {  	s4 =	sshll.u32 s26, $0x1;
	_ =	strace $0x80000046;
	[dreg:$0x1] =	wrdreg $0xFFFFFFFF  }
0xa7: {  	s28 =	simm.s32 $_size_execute0_lowered;
	s2 =	sadd.s32 s2, s4;
	[dreg:$0x0] =	wrdreg $0x0  }
0xa8: {  	s4 =	sshll.u32 s28, $0x1;
	[dreg:$0x2] =	wrdreg s2  }
0xa9: {  	[dreg:$0x3] =	wrdreg s4  }
0xaa: {  	[dreg:$0x4] =	wrdreg $0xC0  }
0xab: {  	_ =	task [dreg:s6], $0x5FFFF  }
0xac: {  	[dreg:$0x1] =	wrdreg $0xFFFFFFFF  }
0xad: {  	[dreg:$0x0] =	wrdreg $0x60  }
0xae: {  	[dreg:$0x2] =	wrdreg s24  }
0xaf: {  	[dreg:$0x3] =	wrdreg $0x9  }
0xb0: {  	_ =	task.clear_ibuf [dreg:s6], $0x4FFFF;
	_ =	strace $0x90000046  }
0xb1: {  	s29 =	simm.s32 $0x9;
	_ =	strace $0x80000048  }
0xb2: {  	_ =	swait.ge [sflag:s29], $0x1  }
0xb3: {  	[sflag:s29] =	ssyncadd.s32 $0xFFFFFFFF  }
0xb4: {  	_ =	strace $0x90000048  }
0xb5: {  	_ =	sfence  }
0xb6: {  	s30 =	sld [smem:$0x0];
	_ =	sdelay $0x2  }
0xb7: {  	s31 =	sshll.u32 s1, $0xD;
	s1 =	sshrl.u32 s1, $0x2  }
0xb8: {  	s3 =	sand.u32 $0x4000, s31;
	s1 =	sadd.s32 s1, s30  }
0xb9: {  	s0 =	sor.u32 s3, s0;
	s1 =	sshll.u32 s1, $0x11  }
0xba: {  	s0 =	sor.u32 s1, s0  }
0xbb: {  	s0 =	sadd.s32 $0x8F2B, s0  }
0xbc: {  	[sflag:s0] =	ssyncadd.remote.s32 $0x1  }
0xbd: {  	_ =	sfence.sel $0xFFFF  }
0xbe: {  	[dreg:$0x0] =	wrdreg $0xFFFFFFFF;
	(pc) =	sbr.abs _section_cstart, $3  }
0xbf: {  	[dreg:$0x1] =	wrdreg $0xFFFFFFFF  }
0xc0: {  	_ =	task.clear_ibuf [dreg:s6], $0x2FFFF;
	_ =	strace $0x9FFFFFFF  }
0xc1: {  	(tm) =	ssettm $0x7FFFFFFF  }
tec
execute0_lowered:
.L_overlay_start_1:
0x0: {  	(tag) =	ssettag $0x1  }
0x1: {  	s3 =	rddreg [dreg:$0x0]  }
0x2: {  	s0 =	rddreg [dreg:$0x1];
	s2 =	simm.s32 $0x0  }
0x3: {  	s4 =	srdreg.scid;
	s1 =	stileid.u32;
	s9 =	simm.s32 $0x400  }
0x4: {  	s10 =	simm.s32 $0x1;
	s11 =	simm.s32 $0x800;
	s12 =	simm.s32 $0x1000  }
0x5: {  	s13 =	simm.s32 $0x1800;
	s14 =	simm.s32 $0x0;
	[smem:$0x7FF] =	sst s2  }
0x6: {  	s4 =	sand.u32 $0x1, s4;
	s5 =	sshll.u32 s1, $0x8;
	s6 =	sshrl.u32 s1, $0x2  }
0x7: {  	_ =	strace $0x80000047;
	s7 =	sshll.u32 s4, $0x7;
	s5 =	sand.u32 $0x300, s5  }
0x8: {  	s29 =	sshll.u32 s6, $0xE;
	s6 =	sshll.u32 s6, $0xA;
	s5 =	sor.u32 s7, s5  }
0x9: {  	s4 =	ssub.s32 $0x2, s4;
	s7 =	sor.u32 s29, s5;
	s5 =	sor.u32 s6, s5  }
0xa: {  	s31 =	sshrl.u32 s4, $0x1;
	s30 =	sshrl.u32 s7, $0x3;
	s5 =	sshrl.u32 s5, $0x3  }
0xb: {  	s7 =	ssub.s32 s4, s31;
	s6 =	sadd.s32 s30, s3;
	s8 =	sadd.s32 s5, s3  }
0xc: {  	s7 =	smax.u32 s7, $0x1;
	s3 =	sadd.s32 $0xA00, s6;
	s4 =	sadd.s32 $0x2A00, s6  }
0xd: {  	s5 =	sadd.s32 $0x4A00, s6;
	s6 =	sadd.s32 $0x6A00, s8;
	s8 =	simm.s32 $0x80  }
.LBB2_1:
0xe: {  	[tilespmem:s2], [sflag:$0x1] =	stream.strided.gather [hbm4b:s3+s8], $0x800, s9, s8, $0x38;
	[tilespmem:$0x1880] =	vst v63  }
0xf: {  	_ =	swait.ge [sflag:s10], $0x800  }
0x10: {  	[sflag:s10] =	ssyncset.done $0x0  }
0x11: {  	[sflag:s10] =	ssyncadd.s32 $0xFFFFF800  }
0x12: {  	[tilespmem:s11], [sflag:$0x1] =	stream.strided.gather [hbm4b:s4+s8], $0x800, s9, s8, $0x38;
	[tilespmem:$0x1880] =	vst v63  }
0x13: {  	_ =	swait.ge [sflag:s10], $0x800  }
0x14: {  	[sflag:s10] =	ssyncset.done $0x0  }
0x15: {  	[sflag:s10] =	ssyncadd.s32 $0xFFFFF800  }
0x16: {  	[tilespmem:s12], [sflag:$0x1] =	stream.strided.gather [hbm4b:s5+s8], $0x800, s9, s8, $0x38;
	[tilespmem:$0x1880] =	vst v63  }
0x17: {  	_ =	swait.ge [sflag:s10], $0x800  }
0x18: {  	[sflag:s10] =	ssyncset.done $0x0  }
0x19: {  	s15 =	simm.s32 $0x0;
	[sflag:s10] =	ssyncadd.s32 $0xFFFFF800  }
0x1a: {  	v0 =	vld [tilespmem:s15+$0x800];
	_ =	sdelay $0x5  }
0x1b: {  	s31 =	simm.s32 $0x10;
	v1 =	vld [tilespmem:s15+$0x1000]  }
0x1c: {  	v3 =	vld [tilespmem:s31+$0x800]  }
0x1d: {  	v0 =	vld.idx.msk [tilespmem:v0+s2+$0x0], $0xffff;
	_ =	sdelay $0x4  }
0x1e: {  	v2 =	vsub.f32 v1, v0;
	_ =	sdelay $0x1  }
0x1f: {  	v3 =	vld.idx.msk [tilespmem:v3+s2+$0x0], $0xffff;
	v2 =	vmul.f32 v2, v2  }
0x20: {  	s16 =	simm.s32 $0xC0;
	s15 =	simm.s32 $0x20;
	v1 =	vld [tilespmem:s31+$0x1000];
	v0 =	vimm.f32 $0.0e+00  }
.LBB2_2:
0x21: {  	p0 =	sne.s32 s16, $0x1FC0;
	v4 =	vld [tilespmem:s15+$0x800];
	v0 =	vadd.f32 v2, v0;
	_ =	sdelay $0x3  }
.Ltmp0:
0x22: {  	(pc) =	sbr.rel @p0 .LBB2_2-.Ltmp0, $3  }
0x23: {  	v2 =	vsub.f32 v1, v3;
	_ =	sdelay $0x1  }
0x24: {  	v2 =	vmul.f32 v2, v2;
	v1 =	vld [tilespmem:s15+$0x1000]  }
0x25: {  	s15 =	sshra.s32 s16, $0x2;
	s16 =	sadd.s32 $0x40, s16;
	v3 =	vld.idx.msk [tilespmem:v4+s2+$0x0], $0xffff  }
0x26: {  	v4 =	vld [tilespmem:s15+$0x800];
	_ =	sdelay $0x6  }
0x27: {  	v5 =	vld [tilespmem:s15+$0x1000]  }
0x28: {  	v4 =	vld.idx.msk [tilespmem:v4+s2+$0x0], $0xffff;
	_ =	sdelay $0x2  }
0x29: {  	v1 =	vsub.f32 v1, v3;
	_ =	sdelay $0x1  }
0x2a: {  	v0 =	vadd.f32 v2, v0;
	v1 =	vmul.f32 v1, v1;
	v62 =	vsub.f32 v5, v4;
	_ =	sdelay $0x1  }
0x2b: {  	v0 =	vadd.f32 v1, v0;
	v63 =	vmul.f32 v62, v62;
	_ =	sdelay $0x1  }
0x2c: {  	s14 =	sadd.s32 $0x1, s14;
	v0 =	vadd.f32 v63, v0  }
0x2d: {  	p0 =	sne.s32 s14, s7  }
.Ltmp1:
0x2e: {  	[tilespmem:$0x1800] =	vst v0;
	(pc) =	sbr.rel @p0 .LBB2_1-.Ltmp1, $4  }
0x2f: {  	[hbm4b:s6+s2] =	stream.linear.scatter [tilespmem:s13], [sflag:$0x1], $0x80, $0x38;
	[tilespmem:$0x1880] =	vst v63  }
0x30: {  	_ =	swait.ge [sflag:s10], $0x80  }
0x31: {  	[sflag:s10] =	ssyncset.done $0x0  }
0x32: {  	[sflag:s10] =	ssyncadd.s32 $0xFFFFFF80  }
0x33: {  	_ =	sfence.sel $0x180000  }
0x34: {  	[bflag:$0x0] =	sbarrier.arrive $0xFFFF  }
0x35: {  	p0 =	sne.s32 s1, $0x0;
	_ =	strace $0x90000047  }
0x36: {  	s0 =	sadd.s32 @!p0 $0x100000, s0;
	[bflag:$0x2] =	sbarrier.arrive $0xFFFF  }
0x37: {  	[sflag:s0] =	ssyncadd.tile.s32 @!p0 $0x1;
	_ =	shalt  }
.Lfunc_end2:
_tile_overlayer_lowered:
.L_overlay_start_2:
0x38: {  	(tag) =	ssettag $0x2  }
0x39: {  	s0 =	rddreg [dreg:$0x0];
	s2 =	stileid.u32  }
0x3a: {  	s1 =	rddreg [dreg:$0x1];
	p0 =	sne.s32 s2, $0x0  }
0x3b: {  	s3 =	rddreg [dreg:$0x2];
	[bflag:$0x3] =	sbarrier.arrive $0xFFFF;
	s2 =	simm.s32 @!p0 $0x1C01  }
0x3c: {  	[timem:s3], [sflag:s2] =	dma.local @!p0 [hbm:s0], s1  }
0x3d: {  	s0 =	simm.s32 @!p0 $0x1  }
0x3e: {  	_ =	swait.ge @!p0 [sflag:s0], s1  }
0x3f: {  	s1 =	ssub.s32 @!p0 $0x0, s1;
	[sflag:s0] =	ssyncset.done @!p0 $0x0  }
0x40: {  	[sflag:s0] =	ssyncadd.s32 @!p0 s1  }
0x41: {  	[bflag:$0x3] =	sbarrier.arrive $0xFFFF  }
0x42: {  	_ =	shalt  }

</sc_bundles>
